<compile_context>
chip_gen: v7x
topology: tpu7x:2x2x1
jax: 0.10.2.dev20260603
libtpu: 0.0.44.dev20260713+nightly
codegen_flags: <defaults>
</compile_context>

<pallas_src>
import functools

import jax
import jax.numpy as jnp
from jax import lax
from jax.experimental import pallas as pl
from jax.experimental.pallas import tpu as pltpu
from jax.experimental.pallas import tpu_sc as plsc

MAX_LEN = 8192
EMB = 64

NC = 2
NS = 16
NW = NC * NS
LANES = 16


def _fuse_body(w_ref, p_ref, o_ref):
    o_ref[...] = w_ref[...] + p_ref[...]


def _fuse_tables(word_head, pos_table):
    return pl.pallas_call(
        _fuse_body,
        out_shape=jax.ShapeDtypeStruct((MAX_LEN, EMB), jnp.float32),
    )(word_head, pos_table)


def _gather_kernel(B, T):
    assert B % NW == 0
    SLAB = B // NW
    assert SLAB % LANES == 0
    NJ = SLAB // LANES
    assert T % 2 == 0
    pairs = T // 2

    mesh = plsc.VectorSubcoreMesh(core_axis_name="c", subcore_axis_name="s")

    TPAD = SLAB + 1

    @functools.partial(
        pl.kernel,
        out_type=jax.ShapeDtypeStruct((T * 8, NW, 8, SLAB), jnp.float32),
        mesh=mesh,
        scratch_types=[
            pltpu.VMEM((SLAB, T), jnp.int32),
            pltpu.VMEM((T, SLAB), jnp.int32),
            pltpu.VMEM((SLAB, EMB), jnp.float32),
            pltpu.VMEM((SLAB, EMB), jnp.float32),
            pltpu.VMEM((8, 8, TPAD), jnp.float32),
            pltpu.VMEM((8, 8, TPAD), jnp.float32),
            pltpu.SemaphoreType.DMA,
            pltpu.SemaphoreType.DMA,
            pltpu.SemaphoreType.DMA,
            pltpu.SemaphoreType.DMA,
        ],
        compiler_params=pltpu.CompilerParams(use_tc_tiling_on_sc=False,
                                             needs_layout_passes=False),
    )
    def k(idx_hbm, table_hbm, out_hbm, idx_raw, idx_t, gbuf_a, gbuf_b,
          tbuf_a, tbuf_b, gsem_a, gsem_b, osem_a, osem_b):
        wid = lax.axis_index("s") * NC + lax.axis_index("c")
        b0 = wid * SLAB
        pltpu.sync_copy(idx_hbm.at[pl.ds(b0, SLAB)], idx_raw)

        iota = lax.iota(jnp.int32, LANES)
        rows = [iota + (LANES * j) for j in range(NJ)]

        def idx_transpose(t, _):
            tv = jnp.full((LANES,), t, jnp.int32)
            for j in range(NJ):
                v = plsc.load_gather(idx_raw, [rows[j], tv])
                plsc.store_scatter(idx_t, [tv, rows[j]], v)
            return 0

        lax.fori_loop(0, T, idx_transpose, 0)

        def fire_gather(gbuf, t, sem):
            pltpu.async_copy(table_hbm.at[idx_t.at[t]], gbuf, sem)

        def wait_gather(gbuf, sem):
            pltpu.make_async_copy(table_hbm.at[pl.ds(0, SLAB)], gbuf,
                                  sem).wait()

        NK = EMB // LANES
        erows = [iota + (LANES * k) for k in range(NK)]
        ehis = [(iota + LANES * k) // 8 for k in range(NK)]
        elos = [(iota + LANES * k) % 8 for k in range(NK)]

        def transpose(gbuf, tbuf):
            @plsc.parallel_loop(0, SLAB // 8, unroll=2)
            def chunk(i):
                b_base = i * 8
                for bb in range(8):
                    b = b_base + bb
                    bv = jnp.full((LANES,), b, jnp.int32)
                    for k in range(NK):
                        v = gbuf[b, pl.ds(LANES * k, LANES)]
                        plsc.store_scatter(tbuf, [ehis[k], elos[k], bv], v)

        def out_copy(tbuf, t, sem):
            return pltpu.make_async_copy(
                tbuf.at[:, :, pl.ds(0, SLAB)],
                out_hbm.at[pl.ds(t * 8, 8), wid], sem)

        fire_gather(gbuf_a, 0, gsem_a)
        fire_gather(gbuf_b, 1, gsem_b)

        def pair(i, _):
            t_a = 2 * i
            t_b = 2 * i + 1

            wait_gather(gbuf_a, gsem_a)

            @pl.when(i > 0)
            def _():
                out_copy(tbuf_a, t_a - 2, osem_a).wait()

            transpose(gbuf_a, tbuf_a)
            out_copy(tbuf_a, t_a, osem_a).start()

            @pl.when(i < pairs - 1)
            def _():
                fire_gather(gbuf_a, t_a + 2, gsem_a)

            wait_gather(gbuf_b, gsem_b)

            @pl.when(i > 0)
            def _():
                out_copy(tbuf_b, t_b - 2, osem_b).wait()

            transpose(gbuf_b, tbuf_b)
            out_copy(tbuf_b, t_b, osem_b).start()

            @pl.when(i < pairs - 1)
            def _():
                fire_gather(gbuf_b, t_b + 2, gsem_b)

            return 0

        lax.fori_loop(0, pairs, pair, 0)
        out_copy(tbuf_a, T - 2, osem_a).wait()
        out_copy(tbuf_b, T - 1, osem_b).wait()

    return k


def kernel(X, word_table, pos_table):
    B, T = X.shape
    fused = _fuse_tables(word_table[:MAX_LEN], pos_table)
    out4 = _gather_kernel(B, T)(X, fused)
    y5 = out4.reshape(T, 8, NW, 8, B // NW)
    return jnp.transpose(y5, (2, 4, 0, 1, 3)).reshape(B, T, EMB)

# --- scband reference (transcript-rebuilt; emitter-appended) ---
"""Pipeline reference for scband-transformer-embedding-53876069761385 (READ-ONLY COPY).

The authoritative reference and input builder live on the scoring server;
editing this copy changes nothing except your own understanding.
"""

import jax, jax.numpy as jnp
import numpy as np

VOCAB = 100000
MAX_LEN = 8192
EMB = 64

def _sin_cos_enc(max_length, embedding_size):
    position_enc = np.array([[pos / np.power(10000, 2 * i / embedding_size) for i in range(embedding_size)] for pos in range(max_length)], dtype=np.float32)
    position_enc[:, 0::2] = np.sin(position_enc[:, 0::2])
    position_enc[:, 1::2] = np.cos(position_enc[:, 1::2])
    return jnp.asarray(position_enc)

def setup_inputs(seed: int = 0) -> dict:
    key = jax.random.key(seed)
    k1, k2 = jax.random.split(key)
    X = jax.random.randint(k1, (4096, 200), 0, MAX_LEN, dtype=jnp.int64 if jax.config.jax_enable_x64 else jnp.int32).astype(jnp.int32)
    word_table = jax.random.normal(k2, (VOCAB, EMB), dtype=jnp.float32) * 0.02
    word_table = word_table.at[0].set(0.0)  # padding_idx=0
    pos_table = _sin_cos_enc(MAX_LEN, EMB)
    return {"X": X, "word_table": word_table, "pos_table": pos_table}

def reference(X, word_table, pos_table):
    # word_embedding = self.word_embedding(X)
    word_embedding = jnp.take(word_table, X, axis=0)
    # pos_embedding = self.pos_embedding(X)  (module indexes pos table by token ids)
    pos_embedding = jnp.take(pos_table, X, axis=0)
    return word_embedding + pos_embedding

if __name__ == "__main__":
    import jax
    _d = setup_inputs()
    print(jax.jit(kernel)(*tuple(_d.values())))

</pallas_src>

<mosaic_0001>
#map = affine_map<(d0, d1) -> (0, 0)>
#map1 = affine_map<(d0, d1) -> (0, 0, 0, 0)>
module attributes {stable_mosaic.version = 14 : i64} {
  func.func @k(%arg0: i32, %arg1: i32, %arg2: memref<4096x200xi32, #tpu.memory_space<hbm>>, %arg3: memref<8192x64xf32, #tpu.memory_space<hbm>>, %arg4: memref<1600x32x8x128xf32, #tpu.memory_space<hbm>>, %arg5: memref<128x200xi32, #tpu.memory_space<vmem>>, %arg6: memref<200x128xi32, #tpu.memory_space<vmem>>, %arg7: memref<128x64xf32, #tpu.memory_space<vmem>>, %arg8: memref<128x64xf32, #tpu.memory_space<vmem>>, %arg9: memref<8x8x129xf32, #tpu.memory_space<vmem>>, %arg10: memref<8x8x129xf32, #tpu.memory_space<vmem>>, %arg11: memref<!tpu.dma_semaphore, #tpu.memory_space<semaphore_mem>>, %arg12: memref<!tpu.dma_semaphore, #tpu.memory_space<semaphore_mem>>, %arg13: memref<!tpu.dma_semaphore, #tpu.memory_space<semaphore_mem>>, %arg14: memref<!tpu.dma_semaphore, #tpu.memory_space<semaphore_mem>>) attributes {dimension_semantics = [#tpu.dimension_semantics<core_parallel>, #tpu.dimension_semantics<subcore_parallel>], iteration_bounds = array<i64: 2, 16>, scalar_prefetch = 0 : i64, scratch_operands = 10 : i64, tpu.core_type = #tpu.core_type<sc_vector_subcore>, window_params = [{transform_indices = #map}, {transform_indices = #map}, {transform_indices = #map1}]} {
    %mul3A = arith.constant 2 : i32
    %mul3A_0 = arith.muli %arg1, %mul3A : i32
    %add3A = arith.addi %mul3A_0, %arg0 : i32
    %mul3A_1 = arith.constant 128 : i32
    %mul3A_2 = arith.muli %add3A, %mul3A_1 : i32
    "tpu.region"() ({
      %run_scoped3A = tpu.sem_alloc : memref<!tpu.dma_semaphore, #tpu.memory_space<semaphore_mem>>
      %dma_start3A_326 = arith.constant 0 : i32
      %dma_start3A_327 = tpu.memref_slice %arg2[%mul3A_2, %dma_start3A_326] : memref<4096x200xi32, #tpu.memory_space<hbm>> -> memref<128x200xi32, #tpu.memory_space<hbm>>
      %dma_start3A_328 = arith.constant 0 : i32
      %dma_start3A_329 = tpu.memref_slice %arg2[%mul3A_2, %dma_start3A_328] : memref<4096x200xi32, #tpu.memory_space<hbm>> -> memref<128x200xi32, #tpu.memory_space<hbm>>
      tpu.enqueue_dma source(%dma_start3A_329 : memref<128x200xi32, #tpu.memory_space<hbm>>) target(%arg5 : memref<128x200xi32, #tpu.memory_space<vmem>>) target_semaphore(%run_scoped3A : memref<!tpu.dma_semaphore, #tpu.memory_space<semaphore_mem>>)
      %dma_wait3A_330 = arith.constant 0 : i32
      %dma_wait3A_331 = tpu.memref_slice %arg2[%mul3A_2, %dma_wait3A_330] : memref<4096x200xi32, #tpu.memory_space<hbm>> -> memref<128x200xi32, #tpu.memory_space<hbm>>
      %dma_wait3A_332 = arith.constant 0 : i32
      %dma_wait3A_333 = tpu.memref_slice %arg2[%mul3A_2, %dma_wait3A_332] : memref<4096x200xi32, #tpu.memory_space<hbm>> -> memref<128x200xi32, #tpu.memory_space<hbm>>
      tpu.wait_dma2 semaphore(%run_scoped3A : memref<!tpu.dma_semaphore, #tpu.memory_space<semaphore_mem>>) src(%dma_wait3A_333 : memref<128x200xi32, #tpu.memory_space<hbm>>) dst(%arg5 : memref<128x200xi32, #tpu.memory_space<vmem>>)
      tpu.yield
    }) : () -> ()
    %iota3A = tpu.iota {dimensions = array<i32: 0>} : vector<16xi32>
    %add3A_3 = arith.constant 0 : i32
    %add3A_4 = vector.broadcast %add3A_3 : i32 to vector<16xi32>
    %add3A_5 = arith.addi %iota3A, %add3A_4 : vector<16xi32>
    %add3A_6 = arith.constant 16 : i32
    %add3A_7 = vector.broadcast %add3A_6 : i32 to vector<16xi32>
    %add3A_8 = arith.addi %iota3A, %add3A_7 : vector<16xi32>
    %add3A_9 = arith.constant 32 : i32
    %add3A_10 = vector.broadcast %add3A_9 : i32 to vector<16xi32>
    %add3A_11 = arith.addi %iota3A, %add3A_10 : vector<16xi32>
    %add3A_12 = arith.constant 48 : i32
    %add3A_13 = vector.broadcast %add3A_12 : i32 to vector<16xi32>
    %add3A_14 = arith.addi %iota3A, %add3A_13 : vector<16xi32>
    %add3A_15 = arith.constant 64 : i32
    %add3A_16 = vector.broadcast %add3A_15 : i32 to vector<16xi32>
    %add3A_17 = arith.addi %iota3A, %add3A_16 : vector<16xi32>
    %add3A_18 = arith.constant 80 : i32
    %add3A_19 = vector.broadcast %add3A_18 : i32 to vector<16xi32>
    %add3A_20 = arith.addi %iota3A, %add3A_19 : vector<16xi32>
    %add3A_21 = arith.constant 96 : i32
    %add3A_22 = vector.broadcast %add3A_21 : i32 to vector<16xi32>
    %add3A_23 = arith.addi %iota3A, %add3A_22 : vector<16xi32>
    %add3A_24 = arith.constant 112 : i32
    %add3A_25 = vector.broadcast %add3A_24 : i32 to vector<16xi32>
    %add3A_26 = arith.addi %iota3A, %add3A_25 : vector<16xi32>
    %scan3A = arith.constant 0 : i32
    %scan3A_27 = arith.constant 0 : i32
    %scan3A_28 = arith.constant 200 : i32
    %scan3A_29 = arith.addi %scan3A_27, %scan3A_28 : i32
    %scan3A_30 = arith.constant 1 : i32
    %scan3A_31 = scf.for %scan3A_326 = %scan3A_27 to %scan3A_29 step %scan3A_30 iter_args(%scan3A_327 = %scan3A) -> (i32)  : i32 {
      %broadcast_in_dim3A = vector.broadcast %scan3A_326 : i32 to vector<16xi32>
      %gather3A = tpu.vector_load_idx %arg5[%add3A_5, %broadcast_in_dim3A] : memref<128x200xi32, #tpu.memory_space<vmem>>[vector<16xi32>, vector<16xi32>], vector<16xi32>,
      tpu.vector_store_idx %arg6[%broadcast_in_dim3A, %add3A_5], %gather3A : memref<200x128xi32, #tpu.memory_space<vmem>>[vector<16xi32>, vector<16xi32>], vector<16xi32>,
      %gather3A_328 = tpu.vector_load_idx %arg5[%add3A_8, %broadcast_in_dim3A] : memref<128x200xi32, #tpu.memory_space<vmem>>[vector<16xi32>, vector<16xi32>], vector<16xi32>,
      tpu.vector_store_idx %arg6[%broadcast_in_dim3A, %add3A_8], %gather3A_328 : memref<200x128xi32, #tpu.memory_space<vmem>>[vector<16xi32>, vector<16xi32>], vector<16xi32>,
      %gather3A_329 = tpu.vector_load_idx %arg5[%add3A_11, %broadcast_in_dim3A] : memref<128x200xi32, #tpu.memory_space<vmem>>[vector<16xi32>, vector<16xi32>], vector<16xi32>,
      tpu.vector_store_idx %arg6[%broadcast_in_dim3A, %add3A_11], %gather3A_329 : memref<200x128xi32, #tpu.memory_space<vmem>>[vector<16xi32>, vector<16xi32>], vector<16xi32>,
      %gather3A_330 = tpu.vector_load_idx %arg5[%add3A_14, %broadcast_in_dim3A] : memref<128x200xi32, #tpu.memory_space<vmem>>[vector<16xi32>, vector<16xi32>], vector<16xi32>,
      tpu.vector_store_idx %arg6[%broadcast_in_dim3A, %add3A_14], %gather3A_330 : memref<200x128xi32, #tpu.memory_space<vmem>>[vector<16xi32>, vector<16xi32>], vector<16xi32>,
      %gather3A_331 = tpu.vector_load_idx %arg5[%add3A_17, %broadcast_in_dim3A] : memref<128x200xi32, #tpu.memory_space<vmem>>[vector<16xi32>, vector<16xi32>], vector<16xi32>,
      tpu.vector_store_idx %arg6[%broadcast_in_dim3A, %add3A_17], %gather3A_331 : memref<200x128xi32, #tpu.memory_space<vmem>>[vector<16xi32>, vector<16xi32>], vector<16xi32>,
      %gather3A_332 = tpu.vector_load_idx %arg5[%add3A_20, %broadcast_in_dim3A] : memref<128x200xi32, #tpu.memory_space<vmem>>[vector<16xi32>, vector<16xi32>], vector<16xi32>,
      tpu.vector_store_idx %arg6[%broadcast_in_dim3A, %add3A_20], %gather3A_332 : memref<200x128xi32, #tpu.memory_space<vmem>>[vector<16xi32>, vector<16xi32>], vector<16xi32>,
      %gather3A_333 = tpu.vector_load_idx %arg5[%add3A_23, %broadcast_in_dim3A] : memref<128x200xi32, #tpu.memory_space<vmem>>[vector<16xi32>, vector<16xi32>], vector<16xi32>,
      tpu.vector_store_idx %arg6[%broadcast_in_dim3A, %add3A_23], %gather3A_333 : memref<200x128xi32, #tpu.memory_space<vmem>>[vector<16xi32>, vector<16xi32>], vector<16xi32>,
      %gather3A_334 = tpu.vector_load_idx %arg5[%add3A_26, %broadcast_in_dim3A] : memref<128x200xi32, #tpu.memory_space<vmem>>[vector<16xi32>, vector<16xi32>], vector<16xi32>,
      tpu.vector_store_idx %arg6[%broadcast_in_dim3A, %add3A_26], %gather3A_334 : memref<200x128xi32, #tpu.memory_space<vmem>>[vector<16xi32>, vector<16xi32>], vector<16xi32>,
      %scan3A_335 = arith.constant 0 : i32
      scf.yield %scan3A_335 : i32
    }
    %scan3A_32 = arith.constant 200 : i32
    %add3A_33 = arith.constant 0 : i32
    %add3A_34 = vector.broadcast %add3A_33 : i32 to vector<16xi32>
    %add3A_35 = arith.addi %iota3A, %add3A_34 : vector<16xi32>
    %add3A_36 = arith.constant 16 : i32
    %add3A_37 = vector.broadcast %add3A_36 : i32 to vector<16xi32>
    %add3A_38 = arith.addi %iota3A, %add3A_37 : vector<16xi32>
    %add3A_39 = arith.constant 32 : i32
    %add3A_40 = vector.broadcast %add3A_39 : i32 to vector<16xi32>
    %add3A_41 = arith.addi %iota3A, %add3A_40 : vector<16xi32>
    %add3A_42 = arith.constant 48 : i32
    %add3A_43 = vector.broadcast %add3A_42 : i32 to vector<16xi32>
    %add3A_44 = arith.addi %iota3A, %add3A_43 : vector<16xi32>
    %add3A_45 = arith.constant 0 : i32
    %add3A_46 = vector.broadcast %add3A_45 : i32 to vector<16xi32>
    %add3A_47 = arith.addi %iota3A, %add3A_46 : vector<16xi32>
    %jit3A = arith.constant 8 : i32
    %div3A = vector.broadcast %jit3A : i32 to vector<16xi32>
    %div3A_48 = arith.divsi %add3A_47, %div3A : vector<16xi32>
    %sign3A = arith.constant 0 : i32
    %sign3A_49 = vector.broadcast %sign3A : i32 to vector<16xi32>
    %sign3A_50 = arith.cmpi sgt, %add3A_47, %sign3A_49 : vector<16xi32>
    %sign3A_51 = arith.extui %sign3A_50 : vector<16xi1> to vector<16xi32>
    %sign3A_52 = arith.constant 0 : i32
    %sign3A_53 = vector.broadcast %sign3A_52 : i32 to vector<16xi32>
    %sign3A_54 = arith.cmpi slt, %add3A_47, %sign3A_53 : vector<16xi32>
    %sign3A_55 = arith.extui %sign3A_54 : vector<16xi1> to vector<16xi32>
    %sign3A_56 = arith.subi %sign3A_51, %sign3A_55 : vector<16xi32>
    %sign3A_57 = arith.constant 0 : i32
    %sign3A_58 = arith.cmpi sgt, %jit3A, %sign3A_57 : i32
    %sign3A_59 = arith.extui %sign3A_58 : i1 to i32
    %sign3A_60 = arith.constant 0 : i32
    %sign3A_61 = arith.cmpi slt, %jit3A, %sign3A_60 : i32
    %sign3A_62 = arith.extui %sign3A_61 : i1 to i32
    %sign3A_63 = arith.subi %sign3A_59, %sign3A_62 : i32
    %ne3A = vector.broadcast %sign3A_63 : i32 to vector<16xi32>
    %ne3A_64 = arith.cmpi ne, %sign3A_56, %ne3A : vector<16xi32>
    %rem3A = vector.broadcast %jit3A : i32 to vector<16xi32>
    %rem3A_65 = arith.remsi %add3A_47, %rem3A : vector<16xi32>
    %ne3A_66 = arith.constant 0 : i32
    %ne3A_67 = vector.broadcast %ne3A_66 : i32 to vector<16xi32>
    %ne3A_68 = arith.cmpi ne, %rem3A_65, %ne3A_67 : vector<16xi32>
    %and3A = arith.andi %ne3A_64, %ne3A_68 : vector<16xi1>
    %sub3A = arith.constant 1 : i32
    %sub3A_69 = vector.broadcast %sub3A : i32 to vector<16xi32>
    %sub3A_70 = arith.subi %div3A_48, %sub3A_69 : vector<16xi32>
    %select_n3A = arith.select %and3A, %sub3A_70, %div3A_48 : vector<16xi1>, vector<16xi32>
    %add3A_71 = arith.constant 16 : i32
    %add3A_72 = vector.broadcast %add3A_71 : i32 to vector<16xi32>
    %add3A_73 = arith.addi %iota3A, %add3A_72 : vector<16xi32>
    %jit3A_74 = arith.constant 8 : i32
    %div3A_75 = vector.broadcast %jit3A_74 : i32 to vector<16xi32>
    %div3A_76 = arith.divsi %add3A_73, %div3A_75 : vector<16xi32>
    %sign3A_77 = arith.constant 0 : i32
    %sign3A_78 = vector.broadcast %sign3A_77 : i32 to vector<16xi32>
    %sign3A_79 = arith.cmpi sgt, %add3A_73, %sign3A_78 : vector<16xi32>
    %sign3A_80 = arith.extui %sign3A_79 : vector<16xi1> to vector<16xi32>
    %sign3A_81 = arith.constant 0 : i32
    %sign3A_82 = vector.broadcast %sign3A_81 : i32 to vector<16xi32>
    %sign3A_83 = arith.cmpi slt, %add3A_73, %sign3A_82 : vector<16xi32>
    %sign3A_84 = arith.extui %sign3A_83 : vector<16xi1> to vector<16xi32>
    %sign3A_85 = arith.subi %sign3A_80, %sign3A_84 : vector<16xi32>
    %sign3A_86 = arith.constant 0 : i32
    %sign3A_87 = arith.cmpi sgt, %jit3A_74, %sign3A_86 : i32
    %sign3A_88 = arith.extui %sign3A_87 : i1 to i32
    %sign3A_89 = arith.constant 0 : i32
    %sign3A_90 = arith.cmpi slt, %jit3A_74, %sign3A_89 : i32
    %sign3A_91 = arith.extui %sign3A_90 : i1 to i32
    %sign3A_92 = arith.subi %sign3A_88, %sign3A_91 : i32
    %ne3A_93 = vector.broadcast %sign3A_92 : i32 to vector<16xi32>
    %ne3A_94 = arith.cmpi ne, %sign3A_85, %ne3A_93 : vector<16xi32>
    %rem3A_95 = vector.broadcast %jit3A_74 : i32 to vector<16xi32>
    %rem3A_96 = arith.remsi %add3A_73, %rem3A_95 : vector<16xi32>
    %ne3A_97 = arith.constant 0 : i32
    %ne3A_98 = vector.broadcast %ne3A_97 : i32 to vector<16xi32>
    %ne3A_99 = arith.cmpi ne, %rem3A_96, %ne3A_98 : vector<16xi32>
    %and3A_100 = arith.andi %ne3A_94, %ne3A_99 : vector<16xi1>
    %sub3A_101 = arith.constant 1 : i32
    %sub3A_102 = vector.broadcast %sub3A_101 : i32 to vector<16xi32>
    %sub3A_103 = arith.subi %div3A_76, %sub3A_102 : vector<16xi32>
    %select_n3A_104 = arith.select %and3A_100, %sub3A_103, %div3A_76 : vector<16xi1>, vector<16xi32>
    %add3A_105 = arith.constant 32 : i32
    %add3A_106 = vector.broadcast %add3A_105 : i32 to vector<16xi32>
    %add3A_107 = arith.addi %iota3A, %add3A_106 : vector<16xi32>
    %jit3A_108 = arith.constant 8 : i32
    %div3A_109 = vector.broadcast %jit3A_108 : i32 to vector<16xi32>
    %div3A_110 = arith.divsi %add3A_107, %div3A_109 : vector<16xi32>
    %sign3A_111 = arith.constant 0 : i32
    %sign3A_112 = vector.broadcast %sign3A_111 : i32 to vector<16xi32>
    %sign3A_113 = arith.cmpi sgt, %add3A_107, %sign3A_112 : vector<16xi32>
    %sign3A_114 = arith.extui %sign3A_113 : vector<16xi1> to vector<16xi32>
    %sign3A_115 = arith.constant 0 : i32
    %sign3A_116 = vector.broadcast %sign3A_115 : i32 to vector<16xi32>
    %sign3A_117 = arith.cmpi slt, %add3A_107, %sign3A_116 : vector<16xi32>
    %sign3A_118 = arith.extui %sign3A_117 : vector<16xi1> to vector<16xi32>
    %sign3A_119 = arith.subi %sign3A_114, %sign3A_118 : vector<16xi32>
    %sign3A_120 = arith.constant 0 : i32
    %sign3A_121 = arith.cmpi sgt, %jit3A_108, %sign3A_120 : i32
    %sign3A_122 = arith.extui %sign3A_121 : i1 to i32
    %sign3A_123 = arith.constant 0 : i32
    %sign3A_124 = arith.cmpi slt, %jit3A_108, %sign3A_123 : i32
    %sign3A_125 = arith.extui %sign3A_124 : i1 to i32
    %sign3A_126 = arith.subi %sign3A_122, %sign3A_125 : i32
    %ne3A_127 = vector.broadcast %sign3A_126 : i32 to vector<16xi32>
    %ne3A_128 = arith.cmpi ne, %sign3A_119, %ne3A_127 : vector<16xi32>
    %rem3A_129 = vector.broadcast %jit3A_108 : i32 to vector<16xi32>
    %rem3A_130 = arith.remsi %add3A_107, %rem3A_129 : vector<16xi32>
    %ne3A_131 = arith.constant 0 : i32
    %ne3A_132 = vector.broadcast %ne3A_131 : i32 to vector<16xi32>
    %ne3A_133 = arith.cmpi ne, %rem3A_130, %ne3A_132 : vector<16xi32>
    %and3A_134 = arith.andi %ne3A_128, %ne3A_133 : vector<16xi1>
    %sub3A_135 = arith.constant 1 : i32
    %sub3A_136 = vector.broadcast %sub3A_135 : i32 to vector<16xi32>
    %sub3A_137 = arith.subi %div3A_110, %sub3A_136 : vector<16xi32>
    %select_n3A_138 = arith.select %and3A_134, %sub3A_137, %div3A_110 : vector<16xi1>, vector<16xi32>
    %add3A_139 = arith.constant 48 : i32
    %add3A_140 = vector.broadcast %add3A_139 : i32 to vector<16xi32>
    %add3A_141 = arith.addi %iota3A, %add3A_140 : vector<16xi32>
    %jit3A_142 = arith.constant 8 : i32
    %div3A_143 = vector.broadcast %jit3A_142 : i32 to vector<16xi32>
    %div3A_144 = arith.divsi %add3A_141, %div3A_143 : vector<16xi32>
    %sign3A_145 = arith.constant 0 : i32
    %sign3A_146 = vector.broadcast %sign3A_145 : i32 to vector<16xi32>
    %sign3A_147 = arith.cmpi sgt, %add3A_141, %sign3A_146 : vector<16xi32>
    %sign3A_148 = arith.extui %sign3A_147 : vector<16xi1> to vector<16xi32>
    %sign3A_149 = arith.constant 0 : i32
    %sign3A_150 = vector.broadcast %sign3A_149 : i32 to vector<16xi32>
    %sign3A_151 = arith.cmpi slt, %add3A_141, %sign3A_150 : vector<16xi32>
    %sign3A_152 = arith.extui %sign3A_151 : vector<16xi1> to vector<16xi32>
    %sign3A_153 = arith.subi %sign3A_148, %sign3A_152 : vector<16xi32>
    %sign3A_154 = arith.constant 0 : i32
    %sign3A_155 = arith.cmpi sgt, %jit3A_142, %sign3A_154 : i32
    %sign3A_156 = arith.extui %sign3A_155 : i1 to i32
    %sign3A_157 = arith.constant 0 : i32
    %sign3A_158 = arith.cmpi slt, %jit3A_142, %sign3A_157 : i32
    %sign3A_159 = arith.extui %sign3A_158 : i1 to i32
    %sign3A_160 = arith.subi %sign3A_156, %sign3A_159 : i32
    %ne3A_161 = vector.broadcast %sign3A_160 : i32 to vector<16xi32>
    %ne3A_162 = arith.cmpi ne, %sign3A_153, %ne3A_161 : vector<16xi32>
    %rem3A_163 = vector.broadcast %jit3A_142 : i32 to vector<16xi32>
    %rem3A_164 = arith.remsi %add3A_141, %rem3A_163 : vector<16xi32>
    %ne3A_165 = arith.constant 0 : i32
    %ne3A_166 = vector.broadcast %ne3A_165 : i32 to vector<16xi32>
    %ne3A_167 = arith.cmpi ne, %rem3A_164, %ne3A_166 : vector<16xi32>
    %and3A_168 = arith.andi %ne3A_162, %ne3A_167 : vector<16xi1>
    %sub3A_169 = arith.constant 1 : i32
    %sub3A_170 = vector.broadcast %sub3A_169 : i32 to vector<16xi32>
    %sub3A_171 = arith.subi %div3A_144, %sub3A_170 : vector<16xi32>
    %select_n3A_172 = arith.select %and3A_168, %sub3A_171, %div3A_144 : vector<16xi1>, vector<16xi32>
    %add3A_173 = arith.constant 0 : i32
    %add3A_174 = vector.broadcast %add3A_173 : i32 to vector<16xi32>
    %add3A_175 = arith.addi %iota3A, %add3A_174 : vector<16xi32>
    %jit3A_176 = arith.constant 8 : i32
    %eq3A = arith.constant 0 : i32
    %eq3A_177 = arith.cmpi eq, %jit3A_176, %eq3A : i32
    %jit3A_178 = arith.constant 1 : i32
    %select_n3A_179 = arith.select %eq3A_177, %jit3A_178, %jit3A_176 : i32
    %rem3A_180 = vector.broadcast %select_n3A_179 : i32 to vector<16xi32>
    %rem3A_181 = arith.remsi %add3A_175, %rem3A_180 : vector<16xi32>
    %ne3A_182 = arith.constant 0 : i32
    %ne3A_183 = vector.broadcast %ne3A_182 : i32 to vector<16xi32>
    %ne3A_184 = arith.cmpi ne, %rem3A_181, %ne3A_183 : vector<16xi32>
    %lt3A = arith.constant 0 : i32
    %lt3A_185 = vector.broadcast %lt3A : i32 to vector<16xi32>
    %lt3A_186 = arith.cmpi slt, %rem3A_181, %lt3A_185 : vector<16xi32>
    %lt3A_187 = arith.constant 0 : i32
    %lt3A_188 = arith.cmpi slt, %select_n3A_179, %lt3A_187 : i32
    %ne3A_189 = vector.broadcast %lt3A_188 : i1 to vector<16xi1>
    %ne3A_190 = vector.broadcast %ne3A_189 : vector<16xi1> to vector<16xi1>
    %ne3A_191 = arith.xori %lt3A_186, %ne3A_190 : vector<16xi1>
    %and3A_192 = arith.andi %ne3A_191, %ne3A_184 : vector<16xi1>
    %add3A_193 = vector.broadcast %select_n3A_179 : i32 to vector<16xi32>
    %add3A_194 = arith.addi %rem3A_181, %add3A_193 : vector<16xi32>
    %select_n3A_195 = arith.select %and3A_192, %add3A_194, %rem3A_181 : vector<16xi1>, vector<16xi32>
    %add3A_196 = arith.constant 16 : i32
    %add3A_197 = vector.broadcast %add3A_196 : i32 to vector<16xi32>
    %add3A_198 = arith.addi %iota3A, %add3A_197 : vector<16xi32>
    %jit3A_199 = arith.constant 8 : i32
    %eq3A_200 = arith.constant 0 : i32
    %eq3A_201 = arith.cmpi eq, %jit3A_199, %eq3A_200 : i32
    %jit3A_202 = arith.constant 1 : i32
    %select_n3A_203 = arith.select %eq3A_201, %jit3A_202, %jit3A_199 : i32
    %rem3A_204 = vector.broadcast %select_n3A_203 : i32 to vector<16xi32>
    %rem3A_205 = arith.remsi %add3A_198, %rem3A_204 : vector<16xi32>
    %ne3A_206 = arith.constant 0 : i32
    %ne3A_207 = vector.broadcast %ne3A_206 : i32 to vector<16xi32>
    %ne3A_208 = arith.cmpi ne, %rem3A_205, %ne3A_207 : vector<16xi32>
    %lt3A_209 = arith.constant 0 : i32
    %lt3A_210 = vector.broadcast %lt3A_209 : i32 to vector<16xi32>
    %lt3A_211 = arith.cmpi slt, %rem3A_205, %lt3A_210 : vector<16xi32>
    %lt3A_212 = arith.constant 0 : i32
    %lt3A_213 = arith.cmpi slt, %select_n3A_203, %lt3A_212 : i32
    %ne3A_214 = vector.broadcast %lt3A_213 : i1 to vector<16xi1>
    %ne3A_215 = vector.broadcast %ne3A_214 : vector<16xi1> to vector<16xi1>
    %ne3A_216 = arith.xori %lt3A_211, %ne3A_215 : vector<16xi1>
    %and3A_217 = arith.andi %ne3A_216, %ne3A_208 : vector<16xi1>
    %add3A_218 = vector.broadcast %select_n3A_203 : i32 to vector<16xi32>
    %add3A_219 = arith.addi %rem3A_205, %add3A_218 : vector<16xi32>
    %select_n3A_220 = arith.select %and3A_217, %add3A_219, %rem3A_205 : vector<16xi1>, vector<16xi32>
    %add3A_221 = arith.constant 32 : i32
    %add3A_222 = vector.broadcast %add3A_221 : i32 to vector<16xi32>
    %add3A_223 = arith.addi %iota3A, %add3A_222 : vector<16xi32>
    %jit3A_224 = arith.constant 8 : i32
    %eq3A_225 = arith.constant 0 : i32
    %eq3A_226 = arith.cmpi eq, %jit3A_224, %eq3A_225 : i32
    %jit3A_227 = arith.constant 1 : i32
    %select_n3A_228 = arith.select %eq3A_226, %jit3A_227, %jit3A_224 : i32
    %rem3A_229 = vector.broadcast %select_n3A_228 : i32 to vector<16xi32>
    %rem3A_230 = arith.remsi %add3A_223, %rem3A_229 : vector<16xi32>
    %ne3A_231 = arith.constant 0 : i32
    %ne3A_232 = vector.broadcast %ne3A_231 : i32 to vector<16xi32>
    %ne3A_233 = arith.cmpi ne, %rem3A_230, %ne3A_232 : vector<16xi32>
    %lt3A_234 = arith.constant 0 : i32
    %lt3A_235 = vector.broadcast %lt3A_234 : i32 to vector<16xi32>
    %lt3A_236 = arith.cmpi slt, %rem3A_230, %lt3A_235 : vector<16xi32>
    %lt3A_237 = arith.constant 0 : i32
    %lt3A_238 = arith.cmpi slt, %select_n3A_228, %lt3A_237 : i32
    %ne3A_239 = vector.broadcast %lt3A_238 : i1 to vector<16xi1>
    %ne3A_240 = vector.broadcast %ne3A_239 : vector<16xi1> to vector<16xi1>
    %ne3A_241 = arith.xori %lt3A_236, %ne3A_240 : vector<16xi1>
    %and3A_242 = arith.andi %ne3A_241, %ne3A_233 : vector<16xi1>
    %add3A_243 = vector.broadcast %select_n3A_228 : i32 to vector<16xi32>
    %add3A_244 = arith.addi %rem3A_230, %add3A_243 : vector<16xi32>
    %select_n3A_245 = arith.select %and3A_242, %add3A_244, %rem3A_230 : vector<16xi1>, vector<16xi32>
    %add3A_246 = arith.constant 48 : i32
    %add3A_247 = vector.broadcast %add3A_246 : i32 to vector<16xi32>
    %add3A_248 = arith.addi %iota3A, %add3A_247 : vector<16xi32>
    %jit3A_249 = arith.constant 8 : i32
    %eq3A_250 = arith.constant 0 : i32
    %eq3A_251 = arith.cmpi eq, %jit3A_249, %eq3A_250 : i32
    %jit3A_252 = arith.constant 1 : i32
    %select_n3A_253 = arith.select %eq3A_251, %jit3A_252, %jit3A_249 : i32
    %rem3A_254 = vector.broadcast %select_n3A_253 : i32 to vector<16xi32>
    %rem3A_255 = arith.remsi %add3A_248, %rem3A_254 : vector<16xi32>
    %ne3A_256 = arith.constant 0 : i32
    %ne3A_257 = vector.broadcast %ne3A_256 : i32 to vector<16xi32>
    %ne3A_258 = arith.cmpi ne, %rem3A_255, %ne3A_257 : vector<16xi32>
    %lt3A_259 = arith.constant 0 : i32
    %lt3A_260 = vector.broadcast %lt3A_259 : i32 to vector<16xi32>
    %lt3A_261 = arith.cmpi slt, %rem3A_255, %lt3A_260 : vector<16xi32>
    %lt3A_262 = arith.constant 0 : i32
    %lt3A_263 = arith.cmpi slt, %select_n3A_253, %lt3A_262 : i32
    %ne3A_264 = vector.broadcast %lt3A_263 : i1 to vector<16xi1>
    %ne3A_265 = vector.broadcast %ne3A_264 : vector<16xi1> to vector<16xi1>
    %ne3A_266 = arith.xori %lt3A_261, %ne3A_265 : vector<16xi1>
    %and3A_267 = arith.andi %ne3A_266, %ne3A_258 : vector<16xi1>
    %add3A_268 = vector.broadcast %select_n3A_253 : i32 to vector<16xi32>
    %add3A_269 = arith.addi %rem3A_255, %add3A_268 : vector<16xi32>
    %select_n3A_270 = arith.select %and3A_267, %add3A_269, %rem3A_255 : vector<16xi1>, vector<16xi32>
    %dma_start3A = arith.constant 0 : i32
    %dma_start3A_271 = arith.constant 0 : i32
    %dma_start3A_272 = tpu.memref_slice %arg6[%dma_start3A, %dma_start3A_271] : memref<200x128xi32, #tpu.memory_space<vmem>> -> memref<1x128xi32, #tpu.memory_space<vmem>>
    %dma_start3A_273 = tpu.memref_squeeze %dma_start3A_272 : memref<1x128xi32, #tpu.memory_space<vmem>> -> memref<128xi32, #tpu.memory_space<vmem>>
    %dma_start3A_274 = arith.constant 0 : i32
    %dma_start3A_275 = arith.constant 0 : i32
    %dma_start3A_276 = tpu.memref_slice %arg3[%dma_start3A_274, %dma_start3A_275] : memref<8192x64xf32, #tpu.memory_space<hbm>> -> memref<8192x64xf32, #tpu.memory_space<hbm>>
    tpu.enqueue_indirect_dma source(%dma_start3A_276 : memref<8192x64xf32, #tpu.memory_space<hbm>>) target(%arg7 : memref<128x64xf32, #tpu.memory_space<vmem>>) offsets(%dma_start3A_273 : memref<128xi32, #tpu.memory_space<vmem>>) semaphore(%arg11 : memref<!tpu.dma_semaphore, #tpu.memory_space<semaphore_mem>>)
    %dma_start3A_277 = arith.constant 1 : i32
    %dma_start3A_278 = arith.constant 0 : i32
    %dma_start3A_279 = tpu.memref_slice %arg6[%dma_start3A_277, %dma_start3A_278] : memref<200x128xi32, #tpu.memory_space<vmem>> -> memref<1x128xi32, #tpu.memory_space<vmem>>
    %dma_start3A_280 = tpu.memref_squeeze %dma_start3A_279 : memref<1x128xi32, #tpu.memory_space<vmem>> -> memref<128xi32, #tpu.memory_space<vmem>>
    %dma_start3A_281 = arith.constant 0 : i32
    %dma_start3A_282 = arith.constant 0 : i32
    %dma_start3A_283 = tpu.memref_slice %arg3[%dma_start3A_281, %dma_start3A_282] : memref<8192x64xf32, #tpu.memory_space<hbm>> -> memref<8192x64xf32, #tpu.memory_space<hbm>>
    tpu.enqueue_indirect_dma source(%dma_start3A_283 : memref<8192x64xf32, #tpu.memory_space<hbm>>) target(%arg8 : memref<128x64xf32, #tpu.memory_space<vmem>>) offsets(%dma_start3A_280 : memref<128xi32, #tpu.memory_space<vmem>>) semaphore(%arg12 : memref<!tpu.dma_semaphore, #tpu.memory_space<semaphore_mem>>)
    %scan3A_284 = arith.constant 0 : i32
    %scan3A_285 = arith.constant 0 : i32
    %scan3A_286 = arith.constant 100 : i32
    %scan3A_287 = arith.addi %scan3A_285, %scan3A_286 : i32
    %scan3A_288 = arith.constant 1 : i32
    %scan3A_289 = scf.for %scan3A_326 = %scan3A_285 to %scan3A_287 step %scan3A_288 iter_args(%scan3A_327 = %scan3A_284) -> (i32)  : i32 {
      %mul3A_328 = arith.constant 2 : i32
      %mul3A_329 = arith.muli %mul3A_328, %scan3A_326 : i32
      %mul3A_330 = arith.constant 2 : i32
      %mul3A_331 = arith.muli %mul3A_330, %scan3A_326 : i32
      %add3A_332 = arith.constant 1 : i32
      %add3A_333 = arith.addi %mul3A_331, %add3A_332 : i32
      %dma_wait3A_334 = arith.constant 0 : i32
      %dma_wait3A_335 = arith.constant 0 : i32
      %dma_wait3A_336 = tpu.memref_slice %arg3[%dma_wait3A_334, %dma_wait3A_335] : memref<8192x64xf32, #tpu.memory_space<hbm>> -> memref<128x64xf32, #tpu.memory_space<hbm>>
      %dma_wait3A_337 = arith.constant 0 : i32
      %dma_wait3A_338 = arith.constant 0 : i32
      %dma_wait3A_339 = tpu.memref_slice %arg3[%dma_wait3A_337, %dma_wait3A_338] : memref<8192x64xf32, #tpu.memory_space<hbm>> -> memref<128x64xf32, #tpu.memory_space<hbm>>
      tpu.wait_dma2 semaphore(%arg11 : memref<!tpu.dma_semaphore, #tpu.memory_space<semaphore_mem>>) src(%dma_wait3A_339 : memref<128x64xf32, #tpu.memory_space<hbm>>) dst(%arg7 : memref<128x64xf32, #tpu.memory_space<vmem>>)
      %gt3A = arith.constant 0 : i32
      %gt3A_340 = arith.cmpi sgt, %scan3A_326, %gt3A : i32
      %convert_element_type3A = arith.extui %gt3A_340 : i1 to i32
      %cond3A = arith.constant 0 : i32
      %cond3A_341 = arith.cmpi ne, %convert_element_type3A, %cond3A : i32
      scf.if %cond3A_341 {
        %sub3A_405 = arith.constant 2 : i32
        %sub3A_406 = arith.subi %mul3A_329, %sub3A_405 : i32
        %mul3A_407 = arith.constant 8 : i32
        %mul3A_408 = arith.muli %sub3A_406, %mul3A_407 : i32
        %dma_wait3A_409 = arith.constant 0 : i32
        %dma_wait3A_410 = arith.constant 0 : i32
        %dma_wait3A_411 = arith.constant 0 : i32
        %dma_wait3A_412 = tpu.memref_slice %arg9[%dma_wait3A_409, %dma_wait3A_410, %dma_wait3A_411] : memref<8x8x129xf32, #tpu.memory_space<vmem>> -> memref<8x8x128xf32, #tpu.memory_space<vmem>>
        %dma_wait3A_413 = arith.constant 0 : i32
        %dma_wait3A_414 = arith.constant 0 : i32
        %dma_wait3A_415 = tpu.memref_slice %arg4[%mul3A_408, %add3A, %dma_wait3A_413, %dma_wait3A_414] : memref<1600x32x8x128xf32, #tpu.memory_space<hbm>> -> memref<8x1x8x128xf32, #tpu.memory_space<hbm>>
        %dma_wait3A_416 = tpu.memref_squeeze %dma_wait3A_415 : memref<8x1x8x128xf32, #tpu.memory_space<hbm>> -> memref<8x8x128xf32, #tpu.memory_space<hbm>>
        %dma_wait3A_417 = arith.constant 0 : i32
        %dma_wait3A_418 = arith.constant 0 : i32
        %dma_wait3A_419 = tpu.memref_slice %arg4[%mul3A_408, %add3A, %dma_wait3A_417, %dma_wait3A_418] : memref<1600x32x8x128xf32, #tpu.memory_space<hbm>> -> memref<8x1x8x128xf32, #tpu.memory_space<hbm>>
        %dma_wait3A_420 = tpu.memref_squeeze %dma_wait3A_419 : memref<8x1x8x128xf32, #tpu.memory_space<hbm>> -> memref<8x8x128xf32, #tpu.memory_space<hbm>>
        %dma_wait3A_421 = arith.constant 0 : i32
        %dma_wait3A_422 = arith.constant 0 : i32
        %dma_wait3A_423 = arith.constant 0 : i32
        %dma_wait3A_424 = tpu.memref_slice %arg9[%dma_wait3A_421, %dma_wait3A_422, %dma_wait3A_423] : memref<8x8x129xf32, #tpu.memory_space<vmem>> -> memref<8x8x128xf32, #tpu.memory_space<vmem>>
        tpu.wait_dma2 semaphore(%arg13 : memref<!tpu.dma_semaphore, #tpu.memory_space<semaphore_mem>>) src(%dma_wait3A_424 : memref<8x8x128xf32, #tpu.memory_space<vmem>>) dst(%dma_wait3A_420 : memref<8x8x128xf32, #tpu.memory_space<hbm>>)
      } else {
      }
      %parallel_loop3A = arith.constant 0 : i32
      %parallel_loop3A_342 = arith.constant 16 : i32
      %parallel_loop3A_343 = arith.constant 1 : i32
      scf.for %parallel_loop3A_405 = %parallel_loop3A to %parallel_loop3A_342 step %parallel_loop3A_343  : i32 {
        %parallel_loop3A_406 = arith.constant 8 : i32
        %parallel_loop3A_407 = arith.muli %parallel_loop3A_405, %parallel_loop3A_406 : i32
        %parallel_loop3A_408 = arith.constant 0 : i32
        %parallel_loop3A_409 = arith.addi %parallel_loop3A_407, %parallel_loop3A_408 : i32
        %parallel_loop3A_410 = vector.broadcast %parallel_loop3A_409 : i32 to vector<16xi32>
        %parallel_loop3A_411 = arith.index_cast %parallel_loop3A_409 : i32 to index
        %parallel_loop3A_412 = arith.constant 0 : index
        %parallel_loop3A_413 = tpu.vector_load %arg7[%parallel_loop3A_411, %parallel_loop3A_412] {strides = array<i32>} : memref<128x64xf32, #tpu.memory_space<vmem>>, vector<16xf32>,
        tpu.vector_store_idx %arg9[%select_n3A, %select_n3A_195, %parallel_loop3A_410], %parallel_loop3A_413 : memref<8x8x129xf32, #tpu.memory_space<vmem>>[vector<16xi32>, vector<16xi32>, vector<16xi32>], vector<16xf32>,
        %parallel_loop3A_414 = arith.index_cast %parallel_loop3A_409 : i32 to index
        %parallel_loop3A_415 = arith.constant 16 : index
        %parallel_loop3A_416 = tpu.vector_load %arg7[%parallel_loop3A_414, %parallel_loop3A_415] {strides = array<i32>} : memref<128x64xf32, #tpu.memory_space<vmem>>, vector<16xf32>,
        tpu.vector_store_idx %arg9[%select_n3A_104, %select_n3A_220, %parallel_loop3A_410], %parallel_loop3A_416 : memref<8x8x129xf32, #tpu.memory_space<vmem>>[vector<16xi32>, vector<16xi32>, vector<16xi32>], vector<16xf32>,
        %parallel_loop3A_417 = arith.index_cast %parallel_loop3A_409 : i32 to index
        %parallel_loop3A_418 = arith.constant 32 : index
        %parallel_loop3A_419 = tpu.vector_load %arg7[%parallel_loop3A_417, %parallel_loop3A_418] {strides = array<i32>} : memref<128x64xf32, #tpu.memory_space<vmem>>, vector<16xf32>,
        tpu.vector_store_idx %arg9[%select_n3A_138, %select_n3A_245, %parallel_loop3A_410], %parallel_loop3A_419 : memref<8x8x129xf32, #tpu.memory_space<vmem>>[vector<16xi32>, vector<16xi32>, vector<16xi32>], vector<16xf32>,
        %parallel_loop3A_420 = arith.index_cast %parallel_loop3A_409 : i32 to index
        %parallel_loop3A_421 = arith.constant 48 : index
        %parallel_loop3A_422 = tpu.vector_load %arg7[%parallel_loop3A_420, %parallel_loop3A_421] {strides = array<i32>} : memref<128x64xf32, #tpu.memory_space<vmem>>, vector<16xf32>,
        tpu.vector_store_idx %arg9[%select_n3A_172, %select_n3A_270, %parallel_loop3A_410], %parallel_loop3A_422 : memref<8x8x129xf32, #tpu.memory_space<vmem>>[vector<16xi32>, vector<16xi32>, vector<16xi32>], vector<16xf32>,
        %parallel_loop3A_423 = arith.constant 1 : i32
        %parallel_loop3A_424 = arith.addi %parallel_loop3A_407, %parallel_loop3A_423 : i32
        %parallel_loop3A_425 = vector.broadcast %parallel_loop3A_424 : i32 to vector<16xi32>
        %parallel_loop3A_426 = arith.index_cast %parallel_loop3A_424 : i32 to index
        %parallel_loop3A_427 = arith.constant 0 : index
        %parallel_loop3A_428 = tpu.vector_load %arg7[%parallel_loop3A_426, %parallel_loop3A_427] {strides = array<i32>} : memref<128x64xf32, #tpu.memory_space<vmem>>, vector<16xf32>,
        tpu.vector_store_idx %arg9[%select_n3A, %select_n3A_195, %parallel_loop3A_425], %parallel_loop3A_428 : memref<8x8x129xf32, #tpu.memory_space<vmem>>[vector<16xi32>, vector<16xi32>, vector<16xi32>], vector<16xf32>,
        %parallel_loop3A_429 = arith.index_cast %parallel_loop3A_424 : i32 to index
        %parallel_loop3A_430 = arith.constant 16 : index
        %parallel_loop3A_431 = tpu.vector_load %arg7[%parallel_loop3A_429, %parallel_loop3A_430] {strides = array<i32>} : memref<128x64xf32, #tpu.memory_space<vmem>>, vector<16xf32>,
        tpu.vector_store_idx %arg9[%select_n3A_104, %select_n3A_220, %parallel_loop3A_425], %parallel_loop3A_431 : memref<8x8x129xf32, #tpu.memory_space<vmem>>[vector<16xi32>, vector<16xi32>, vector<16xi32>], vector<16xf32>,
        %parallel_loop3A_432 = arith.index_cast %parallel_loop3A_424 : i32 to index
        %parallel_loop3A_433 = arith.constant 32 : index
        %parallel_loop3A_434 = tpu.vector_load %arg7[%parallel_loop3A_432, %parallel_loop3A_433] {strides = array<i32>} : memref<128x64xf32, #tpu.memory_space<vmem>>, vector<16xf32>,
        tpu.vector_store_idx %arg9[%select_n3A_138, %select_n3A_245, %parallel_loop3A_425], %parallel_loop3A_434 : memref<8x8x129xf32, #tpu.memory_space<vmem>>[vector<16xi32>, vector<16xi32>, vector<16xi32>], vector<16xf32>,
        %parallel_loop3A_435 = arith.index_cast %parallel_loop3A_424 : i32 to index
        %parallel_loop3A_436 = arith.constant 48 : index
        %parallel_loop3A_437 = tpu.vector_load %arg7[%parallel_loop3A_435, %parallel_loop3A_436] {strides = array<i32>} : memref<128x64xf32, #tpu.memory_space<vmem>>, vector<16xf32>,
        tpu.vector_store_idx %arg9[%select_n3A_172, %select_n3A_270, %parallel_loop3A_425], %parallel_loop3A_437 : memref<8x8x129xf32, #tpu.memory_space<vmem>>[vector<16xi32>, vector<16xi32>, vector<16xi32>], vector<16xf32>,
        %parallel_loop3A_438 = arith.constant 2 : i32
        %parallel_loop3A_439 = arith.addi %parallel_loop3A_407, %parallel_loop3A_438 : i32
        %parallel_loop3A_440 = vector.broadcast %parallel_loop3A_439 : i32 to vector<16xi32>
        %parallel_loop3A_441 = arith.index_cast %parallel_loop3A_439 : i32 to index
        %parallel_loop3A_442 = arith.constant 0 : index
        %parallel_loop3A_443 = tpu.vector_load %arg7[%parallel_loop3A_441, %parallel_loop3A_442] {strides = array<i32>} : memref<128x64xf32, #tpu.memory_space<vmem>>, vector<16xf32>,
        tpu.vector_store_idx %arg9[%select_n3A, %select_n3A_195, %parallel_loop3A_440], %parallel_loop3A_443 : memref<8x8x129xf32, #tpu.memory_space<vmem>>[vector<16xi32>, vector<16xi32>, vector<16xi32>], vector<16xf32>,
        %parallel_loop3A_444 = arith.index_cast %parallel_loop3A_439 : i32 to index
        %parallel_loop3A_445 = arith.constant 16 : index
        %parallel_loop3A_446 = tpu.vector_load %arg7[%parallel_loop3A_444, %parallel_loop3A_445] {strides = array<i32>} : memref<128x64xf32, #tpu.memory_space<vmem>>, vector<16xf32>,
        tpu.vector_store_idx %arg9[%select_n3A_104, %select_n3A_220, %parallel_loop3A_440], %parallel_loop3A_446 : memref<8x8x129xf32, #tpu.memory_space<vmem>>[vector<16xi32>, vector<16xi32>, vector<16xi32>], vector<16xf32>,
        %parallel_loop3A_447 = arith.index_cast %parallel_loop3A_439 : i32 to index
        %parallel_loop3A_448 = arith.constant 32 : index
        %parallel_loop3A_449 = tpu.vector_load %arg7[%parallel_loop3A_447, %parallel_loop3A_448] {strides = array<i32>} : memref<128x64xf32, #tpu.memory_space<vmem>>, vector<16xf32>,
        tpu.vector_store_idx %arg9[%select_n3A_138, %select_n3A_245, %parallel_loop3A_440], %parallel_loop3A_449 : memref<8x8x129xf32, #tpu.memory_space<vmem>>[vector<16xi32>, vector<16xi32>, vector<16xi32>], vector<16xf32>,
        %parallel_loop3A_450 = arith.index_cast %parallel_loop3A_439 : i32 to index
        %parallel_loop3A_451 = arith.constant 48 : index
        %parallel_loop3A_452 = tpu.vector_load %arg7[%parallel_loop3A_450, %parallel_loop3A_451] {strides = array<i32>} : memref<128x64xf32, #tpu.memory_space<vmem>>, vector<16xf32>,
        tpu.vector_store_idx %arg9[%select_n3A_172, %select_n3A_270, %parallel_loop3A_440], %parallel_loop3A_452 : memref<8x8x129xf32, #tpu.memory_space<vmem>>[vector<16xi32>, vector<16xi32>, vector<16xi32>], vector<16xf32>,
        %parallel_loop3A_453 = arith.constant 3 : i32
        %parallel_loop3A_454 = arith.addi %parallel_loop3A_407, %parallel_loop3A_453 : i32
        %parallel_loop3A_455 = vector.broadcast %parallel_loop3A_454 : i32 to vector<16xi32>
        %parallel_loop3A_456 = arith.index_cast %parallel_loop3A_454 : i32 to index
        %parallel_loop3A_457 = arith.constant 0 : index
        %parallel_loop3A_458 = tpu.vector_load %arg7[%parallel_loop3A_456, %parallel_loop3A_457] {strides = array<i32>} : memref<128x64xf32, #tpu.memory_space<vmem>>, vector<16xf32>,
        tpu.vector_store_idx %arg9[%select_n3A, %select_n3A_195, %parallel_loop3A_455], %parallel_loop3A_458 : memref<8x8x129xf32, #tpu.memory_space<vmem>>[vector<16xi32>, vector<16xi32>, vector<16xi32>], vector<16xf32>,
        %parallel_loop3A_459 = arith.index_cast %parallel_loop3A_454 : i32 to index
        %parallel_loop3A_460 = arith.constant 16 : index
        %parallel_loop3A_461 = tpu.vector_load %arg7[%parallel_loop3A_459, %parallel_loop3A_460] {strides = array<i32>} : memref<128x64xf32, #tpu.memory_space<vmem>>, vector<16xf32>,
        tpu.vector_store_idx %arg9[%select_n3A_104, %select_n3A_220, %parallel_loop3A_455], %parallel_loop3A_461 : memref<8x8x129xf32, #tpu.memory_space<vmem>>[vector<16xi32>, vector<16xi32>, vector<16xi32>], vector<16xf32>,
        %parallel_loop3A_462 = arith.index_cast %parallel_loop3A_454 : i32 to index
        %parallel_loop3A_463 = arith.constant 32 : index
        %parallel_loop3A_464 = tpu.vector_load %arg7[%parallel_loop3A_462, %parallel_loop3A_463] {strides = array<i32>} : memref<128x64xf32, #tpu.memory_space<vmem>>, vector<16xf32>,
        tpu.vector_store_idx %arg9[%select_n3A_138, %select_n3A_245, %parallel_loop3A_455], %parallel_loop3A_464 : memref<8x8x129xf32, #tpu.memory_space<vmem>>[vector<16xi32>, vector<16xi32>, vector<16xi32>], vector<16xf32>,
        %parallel_loop3A_465 = arith.index_cast %parallel_loop3A_454 : i32 to index
        %parallel_loop3A_466 = arith.constant 48 : index
        %parallel_loop3A_467 = tpu.vector_load %arg7[%parallel_loop3A_465, %parallel_loop3A_466] {strides = array<i32>} : memref<128x64xf32, #tpu.memory_space<vmem>>, vector<16xf32>,
        tpu.vector_store_idx %arg9[%select_n3A_172, %select_n3A_270, %parallel_loop3A_455], %parallel_loop3A_467 : memref<8x8x129xf32, #tpu.memory_space<vmem>>[vector<16xi32>, vector<16xi32>, vector<16xi32>], vector<16xf32>,
        %parallel_loop3A_468 = arith.constant 4 : i32
        %parallel_loop3A_469 = arith.addi %parallel_loop3A_407, %parallel_loop3A_468 : i32
        %parallel_loop3A_470 = vector.broadcast %parallel_loop3A_469 : i32 to vector<16xi32>
        %parallel_loop3A_471 = arith.index_cast %parallel_loop3A_469 : i32 to index
        %parallel_loop3A_472 = arith.constant 0 : index
        %parallel_loop3A_473 = tpu.vector_load %arg7[%parallel_loop3A_471, %parallel_loop3A_472] {strides = array<i32>} : memref<128x64xf32, #tpu.memory_space<vmem>>, vector<16xf32>,
        tpu.vector_store_idx %arg9[%select_n3A, %select_n3A_195, %parallel_loop3A_470], %parallel_loop3A_473 : memref<8x8x129xf32, #tpu.memory_space<vmem>>[vector<16xi32>, vector<16xi32>, vector<16xi32>], vector<16xf32>,
        %parallel_loop3A_474 = arith.index_cast %parallel_loop3A_469 : i32 to index
        %parallel_loop3A_475 = arith.constant 16 : index
        %parallel_loop3A_476 = tpu.vector_load %arg7[%parallel_loop3A_474, %parallel_loop3A_475] {strides = array<i32>} : memref<128x64xf32, #tpu.memory_space<vmem>>, vector<16xf32>,
        tpu.vector_store_idx %arg9[%select_n3A_104, %select_n3A_220, %parallel_loop3A_470], %parallel_loop3A_476 : memref<8x8x129xf32, #tpu.memory_space<vmem>>[vector<16xi32>, vector<16xi32>, vector<16xi32>], vector<16xf32>,
        %parallel_loop3A_477 = arith.index_cast %parallel_loop3A_469 : i32 to index
        %parallel_loop3A_478 = arith.constant 32 : index
        %parallel_loop3A_479 = tpu.vector_load %arg7[%parallel_loop3A_477, %parallel_loop3A_478] {strides = array<i32>} : memref<128x64xf32, #tpu.memory_space<vmem>>, vector<16xf32>,
        tpu.vector_store_idx %arg9[%select_n3A_138, %select_n3A_245, %parallel_loop3A_470], %parallel_loop3A_479 : memref<8x8x129xf32, #tpu.memory_space<vmem>>[vector<16xi32>, vector<16xi32>, vector<16xi32>], vector<16xf32>,
        %parallel_loop3A_480 = arith.index_cast %parallel_loop3A_469 : i32 to index
        %parallel_loop3A_481 = arith.constant 48 : index
        %parallel_loop3A_482 = tpu.vector_load %arg7[%parallel_loop3A_480, %parallel_loop3A_481] {strides = array<i32>} : memref<128x64xf32, #tpu.memory_space<vmem>>, vector<16xf32>,
        tpu.vector_store_idx %arg9[%select_n3A_172, %select_n3A_270, %parallel_loop3A_470], %parallel_loop3A_482 : memref<8x8x129xf32, #tpu.memory_space<vmem>>[vector<16xi32>, vector<16xi32>, vector<16xi32>], vector<16xf32>,
        %parallel_loop3A_483 = arith.constant 5 : i32
        %parallel_loop3A_484 = arith.addi %parallel_loop3A_407, %parallel_loop3A_483 : i32
        %parallel_loop3A_485 = vector.broadcast %parallel_loop3A_484 : i32 to vector<16xi32>
        %parallel_loop3A_486 = arith.index_cast %parallel_loop3A_484 : i32 to index
        %parallel_loop3A_487 = arith.constant 0 : index
        %parallel_loop3A_488 = tpu.vector_load %arg7[%parallel_loop3A_486, %parallel_loop3A_487] {strides = array<i32>} : memref<128x64xf32, #tpu.memory_space<vmem>>, vector<16xf32>,
        tpu.vector_store_idx %arg9[%select_n3A, %select_n3A_195, %parallel_loop3A_485], %parallel_loop3A_488 : memref<8x8x129xf32, #tpu.memory_space<vmem>>[vector<16xi32>, vector<16xi32>, vector<16xi32>], vector<16xf32>,
        %parallel_loop3A_489 = arith.index_cast %parallel_loop3A_484 : i32 to index
        %parallel_loop3A_490 = arith.constant 16 : index
        %parallel_loop3A_491 = tpu.vector_load %arg7[%parallel_loop3A_489, %parallel_loop3A_490] {strides = array<i32>} : memref<128x64xf32, #tpu.memory_space<vmem>>, vector<16xf32>,
        tpu.vector_store_idx %arg9[%select_n3A_104, %select_n3A_220, %parallel_loop3A_485], %parallel_loop3A_491 : memref<8x8x129xf32, #tpu.memory_space<vmem>>[vector<16xi32>, vector<16xi32>, vector<16xi32>], vector<16xf32>,
        %parallel_loop3A_492 = arith.index_cast %parallel_loop3A_484 : i32 to index
        %parallel_loop3A_493 = arith.constant 32 : index
        %parallel_loop3A_494 = tpu.vector_load %arg7[%parallel_loop3A_492, %parallel_loop3A_493] {strides = array<i32>} : memref<128x64xf32, #tpu.memory_space<vmem>>, vector<16xf32>,
        tpu.vector_store_idx %arg9[%select_n3A_138, %select_n3A_245, %parallel_loop3A_485], %parallel_loop3A_494 : memref<8x8x129xf32, #tpu.memory_space<vmem>>[vector<16xi32>, vector<16xi32>, vector<16xi32>], vector<16xf32>,
        %parallel_loop3A_495 = arith.index_cast %parallel_loop3A_484 : i32 to index
        %parallel_loop3A_496 = arith.constant 48 : index
        %parallel_loop3A_497 = tpu.vector_load %arg7[%parallel_loop3A_495, %parallel_loop3A_496] {strides = array<i32>} : memref<128x64xf32, #tpu.memory_space<vmem>>, vector<16xf32>,
        tpu.vector_store_idx %arg9[%select_n3A_172, %select_n3A_270, %parallel_loop3A_485], %parallel_loop3A_497 : memref<8x8x129xf32, #tpu.memory_space<vmem>>[vector<16xi32>, vector<16xi32>, vector<16xi32>], vector<16xf32>,
        %parallel_loop3A_498 = arith.constant 6 : i32
        %parallel_loop3A_499 = arith.addi %parallel_loop3A_407, %parallel_loop3A_498 : i32
        %parallel_loop3A_500 = vector.broadcast %parallel_loop3A_499 : i32 to vector<16xi32>
        %parallel_loop3A_501 = arith.index_cast %parallel_loop3A_499 : i32 to index
        %parallel_loop3A_502 = arith.constant 0 : index
        %parallel_loop3A_503 = tpu.vector_load %arg7[%parallel_loop3A_501, %parallel_loop3A_502] {strides = array<i32>} : memref<128x64xf32, #tpu.memory_space<vmem>>, vector<16xf32>,
        tpu.vector_store_idx %arg9[%select_n3A, %select_n3A_195, %parallel_loop3A_500], %parallel_loop3A_503 : memref<8x8x129xf32, #tpu.memory_space<vmem>>[vector<16xi32>, vector<16xi32>, vector<16xi32>], vector<16xf32>,
        %parallel_loop3A_504 = arith.index_cast %parallel_loop3A_499 : i32 to index
        %parallel_loop3A_505 = arith.constant 16 : index
        %parallel_loop3A_506 = tpu.vector_load %arg7[%parallel_loop3A_504, %parallel_loop3A_505] {strides = array<i32>} : memref<128x64xf32, #tpu.memory_space<vmem>>, vector<16xf32>,
        tpu.vector_store_idx %arg9[%select_n3A_104, %select_n3A_220, %parallel_loop3A_500], %parallel_loop3A_506 : memref<8x8x129xf32, #tpu.memory_space<vmem>>[vector<16xi32>, vector<16xi32>, vector<16xi32>], vector<16xf32>,
        %parallel_loop3A_507 = arith.index_cast %parallel_loop3A_499 : i32 to index
        %parallel_loop3A_508 = arith.constant 32 : index
        %parallel_loop3A_509 = tpu.vector_load %arg7[%parallel_loop3A_507, %parallel_loop3A_508] {strides = array<i32>} : memref<128x64xf32, #tpu.memory_space<vmem>>, vector<16xf32>,
        tpu.vector_store_idx %arg9[%select_n3A_138, %select_n3A_245, %parallel_loop3A_500], %parallel_loop3A_509 : memref<8x8x129xf32, #tpu.memory_space<vmem>>[vector<16xi32>, vector<16xi32>, vector<16xi32>], vector<16xf32>,
        %parallel_loop3A_510 = arith.index_cast %parallel_loop3A_499 : i32 to index
        %parallel_loop3A_511 = arith.constant 48 : index
        %parallel_loop3A_512 = tpu.vector_load %arg7[%parallel_loop3A_510, %parallel_loop3A_511] {strides = array<i32>} : memref<128x64xf32, #tpu.memory_space<vmem>>, vector<16xf32>,
        tpu.vector_store_idx %arg9[%select_n3A_172, %select_n3A_270, %parallel_loop3A_500], %parallel_loop3A_512 : memref<8x8x129xf32, #tpu.memory_space<vmem>>[vector<16xi32>, vector<16xi32>, vector<16xi32>], vector<16xf32>,
        %parallel_loop3A_513 = arith.constant 7 : i32
        %parallel_loop3A_514 = arith.addi %parallel_loop3A_407, %parallel_loop3A_513 : i32
        %parallel_loop3A_515 = vector.broadcast %parallel_loop3A_514 : i32 to vector<16xi32>
        %parallel_loop3A_516 = arith.index_cast %parallel_loop3A_514 : i32 to index
        %parallel_loop3A_517 = arith.constant 0 : index
        %parallel_loop3A_518 = tpu.vector_load %arg7[%parallel_loop3A_516, %parallel_loop3A_517] {strides = array<i32>} : memref<128x64xf32, #tpu.memory_space<vmem>>, vector<16xf32>,
        tpu.vector_store_idx %arg9[%select_n3A, %select_n3A_195, %parallel_loop3A_515], %parallel_loop3A_518 : memref<8x8x129xf32, #tpu.memory_space<vmem>>[vector<16xi32>, vector<16xi32>, vector<16xi32>], vector<16xf32>,
        %parallel_loop3A_519 = arith.index_cast %parallel_loop3A_514 : i32 to index
        %parallel_loop3A_520 = arith.constant 16 : index
        %parallel_loop3A_521 = tpu.vector_load %arg7[%parallel_loop3A_519, %parallel_loop3A_520] {strides = array<i32>} : memref<128x64xf32, #tpu.memory_space<vmem>>, vector<16xf32>,
        tpu.vector_store_idx %arg9[%select_n3A_104, %select_n3A_220, %parallel_loop3A_515], %parallel_loop3A_521 : memref<8x8x129xf32, #tpu.memory_space<vmem>>[vector<16xi32>, vector<16xi32>, vector<16xi32>], vector<16xf32>,
        %parallel_loop3A_522 = arith.index_cast %parallel_loop3A_514 : i32 to index
        %parallel_loop3A_523 = arith.constant 32 : index
        %parallel_loop3A_524 = tpu.vector_load %arg7[%parallel_loop3A_522, %parallel_loop3A_523] {strides = array<i32>} : memref<128x64xf32, #tpu.memory_space<vmem>>, vector<16xf32>,
        tpu.vector_store_idx %arg9[%select_n3A_138, %select_n3A_245, %parallel_loop3A_515], %parallel_loop3A_524 : memref<8x8x129xf32, #tpu.memory_space<vmem>>[vector<16xi32>, vector<16xi32>, vector<16xi32>], vector<16xf32>,
        %parallel_loop3A_525 = arith.index_cast %parallel_loop3A_514 : i32 to index
        %parallel_loop3A_526 = arith.constant 48 : index
        %parallel_loop3A_527 = tpu.vector_load %arg7[%parallel_loop3A_525, %parallel_loop3A_526] {strides = array<i32>} : memref<128x64xf32, #tpu.memory_space<vmem>>, vector<16xf32>,
        tpu.vector_store_idx %arg9[%select_n3A_172, %select_n3A_270, %parallel_loop3A_515], %parallel_loop3A_527 : memref<8x8x129xf32, #tpu.memory_space<vmem>>[vector<16xi32>, vector<16xi32>, vector<16xi32>], vector<16xf32>,
      } {sc.loop_unroll_factor = 2 : i64, sc.parallel_access}
      %mul3A_344 = arith.constant 8 : i32
      %mul3A_345 = arith.muli %mul3A_329, %mul3A_344 : i32
      %dma_start3A_346 = arith.constant 0 : i32
      %dma_start3A_347 = arith.constant 0 : i32
      %dma_start3A_348 = arith.constant 0 : i32
      %dma_start3A_349 = tpu.memref_slice %arg9[%dma_start3A_346, %dma_start3A_347, %dma_start3A_348] : memref<8x8x129xf32, #tpu.memory_space<vmem>> -> memref<8x8x128xf32, #tpu.memory_space<vmem>>
      %dma_start3A_350 = arith.constant 0 : i32
      %dma_start3A_351 = arith.constant 0 : i32
      %dma_start3A_352 = tpu.memref_slice %arg4[%mul3A_345, %add3A, %dma_start3A_350, %dma_start3A_351] : memref<1600x32x8x128xf32, #tpu.memory_space<hbm>> -> memref<8x1x8x128xf32, #tpu.memory_space<hbm>>
      %dma_start3A_353 = tpu.memref_squeeze %dma_start3A_352 : memref<8x1x8x128xf32, #tpu.memory_space<hbm>> -> memref<8x8x128xf32, #tpu.memory_space<hbm>>
      %dma_start3A_354 = arith.constant 0 : i32
      %dma_start3A_355 = arith.constant 0 : i32
      %dma_start3A_356 = tpu.memref_slice %arg4[%mul3A_345, %add3A, %dma_start3A_354, %dma_start3A_355] : memref<1600x32x8x128xf32, #tpu.memory_space<hbm>> -> memref<8x1x8x128xf32, #tpu.memory_space<hbm>>
      %dma_start3A_357 = tpu.memref_squeeze %dma_start3A_356 : memref<8x1x8x128xf32, #tpu.memory_space<hbm>> -> memref<8x8x128xf32, #tpu.memory_space<hbm>>
      %dma_start3A_358 = arith.constant 0 : i32
      %dma_start3A_359 = arith.constant 0 : i32
      %dma_start3A_360 = arith.constant 0 : i32
      %dma_start3A_361 = tpu.memref_slice %arg9[%dma_start3A_358, %dma_start3A_359, %dma_start3A_360] : memref<8x8x129xf32, #tpu.memory_space<vmem>> -> memref<8x8x128xf32, #tpu.memory_space<vmem>>
      tpu.enqueue_dma source(%dma_start3A_361 : memref<8x8x128xf32, #tpu.memory_space<vmem>>) target(%dma_start3A_357 : memref<8x8x128xf32, #tpu.memory_space<hbm>>) target_semaphore(%arg13 : memref<!tpu.dma_semaphore, #tpu.memory_space<semaphore_mem>>)
      %lt3A_362 = arith.constant 99 : i32
      %lt3A_363 = arith.cmpi slt, %scan3A_326, %lt3A_362 : i32
      %convert_element_type3A_364 = arith.extui %lt3A_363 : i1 to i32
      %cond3A_365 = arith.constant 0 : i32
      %cond3A_366 = arith.cmpi ne, %convert_element_type3A_364, %cond3A_365 : i32
      scf.if %cond3A_366 {
        %add3A_405 = arith.constant 2 : i32
        %add3A_406 = arith.addi %mul3A_329, %add3A_405 : i32
        %dma_start3A_407 = arith.constant 0 : i32
        %dma_start3A_408 = tpu.memref_slice %arg6[%add3A_406, %dma_start3A_407] : memref<200x128xi32, #tpu.memory_space<vmem>> -> memref<1x128xi32, #tpu.memory_space<vmem>>
        %dma_start3A_409 = tpu.memref_squeeze %dma_start3A_408 : memref<1x128xi32, #tpu.memory_space<vmem>> -> memref<128xi32, #tpu.memory_space<vmem>>
        %dma_start3A_410 = arith.constant 0 : i32
        %dma_start3A_411 = arith.constant 0 : i32
        %dma_start3A_412 = tpu.memref_slice %arg3[%dma_start3A_410, %dma_start3A_411] : memref<8192x64xf32, #tpu.memory_space<hbm>> -> memref<8192x64xf32, #tpu.memory_space<hbm>>
        tpu.enqueue_indirect_dma source(%dma_start3A_412 : memref<8192x64xf32, #tpu.memory_space<hbm>>) target(%arg7 : memref<128x64xf32, #tpu.memory_space<vmem>>) offsets(%dma_start3A_409 : memref<128xi32, #tpu.memory_space<vmem>>) semaphore(%arg11 : memref<!tpu.dma_semaphore, #tpu.memory_space<semaphore_mem>>)
      } else {
      }
      %dma_wait3A_367 = arith.constant 0 : i32
      %dma_wait3A_368 = arith.constant 0 : i32
      %dma_wait3A_369 = tpu.memref_slice %arg3[%dma_wait3A_367, %dma_wait3A_368] : memref<8192x64xf32, #tpu.memory_space<hbm>> -> memref<128x64xf32, #tpu.memory_space<hbm>>
      %dma_wait3A_370 = arith.constant 0 : i32
      %dma_wait3A_371 = arith.constant 0 : i32
      %dma_wait3A_372 = tpu.memref_slice %arg3[%dma_wait3A_370, %dma_wait3A_371] : memref<8192x64xf32, #tpu.memory_space<hbm>> -> memref<128x64xf32, #tpu.memory_space<hbm>>
      tpu.wait_dma2 semaphore(%arg12 : memref<!tpu.dma_semaphore, #tpu.memory_space<semaphore_mem>>) src(%dma_wait3A_372 : memref<128x64xf32, #tpu.memory_space<hbm>>) dst(%arg8 : memref<128x64xf32, #tpu.memory_space<vmem>>)
      %gt3A_373 = arith.constant 0 : i32
      %gt3A_374 = arith.cmpi sgt, %scan3A_326, %gt3A_373 : i32
      %convert_element_type3A_375 = arith.extui %gt3A_374 : i1 to i32
      %cond3A_376 = arith.constant 0 : i32
      %cond3A_377 = arith.cmpi ne, %convert_element_type3A_375, %cond3A_376 : i32
      scf.if %cond3A_377 {
        %sub3A_405 = arith.constant 2 : i32
        %sub3A_406 = arith.subi %add3A_333, %sub3A_405 : i32
        %mul3A_407 = arith.constant 8 : i32
        %mul3A_408 = arith.muli %sub3A_406, %mul3A_407 : i32
        %dma_wait3A_409 = arith.constant 0 : i32
        %dma_wait3A_410 = arith.constant 0 : i32
        %dma_wait3A_411 = arith.constant 0 : i32
        %dma_wait3A_412 = tpu.memref_slice %arg10[%dma_wait3A_409, %dma_wait3A_410, %dma_wait3A_411] : memref<8x8x129xf32, #tpu.memory_space<vmem>> -> memref<8x8x128xf32, #tpu.memory_space<vmem>>
        %dma_wait3A_413 = arith.constant 0 : i32
        %dma_wait3A_414 = arith.constant 0 : i32
        %dma_wait3A_415 = tpu.memref_slice %arg4[%mul3A_408, %add3A, %dma_wait3A_413, %dma_wait3A_414] : memref<1600x32x8x128xf32, #tpu.memory_space<hbm>> -> memref<8x1x8x128xf32, #tpu.memory_space<hbm>>
        %dma_wait3A_416 = tpu.memref_squeeze %dma_wait3A_415 : memref<8x1x8x128xf32, #tpu.memory_space<hbm>> -> memref<8x8x128xf32, #tpu.memory_space<hbm>>
        %dma_wait3A_417 = arith.constant 0 : i32
        %dma_wait3A_418 = arith.constant 0 : i32
        %dma_wait3A_419 = tpu.memref_slice %arg4[%mul3A_408, %add3A, %dma_wait3A_417, %dma_wait3A_418] : memref<1600x32x8x128xf32, #tpu.memory_space<hbm>> -> memref<8x1x8x128xf32, #tpu.memory_space<hbm>>
        %dma_wait3A_420 = tpu.memref_squeeze %dma_wait3A_419 : memref<8x1x8x128xf32, #tpu.memory_space<hbm>> -> memref<8x8x128xf32, #tpu.memory_space<hbm>>
        %dma_wait3A_421 = arith.constant 0 : i32
        %dma_wait3A_422 = arith.constant 0 : i32
        %dma_wait3A_423 = arith.constant 0 : i32
        %dma_wait3A_424 = tpu.memref_slice %arg10[%dma_wait3A_421, %dma_wait3A_422, %dma_wait3A_423] : memref<8x8x129xf32, #tpu.memory_space<vmem>> -> memref<8x8x128xf32, #tpu.memory_space<vmem>>
        tpu.wait_dma2 semaphore(%arg14 : memref<!tpu.dma_semaphore, #tpu.memory_space<semaphore_mem>>) src(%dma_wait3A_424 : memref<8x8x128xf32, #tpu.memory_space<vmem>>) dst(%dma_wait3A_420 : memref<8x8x128xf32, #tpu.memory_space<hbm>>)
      } else {
      }
      %parallel_loop3A_378 = arith.constant 0 : i32
      %parallel_loop3A_379 = arith.constant 16 : i32
      %parallel_loop3A_380 = arith.constant 1 : i32
      scf.for %parallel_loop3A_405 = %parallel_loop3A_378 to %parallel_loop3A_379 step %parallel_loop3A_380  : i32 {
        %parallel_loop3A_406 = arith.constant 8 : i32
        %parallel_loop3A_407 = arith.muli %parallel_loop3A_405, %parallel_loop3A_406 : i32
        %parallel_loop3A_408 = arith.constant 0 : i32
        %parallel_loop3A_409 = arith.addi %parallel_loop3A_407, %parallel_loop3A_408 : i32
        %parallel_loop3A_410 = vector.broadcast %parallel_loop3A_409 : i32 to vector<16xi32>
        %parallel_loop3A_411 = arith.index_cast %parallel_loop3A_409 : i32 to index
        %parallel_loop3A_412 = arith.constant 0 : index
        %parallel_loop3A_413 = tpu.vector_load %arg8[%parallel_loop3A_411, %parallel_loop3A_412] {strides = array<i32>} : memref<128x64xf32, #tpu.memory_space<vmem>>, vector<16xf32>,
        tpu.vector_store_idx %arg10[%select_n3A, %select_n3A_195, %parallel_loop3A_410], %parallel_loop3A_413 : memref<8x8x129xf32, #tpu.memory_space<vmem>>[vector<16xi32>, vector<16xi32>, vector<16xi32>], vector<16xf32>,
        %parallel_loop3A_414 = arith.index_cast %parallel_loop3A_409 : i32 to index
        %parallel_loop3A_415 = arith.constant 16 : index
        %parallel_loop3A_416 = tpu.vector_load %arg8[%parallel_loop3A_414, %parallel_loop3A_415] {strides = array<i32>} : memref<128x64xf32, #tpu.memory_space<vmem>>, vector<16xf32>,
        tpu.vector_store_idx %arg10[%select_n3A_104, %select_n3A_220, %parallel_loop3A_410], %parallel_loop3A_416 : memref<8x8x129xf32, #tpu.memory_space<vmem>>[vector<16xi32>, vector<16xi32>, vector<16xi32>], vector<16xf32>,
        %parallel_loop3A_417 = arith.index_cast %parallel_loop3A_409 : i32 to index
        %parallel_loop3A_418 = arith.constant 32 : index
        %parallel_loop3A_419 = tpu.vector_load %arg8[%parallel_loop3A_417, %parallel_loop3A_418] {strides = array<i32>} : memref<128x64xf32, #tpu.memory_space<vmem>>, vector<16xf32>,
        tpu.vector_store_idx %arg10[%select_n3A_138, %select_n3A_245, %parallel_loop3A_410], %parallel_loop3A_419 : memref<8x8x129xf32, #tpu.memory_space<vmem>>[vector<16xi32>, vector<16xi32>, vector<16xi32>], vector<16xf32>,
        %parallel_loop3A_420 = arith.index_cast %parallel_loop3A_409 : i32 to index
        %parallel_loop3A_421 = arith.constant 48 : index
        %parallel_loop3A_422 = tpu.vector_load %arg8[%parallel_loop3A_420, %parallel_loop3A_421] {strides = array<i32>} : memref<128x64xf32, #tpu.memory_space<vmem>>, vector<16xf32>,
        tpu.vector_store_idx %arg10[%select_n3A_172, %select_n3A_270, %parallel_loop3A_410], %parallel_loop3A_422 : memref<8x8x129xf32, #tpu.memory_space<vmem>>[vector<16xi32>, vector<16xi32>, vector<16xi32>], vector<16xf32>,
        %parallel_loop3A_423 = arith.constant 1 : i32
        %parallel_loop3A_424 = arith.addi %parallel_loop3A_407, %parallel_loop3A_423 : i32
        %parallel_loop3A_425 = vector.broadcast %parallel_loop3A_424 : i32 to vector<16xi32>
        %parallel_loop3A_426 = arith.index_cast %parallel_loop3A_424 : i32 to index
        %parallel_loop3A_427 = arith.constant 0 : index
        %parallel_loop3A_428 = tpu.vector_load %arg8[%parallel_loop3A_426, %parallel_loop3A_427] {strides = array<i32>} : memref<128x64xf32, #tpu.memory_space<vmem>>, vector<16xf32>,
        tpu.vector_store_idx %arg10[%select_n3A, %select_n3A_195, %parallel_loop3A_425], %parallel_loop3A_428 : memref<8x8x129xf32, #tpu.memory_space<vmem>>[vector<16xi32>, vector<16xi32>, vector<16xi32>], vector<16xf32>,
        %parallel_loop3A_429 = arith.index_cast %parallel_loop3A_424 : i32 to index
        %parallel_loop3A_430 = arith.constant 16 : index
        %parallel_loop3A_431 = tpu.vector_load %arg8[%parallel_loop3A_429, %parallel_loop3A_430] {strides = array<i32>} : memref<128x64xf32, #tpu.memory_space<vmem>>, vector<16xf32>,
        tpu.vector_store_idx %arg10[%select_n3A_104, %select_n3A_220, %parallel_loop3A_425], %parallel_loop3A_431 : memref<8x8x129xf32, #tpu.memory_space<vmem>>[vector<16xi32>, vector<16xi32>, vector<16xi32>], vector<16xf32>,
        %parallel_loop3A_432 = arith.index_cast %parallel_loop3A_424 : i32 to index
        %parallel_loop3A_433 = arith.constant 32 : index
        %parallel_loop3A_434 = tpu.vector_load %arg8[%parallel_loop3A_432, %parallel_loop3A_433] {strides = array<i32>} : memref<128x64xf32, #tpu.memory_space<vmem>>, vector<16xf32>,
        tpu.vector_store_idx %arg10[%select_n3A_138, %select_n3A_245, %parallel_loop3A_425], %parallel_loop3A_434 : memref<8x8x129xf32, #tpu.memory_space<vmem>>[vector<16xi32>, vector<16xi32>, vector<16xi32>], vector<16xf32>,
        %parallel_loop3A_435 = arith.index_cast %parallel_loop3A_424 : i32 to index
        %parallel_loop3A_436 = arith.constant 48 : index
        %parallel_loop3A_437 = tpu.vector_load %arg8[%parallel_loop3A_435, %parallel_loop3A_436] {strides = array<i32>} : memref<128x64xf32, #tpu.memory_space<vmem>>, vector<16xf32>,
        tpu.vector_store_idx %arg10[%select_n3A_172, %select_n3A_270, %parallel_loop3A_425], %parallel_loop3A_437 : memref<8x8x129xf32, #tpu.memory_space<vmem>>[vector<16xi32>, vector<16xi32>, vector<16xi32>], vector<16xf32>,
        %parallel_loop3A_438 = arith.constant 2 : i32
        %parallel_loop3A_439 = arith.addi %parallel_loop3A_407, %parallel_loop3A_438 : i32
        %parallel_loop3A_440 = vector.broadcast %parallel_loop3A_439 : i32 to vector<16xi32>
        %parallel_loop3A_441 = arith.index_cast %parallel_loop3A_439 : i32 to index
        %parallel_loop3A_442 = arith.constant 0 : index
        %parallel_loop3A_443 = tpu.vector_load %arg8[%parallel_loop3A_441, %parallel_loop3A_442] {strides = array<i32>} : memref<128x64xf32, #tpu.memory_space<vmem>>, vector<16xf32>,
        tpu.vector_store_idx %arg10[%select_n3A, %select_n3A_195, %parallel_loop3A_440], %parallel_loop3A_443 : memref<8x8x129xf32, #tpu.memory_space<vmem>>[vector<16xi32>, vector<16xi32>, vector<16xi32>], vector<16xf32>,
        %parallel_loop3A_444 = arith.index_cast %parallel_loop3A_439 : i32 to index
        %parallel_loop3A_445 = arith.constant 16 : index
        %parallel_loop3A_446 = tpu.vector_load %arg8[%parallel_loop3A_444, %parallel_loop3A_445] {strides = array<i32>} : memref<128x64xf32, #tpu.memory_space<vmem>>, vector<16xf32>,
        tpu.vector_store_idx %arg10[%select_n3A_104, %select_n3A_220, %parallel_loop3A_440], %parallel_loop3A_446 : memref<8x8x129xf32, #tpu.memory_space<vmem>>[vector<16xi32>, vector<16xi32>, vector<16xi32>], vector<16xf32>,
        %parallel_loop3A_447 = arith.index_cast %parallel_loop3A_439 : i32 to index
        %parallel_loop3A_448 = arith.constant 32 : index
        %parallel_loop3A_449 = tpu.vector_load %arg8[%parallel_loop3A_447, %parallel_loop3A_448] {strides = array<i32>} : memref<128x64xf32, #tpu.memory_space<vmem>>, vector<16xf32>,
        tpu.vector_store_idx %arg10[%select_n3A_138, %select_n3A_245, %parallel_loop3A_440], %parallel_loop3A_449 : memref<8x8x129xf32, #tpu.memory_space<vmem>>[vector<16xi32>, vector<16xi32>, vector<16xi32>], vector<16xf32>,
        %parallel_loop3A_450 = arith.index_cast %parallel_loop3A_439 : i32 to index
        %parallel_loop3A_451 = arith.constant 48 : index
        %parallel_loop3A_452 = tpu.vector_load %arg8[%parallel_loop3A_450, %parallel_loop3A_451] {strides = array<i32>} : memref<128x64xf32, #tpu.memory_space<vmem>>, vector<16xf32>,
        tpu.vector_store_idx %arg10[%select_n3A_172, %select_n3A_270, %parallel_loop3A_440], %parallel_loop3A_452 : memref<8x8x129xf32, #tpu.memory_space<vmem>>[vector<16xi32>, vector<16xi32>, vector<16xi32>], vector<16xf32>,
        %parallel_loop3A_453 = arith.constant 3 : i32
        %parallel_loop3A_454 = arith.addi %parallel_loop3A_407, %parallel_loop3A_453 : i32
        %parallel_loop3A_455 = vector.broadcast %parallel_loop3A_454 : i32 to vector<16xi32>
        %parallel_loop3A_456 = arith.index_cast %parallel_loop3A_454 : i32 to index
        %parallel_loop3A_457 = arith.constant 0 : index
        %parallel_loop3A_458 = tpu.vector_load %arg8[%parallel_loop3A_456, %parallel_loop3A_457] {strides = array<i32>} : memref<128x64xf32, #tpu.memory_space<vmem>>, vector<16xf32>,
        tpu.vector_store_idx %arg10[%select_n3A, %select_n3A_195, %parallel_loop3A_455], %parallel_loop3A_458 : memref<8x8x129xf32, #tpu.memory_space<vmem>>[vector<16xi32>, vector<16xi32>, vector<16xi32>], vector<16xf32>,
        %parallel_loop3A_459 = arith.index_cast %parallel_loop3A_454 : i32 to index
        %parallel_loop3A_460 = arith.constant 16 : index
        %parallel_loop3A_461 = tpu.vector_load %arg8[%parallel_loop3A_459, %parallel_loop3A_460] {strides = array<i32>} : memref<128x64xf32, #tpu.memory_space<vmem>>, vector<16xf32>,
        tpu.vector_store_idx %arg10[%select_n3A_104, %select_n3A_220, %parallel_loop3A_455], %parallel_loop3A_461 : memref<8x8x129xf32, #tpu.memory_space<vmem>>[vector<16xi32>, vector<16xi32>, vector<16xi32>], vector<16xf32>,
        %parallel_loop3A_462 = arith.index_cast %parallel_loop3A_454 : i32 to index
        %parallel_loop3A_463 = arith.constant 32 : index
        %parallel_loop3A_464 = tpu.vector_load %arg8[%parallel_loop3A_462, %parallel_loop3A_463] {strides = array<i32>} : memref<128x64xf32, #tpu.memory_space<vmem>>, vector<16xf32>,
        tpu.vector_store_idx %arg10[%select_n3A_138, %select_n3A_245, %parallel_loop3A_455], %parallel_loop3A_464 : memref<8x8x129xf32, #tpu.memory_space<vmem>>[vector<16xi32>, vector<16xi32>, vector<16xi32>], vector<16xf32>,
        %parallel_loop3A_465 = arith.index_cast %parallel_loop3A_454 : i32 to index
        %parallel_loop3A_466 = arith.constant 48 : index
        %parallel_loop3A_467 = tpu.vector_load %arg8[%parallel_loop3A_465, %parallel_loop3A_466] {strides = array<i32>} : memref<128x64xf32, #tpu.memory_space<vmem>>, vector<16xf32>,
        tpu.vector_store_idx %arg10[%select_n3A_172, %select_n3A_270, %parallel_loop3A_455], %parallel_loop3A_467 : memref<8x8x129xf32, #tpu.memory_space<vmem>>[vector<16xi32>, vector<16xi32>, vector<16xi32>], vector<16xf32>,
        %parallel_loop3A_468 = arith.constant 4 : i32
        %parallel_loop3A_469 = arith.addi %parallel_loop3A_407, %parallel_loop3A_468 : i32
        %parallel_loop3A_470 = vector.broadcast %parallel_loop3A_469 : i32 to vector<16xi32>
        %parallel_loop3A_471 = arith.index_cast %parallel_loop3A_469 : i32 to index
        %parallel_loop3A_472 = arith.constant 0 : index
        %parallel_loop3A_473 = tpu.vector_load %arg8[%parallel_loop3A_471, %parallel_loop3A_472] {strides = array<i32>} : memref<128x64xf32, #tpu.memory_space<vmem>>, vector<16xf32>,
        tpu.vector_store_idx %arg10[%select_n3A, %select_n3A_195, %parallel_loop3A_470], %parallel_loop3A_473 : memref<8x8x129xf32, #tpu.memory_space<vmem>>[vector<16xi32>, vector<16xi32>, vector<16xi32>], vector<16xf32>,
        %parallel_loop3A_474 = arith.index_cast %parallel_loop3A_469 : i32 to index
        %parallel_loop3A_475 = arith.constant 16 : index
        %parallel_loop3A_476 = tpu.vector_load %arg8[%parallel_loop3A_474, %parallel_loop3A_475] {strides = array<i32>} : memref<128x64xf32, #tpu.memory_space<vmem>>, vector<16xf32>,
        tpu.vector_store_idx %arg10[%select_n3A_104, %select_n3A_220, %parallel_loop3A_470], %parallel_loop3A_476 : memref<8x8x129xf32, #tpu.memory_space<vmem>>[vector<16xi32>, vector<16xi32>, vector<16xi32>], vector<16xf32>,
        %parallel_loop3A_477 = arith.index_cast %parallel_loop3A_469 : i32 to index
        %parallel_loop3A_478 = arith.constant 32 : index
        %parallel_loop3A_479 = tpu.vector_load %arg8[%parallel_loop3A_477, %parallel_loop3A_478] {strides = array<i32>} : memref<128x64xf32, #tpu.memory_space<vmem>>, vector<16xf32>,
        tpu.vector_store_idx %arg10[%select_n3A_138, %select_n3A_245, %parallel_loop3A_470], %parallel_loop3A_479 : memref<8x8x129xf32, #tpu.memory_space<vmem>>[vector<16xi32>, vector<16xi32>, vector<16xi32>], vector<16xf32>,
        %parallel_loop3A_480 = arith.index_cast %parallel_loop3A_469 : i32 to index
        %parallel_loop3A_481 = arith.constant 48 : index
        %parallel_loop3A_482 = tpu.vector_load %arg8[%parallel_loop3A_480, %parallel_loop3A_481] {strides = array<i32>} : memref<128x64xf32, #tpu.memory_space<vmem>>, vector<16xf32>,
        tpu.vector_store_idx %arg10[%select_n3A_172, %select_n3A_270, %parallel_loop3A_470], %parallel_loop3A_482 : memref<8x8x129xf32, #tpu.memory_space<vmem>>[vector<16xi32>, vector<16xi32>, vector<16xi32>], vector<16xf32>,
        %parallel_loop3A_483 = arith.constant 5 : i32
        %parallel_loop3A_484 = arith.addi %parallel_loop3A_407, %parallel_loop3A_483 : i32
        %parallel_loop3A_485 = vector.broadcast %parallel_loop3A_484 : i32 to vector<16xi32>
        %parallel_loop3A_486 = arith.index_cast %parallel_loop3A_484 : i32 to index
        %parallel_loop3A_487 = arith.constant 0 : index
        %parallel_loop3A_488 = tpu.vector_load %arg8[%parallel_loop3A_486, %parallel_loop3A_487] {strides = array<i32>} : memref<128x64xf32, #tpu.memory_space<vmem>>, vector<16xf32>,
        tpu.vector_store_idx %arg10[%select_n3A, %select_n3A_195, %parallel_loop3A_485], %parallel_loop3A_488 : memref<8x8x129xf32, #tpu.memory_space<vmem>>[vector<16xi32>, vector<16xi32>, vector<16xi32>], vector<16xf32>,
        %parallel_loop3A_489 = arith.index_cast %parallel_loop3A_484 : i32 to index
        %parallel_loop3A_490 = arith.constant 16 : index
        %parallel_loop3A_491 = tpu.vector_load %arg8[%parallel_loop3A_489, %parallel_loop3A_490] {strides = array<i32>} : memref<128x64xf32, #tpu.memory_space<vmem>>, vector<16xf32>,
        tpu.vector_store_idx %arg10[%select_n3A_104, %select_n3A_220, %parallel_loop3A_485], %parallel_loop3A_491 : memref<8x8x129xf32, #tpu.memory_space<vmem>>[vector<16xi32>, vector<16xi32>, vector<16xi32>], vector<16xf32>,
        %parallel_loop3A_492 = arith.index_cast %parallel_loop3A_484 : i32 to index
        %parallel_loop3A_493 = arith.constant 32 : index
        %parallel_loop3A_494 = tpu.vector_load %arg8[%parallel_loop3A_492, %parallel_loop3A_493] {strides = array<i32>} : memref<128x64xf32, #tpu.memory_space<vmem>>, vector<16xf32>,
        tpu.vector_store_idx %arg10[%select_n3A_138, %select_n3A_245, %parallel_loop3A_485], %parallel_loop3A_494 : memref<8x8x129xf32, #tpu.memory_space<vmem>>[vector<16xi32>, vector<16xi32>, vector<16xi32>], vector<16xf32>,
        %parallel_loop3A_495 = arith.index_cast %parallel_loop3A_484 : i32 to index
        %parallel_loop3A_496 = arith.constant 48 : index
        %parallel_loop3A_497 = tpu.vector_load %arg8[%parallel_loop3A_495, %parallel_loop3A_496] {strides = array<i32>} : memref<128x64xf32, #tpu.memory_space<vmem>>, vector<16xf32>,
        tpu.vector_store_idx %arg10[%select_n3A_172, %select_n3A_270, %parallel_loop3A_485], %parallel_loop3A_497 : memref<8x8x129xf32, #tpu.memory_space<vmem>>[vector<16xi32>, vector<16xi32>, vector<16xi32>], vector<16xf32>,
        %parallel_loop3A_498 = arith.constant 6 : i32
        %parallel_loop3A_499 = arith.addi %parallel_loop3A_407, %parallel_loop3A_498 : i32
        %parallel_loop3A_500 = vector.broadcast %parallel_loop3A_499 : i32 to vector<16xi32>
        %parallel_loop3A_501 = arith.index_cast %parallel_loop3A_499 : i32 to index
        %parallel_loop3A_502 = arith.constant 0 : index
        %parallel_loop3A_503 = tpu.vector_load %arg8[%parallel_loop3A_501, %parallel_loop3A_502] {strides = array<i32>} : memref<128x64xf32, #tpu.memory_space<vmem>>, vector<16xf32>,
        tpu.vector_store_idx %arg10[%select_n3A, %select_n3A_195, %parallel_loop3A_500], %parallel_loop3A_503 : memref<8x8x129xf32, #tpu.memory_space<vmem>>[vector<16xi32>, vector<16xi32>, vector<16xi32>], vector<16xf32>,
        %parallel_loop3A_504 = arith.index_cast %parallel_loop3A_499 : i32 to index
        %parallel_loop3A_505 = arith.constant 16 : index
        %parallel_loop3A_506 = tpu.vector_load %arg8[%parallel_loop3A_504, %parallel_loop3A_505] {strides = array<i32>} : memref<128x64xf32, #tpu.memory_space<vmem>>, vector<16xf32>,
        tpu.vector_store_idx %arg10[%select_n3A_104, %select_n3A_220, %parallel_loop3A_500], %parallel_loop3A_506 : memref<8x8x129xf32, #tpu.memory_space<vmem>>[vector<16xi32>, vector<16xi32>, vector<16xi32>], vector<16xf32>,
        %parallel_loop3A_507 = arith.index_cast %parallel_loop3A_499 : i32 to index
        %parallel_loop3A_508 = arith.constant 32 : index
        %parallel_loop3A_509 = tpu.vector_load %arg8[%parallel_loop3A_507, %parallel_loop3A_508] {strides = array<i32>} : memref<128x64xf32, #tpu.memory_space<vmem>>, vector<16xf32>,
        tpu.vector_store_idx %arg10[%select_n3A_138, %select_n3A_245, %parallel_loop3A_500], %parallel_loop3A_509 : memref<8x8x129xf32, #tpu.memory_space<vmem>>[vector<16xi32>, vector<16xi32>, vector<16xi32>], vector<16xf32>,
        %parallel_loop3A_510 = arith.index_cast %parallel_loop3A_499 : i32 to index
        %parallel_loop3A_511 = arith.constant 48 : index
        %parallel_loop3A_512 = tpu.vector_load %arg8[%parallel_loop3A_510, %parallel_loop3A_511] {strides = array<i32>} : memref<128x64xf32, #tpu.memory_space<vmem>>, vector<16xf32>,
        tpu.vector_store_idx %arg10[%select_n3A_172, %select_n3A_270, %parallel_loop3A_500], %parallel_loop3A_512 : memref<8x8x129xf32, #tpu.memory_space<vmem>>[vector<16xi32>, vector<16xi32>, vector<16xi32>], vector<16xf32>,
        %parallel_loop3A_513 = arith.constant 7 : i32
        %parallel_loop3A_514 = arith.addi %parallel_loop3A_407, %parallel_loop3A_513 : i32
        %parallel_loop3A_515 = vector.broadcast %parallel_loop3A_514 : i32 to vector<16xi32>
        %parallel_loop3A_516 = arith.index_cast %parallel_loop3A_514 : i32 to index
        %parallel_loop3A_517 = arith.constant 0 : index
        %parallel_loop3A_518 = tpu.vector_load %arg8[%parallel_loop3A_516, %parallel_loop3A_517] {strides = array<i32>} : memref<128x64xf32, #tpu.memory_space<vmem>>, vector<16xf32>,
        tpu.vector_store_idx %arg10[%select_n3A, %select_n3A_195, %parallel_loop3A_515], %parallel_loop3A_518 : memref<8x8x129xf32, #tpu.memory_space<vmem>>[vector<16xi32>, vector<16xi32>, vector<16xi32>], vector<16xf32>,
        %parallel_loop3A_519 = arith.index_cast %parallel_loop3A_514 : i32 to index
        %parallel_loop3A_520 = arith.constant 16 : index
        %parallel_loop3A_521 = tpu.vector_load %arg8[%parallel_loop3A_519, %parallel_loop3A_520] {strides = array<i32>} : memref<128x64xf32, #tpu.memory_space<vmem>>, vector<16xf32>,
        tpu.vector_store_idx %arg10[%select_n3A_104, %select_n3A_220, %parallel_loop3A_515], %parallel_loop3A_521 : memref<8x8x129xf32, #tpu.memory_space<vmem>>[vector<16xi32>, vector<16xi32>, vector<16xi32>], vector<16xf32>,
        %parallel_loop3A_522 = arith.index_cast %parallel_loop3A_514 : i32 to index
        %parallel_loop3A_523 = arith.constant 32 : index
        %parallel_loop3A_524 = tpu.vector_load %arg8[%parallel_loop3A_522, %parallel_loop3A_523] {strides = array<i32>} : memref<128x64xf32, #tpu.memory_space<vmem>>, vector<16xf32>,
        tpu.vector_store_idx %arg10[%select_n3A_138, %select_n3A_245, %parallel_loop3A_515], %parallel_loop3A_524 : memref<8x8x129xf32, #tpu.memory_space<vmem>>[vector<16xi32>, vector<16xi32>, vector<16xi32>], vector<16xf32>,
        %parallel_loop3A_525 = arith.index_cast %parallel_loop3A_514 : i32 to index
        %parallel_loop3A_526 = arith.constant 48 : index
        %parallel_loop3A_527 = tpu.vector_load %arg8[%parallel_loop3A_525, %parallel_loop3A_526] {strides = array<i32>} : memref<128x64xf32, #tpu.memory_space<vmem>>, vector<16xf32>,
        tpu.vector_store_idx %arg10[%select_n3A_172, %select_n3A_270, %parallel_loop3A_515], %parallel_loop3A_527 : memref<8x8x129xf32, #tpu.memory_space<vmem>>[vector<16xi32>, vector<16xi32>, vector<16xi32>], vector<16xf32>,
      } {sc.loop_unroll_factor = 2 : i64, sc.parallel_access}
      %mul3A_381 = arith.constant 8 : i32
      %mul3A_382 = arith.muli %add3A_333, %mul3A_381 : i32
      %dma_start3A_383 = arith.constant 0 : i32
      %dma_start3A_384 = arith.constant 0 : i32
      %dma_start3A_385 = arith.constant 0 : i32
      %dma_start3A_386 = tpu.memref_slice %arg10[%dma_start3A_383, %dma_start3A_384, %dma_start3A_385] : memref<8x8x129xf32, #tpu.memory_space<vmem>> -> memref<8x8x128xf32, #tpu.memory_space<vmem>>
      %dma_start3A_387 = arith.constant 0 : i32
      %dma_start3A_388 = arith.constant 0 : i32
      %dma_start3A_389 = tpu.memref_slice %arg4[%mul3A_382, %add3A, %dma_start3A_387, %dma_start3A_388] : memref<1600x32x8x128xf32, #tpu.memory_space<hbm>> -> memref<8x1x8x128xf32, #tpu.memory_space<hbm>>
      %dma_start3A_390 = tpu.memref_squeeze %dma_start3A_389 : memref<8x1x8x128xf32, #tpu.memory_space<hbm>> -> memref<8x8x128xf32, #tpu.memory_space<hbm>>
      %dma_start3A_391 = arith.constant 0 : i32
      %dma_start3A_392 = arith.constant 0 : i32
      %dma_start3A_393 = tpu.memref_slice %arg4[%mul3A_382, %add3A, %dma_start3A_391, %dma_start3A_392] : memref<1600x32x8x128xf32, #tpu.memory_space<hbm>> -> memref<8x1x8x128xf32, #tpu.memory_space<hbm>>
      %dma_start3A_394 = tpu.memref_squeeze %dma_start3A_393 : memref<8x1x8x128xf32, #tpu.memory_space<hbm>> -> memref<8x8x128xf32, #tpu.memory_space<hbm>>
      %dma_start3A_395 = arith.constant 0 : i32
      %dma_start3A_396 = arith.constant 0 : i32
      %dma_start3A_397 = arith.constant 0 : i32
      %dma_start3A_398 = tpu.memref_slice %arg10[%dma_start3A_395, %dma_start3A_396, %dma_start3A_397] : memref<8x8x129xf32, #tpu.memory_space<vmem>> -> memref<8x8x128xf32, #tpu.memory_space<vmem>>
      tpu.enqueue_dma source(%dma_start3A_398 : memref<8x8x128xf32, #tpu.memory_space<vmem>>) target(%dma_start3A_394 : memref<8x8x128xf32, #tpu.memory_space<hbm>>) target_semaphore(%arg14 : memref<!tpu.dma_semaphore, #tpu.memory_space<semaphore_mem>>)
      %lt3A_399 = arith.constant 99 : i32
      %lt3A_400 = arith.cmpi slt, %scan3A_326, %lt3A_399 : i32
      %convert_element_type3A_401 = arith.extui %lt3A_400 : i1 to i32
      %cond3A_402 = arith.constant 0 : i32
      %cond3A_403 = arith.cmpi ne, %convert_element_type3A_401, %cond3A_402 : i32
      scf.if %cond3A_403 {
        %add3A_405 = arith.constant 2 : i32
        %add3A_406 = arith.addi %add3A_333, %add3A_405 : i32
        %dma_start3A_407 = arith.constant 0 : i32
        %dma_start3A_408 = tpu.memref_slice %arg6[%add3A_406, %dma_start3A_407] : memref<200x128xi32, #tpu.memory_space<vmem>> -> memref<1x128xi32, #tpu.memory_space<vmem>>
        %dma_start3A_409 = tpu.memref_squeeze %dma_start3A_408 : memref<1x128xi32, #tpu.memory_space<vmem>> -> memref<128xi32, #tpu.memory_space<vmem>>
        %dma_start3A_410 = arith.constant 0 : i32
        %dma_start3A_411 = arith.constant 0 : i32
        %dma_start3A_412 = tpu.memref_slice %arg3[%dma_start3A_410, %dma_start3A_411] : memref<8192x64xf32, #tpu.memory_space<hbm>> -> memref<8192x64xf32, #tpu.memory_space<hbm>>
        tpu.enqueue_indirect_dma source(%dma_start3A_412 : memref<8192x64xf32, #tpu.memory_space<hbm>>) target(%arg8 : memref<128x64xf32, #tpu.memory_space<vmem>>) offsets(%dma_start3A_409 : memref<128xi32, #tpu.memory_space<vmem>>) semaphore(%arg12 : memref<!tpu.dma_semaphore, #tpu.memory_space<semaphore_mem>>)
      } else {
      }
      %scan3A_404 = arith.constant 0 : i32
      scf.yield %scan3A_404 : i32
    }
    %scan3A_290 = arith.constant 100 : i32
    %dma_wait3A = arith.constant 0 : i32
    %dma_wait3A_291 = arith.constant 0 : i32
    %dma_wait3A_292 = arith.constant 0 : i32
    %dma_wait3A_293 = tpu.memref_slice %arg9[%dma_wait3A, %dma_wait3A_291, %dma_wait3A_292] : memref<8x8x129xf32, #tpu.memory_space<vmem>> -> memref<8x8x128xf32, #tpu.memory_space<vmem>>
    %dma_wait3A_294 = arith.constant 1584 : i32
    %dma_wait3A_295 = arith.constant 0 : i32
    %dma_wait3A_296 = arith.constant 0 : i32
    %dma_wait3A_297 = tpu.memref_slice %arg4[%dma_wait3A_294, %add3A, %dma_wait3A_295, %dma_wait3A_296] : memref<1600x32x8x128xf32, #tpu.memory_space<hbm>> -> memref<8x1x8x128xf32, #tpu.memory_space<hbm>>
    %dma_wait3A_298 = tpu.memref_squeeze %dma_wait3A_297 : memref<8x1x8x128xf32, #tpu.memory_space<hbm>> -> memref<8x8x128xf32, #tpu.memory_space<hbm>>
    %dma_wait3A_299 = arith.constant 1584 : i32
    %dma_wait3A_300 = arith.constant 0 : i32
    %dma_wait3A_301 = arith.constant 0 : i32
    %dma_wait3A_302 = tpu.memref_slice %arg4[%dma_wait3A_299, %add3A, %dma_wait3A_300, %dma_wait3A_301] : memref<1600x32x8x128xf32, #tpu.memory_space<hbm>> -> memref<8x1x8x128xf32, #tpu.memory_space<hbm>>
    %dma_wait3A_303 = tpu.memref_squeeze %dma_wait3A_302 : memref<8x1x8x128xf32, #tpu.memory_space<hbm>> -> memref<8x8x128xf32, #tpu.memory_space<hbm>>
    %dma_wait3A_304 = arith.constant 0 : i32
    %dma_wait3A_305 = arith.constant 0 : i32
    %dma_wait3A_306 = arith.constant 0 : i32
    %dma_wait3A_307 = tpu.memref_slice %arg9[%dma_wait3A_304, %dma_wait3A_305, %dma_wait3A_306] : memref<8x8x129xf32, #tpu.memory_space<vmem>> -> memref<8x8x128xf32, #tpu.memory_space<vmem>>
    tpu.wait_dma2 semaphore(%arg13 : memref<!tpu.dma_semaphore, #tpu.memory_space<semaphore_mem>>) src(%dma_wait3A_307 : memref<8x8x128xf32, #tpu.memory_space<vmem>>) dst(%dma_wait3A_303 : memref<8x8x128xf32, #tpu.memory_space<hbm>>)
    %dma_wait3A_308 = arith.constant 0 : i32
    %dma_wait3A_309 = arith.constant 0 : i32
    %dma_wait3A_310 = arith.constant 0 : i32
    %dma_wait3A_311 = tpu.memref_slice %arg10[%dma_wait3A_308, %dma_wait3A_309, %dma_wait3A_310] : memref<8x8x129xf32, #tpu.memory_space<vmem>> -> memref<8x8x128xf32, #tpu.memory_space<vmem>>
    %dma_wait3A_312 = arith.constant 1592 : i32
    %dma_wait3A_313 = arith.constant 0 : i32
    %dma_wait3A_314 = arith.constant 0 : i32
    %dma_wait3A_315 = tpu.memref_slice %arg4[%dma_wait3A_312, %add3A, %dma_wait3A_313, %dma_wait3A_314] : memref<1600x32x8x128xf32, #tpu.memory_space<hbm>> -> memref<8x1x8x128xf32, #tpu.memory_space<hbm>>
    %dma_wait3A_316 = tpu.memref_squeeze %dma_wait3A_315 : memref<8x1x8x128xf32, #tpu.memory_space<hbm>> -> memref<8x8x128xf32, #tpu.memory_space<hbm>>
    %dma_wait3A_317 = arith.constant 1592 : i32
    %dma_wait3A_318 = arith.constant 0 : i32
    %dma_wait3A_319 = arith.constant 0 : i32
    %dma_wait3A_320 = tpu.memref_slice %arg4[%dma_wait3A_317, %add3A, %dma_wait3A_318, %dma_wait3A_319] : memref<1600x32x8x128xf32, #tpu.memory_space<hbm>> -> memref<8x1x8x128xf32, #tpu.memory_space<hbm>>
    %dma_wait3A_321 = tpu.memref_squeeze %dma_wait3A_320 : memref<8x1x8x128xf32, #tpu.memory_space<hbm>> -> memref<8x8x128xf32, #tpu.memory_space<hbm>>
    %dma_wait3A_322 = arith.constant 0 : i32
    %dma_wait3A_323 = arith.constant 0 : i32
    %dma_wait3A_324 = arith.constant 0 : i32
    %dma_wait3A_325 = tpu.memref_slice %arg10[%dma_wait3A_322, %dma_wait3A_323, %dma_wait3A_324] : memref<8x8x129xf32, #tpu.memory_space<vmem>> -> memref<8x8x128xf32, #tpu.memory_space<vmem>>
    tpu.wait_dma2 semaphore(%arg14 : memref<!tpu.dma_semaphore, #tpu.memory_space<semaphore_mem>>) src(%dma_wait3A_325 : memref<8x8x128xf32, #tpu.memory_space<vmem>>) dst(%dma_wait3A_321 : memref<8x8x128xf32, #tpu.memory_space<hbm>>)
    return
  }
}

module attributes {stable_mosaic.version = 14 : i64} {
  func.func @_fuse_body(%arg0: memref<8192x64xf32, #tpu.memory_space<vmem>>, %arg1: memref<8192x64xf32, #tpu.memory_space<vmem>>, %arg2: memref<8192x64xf32, #tpu.memory_space<vmem>>) attributes {dimension_semantics = [], scalar_prefetch = 0 : i64, scratch_operands = 0 : i64, tpu.core_type = #tpu.core_type<tc>} {
    %get3A = arith.constant 0 : index
    %get3A_0 = arith.constant 0 : index
    %get3A_1 = vector.load %arg0[%get3A, %get3A_0] : memref<8192x64xf32, #tpu.memory_space<vmem>>, vector<8192x64xf32>
    %get3A_2 = arith.constant 0 : index
    %get3A_3 = arith.constant 0 : index
    %get3A_4 = vector.load %arg1[%get3A_2, %get3A_3] : memref<8192x64xf32, #tpu.memory_space<vmem>>, vector<8192x64xf32>
    %add3A = arith.addf %get3A_1, %get3A_4 : vector<8192x64xf32>
    %swap3A = arith.constant 0 : index
    %swap3A_5 = arith.constant 0 : index
    %swap3A_6 = vector.load %arg2[%swap3A, %swap3A_5] : memref<8192x64xf32, #tpu.memory_space<vmem>>, vector<8192x64xf32>
    tpu.vector_store %arg2[%swap3A, %swap3A_5], %add3A {strides = array<i32>} : memref<8192x64xf32, #tpu.memory_space<vmem>>, vector<8192x64xf32>,
    return
  }
}

</mosaic_0001>

<sc_bundles>
// kernel: kernel.4.cloned.1.call-start
scs
__scs_entry_jumppad:
0x0: {  	(pc) =	sbr.rel $0x88, $3  }
0x1: {  	(tag) =	ssettag $0x0;
	lr =	simm.s32 $0x1  }
0x2: {  	[smem:$0x3F9E] =	sst lr;
	_ =	strace $0xD0000000  }
0x3: {  	_ = 	snop  }
0x4: {  	_ = 	snop  }
0x5: {  	_ = 	snop  }
0x6: {  	_ = 	snop  }
0x7: {  	_ = 	snop  }
__scs_overlays_trampoline_lowered:
0x8: {  	[smem:$0x3FAD] =	sst s0  }
0x9: {  	[smem:$0x3FAE] =	sst s1  }
0xa: {  	[smem:$0x3FAF] =	sst s2  }
0xb: {  	[smem:$0x3FB0] =	sst s3  }
0xc: {  	[smem:$0x3FB1] =	sst s4  }
0xd: {  	[smem:$0x3FB2] =	sst s5  }
0xe: {  	[smem:$0x3FB3] =	sst s6  }
0xf: {  	[smem:$0x3FB4] =	sst s7  }
0x10: {  	[smem:$0x3FB5] =	sst s8  }
0x11: {  	[smem:$0x3FB6] =	sst s9;
	s0 =	simm.s32 @!p0 $0x0  }
0x12: {  	s1 =	sld [smem:$0x3F9C];
	s0 =	simm.s32 @p0 $0x1  }
0x13: {  	[smem:$0x3FB7] =	sst s0;
	s0 =	simm.s32 @!p1 $0x0  }
0x14: {  	s2 =	sld [smem:$0x3F9B];
	s0 =	simm.s32 @p1 $0x1  }
0x15: {  	[smem:$0x3FB8] =	sst s0;
	s0 =	simm.s32 @!p2 $0x0  }
0x16: {  	s3 =	sld [smem:$0x3FDB];
	s0 =	simm.s32 @p2 $0x1  }
0x17: {  	s4 =	simm.s32 $0x1BF5;
	[smem:$0x3FBA] =	sst s0  }
0x18: {  	s0 =	sld [smem:$0x3F9D];
	_ =	swait.ge [sflag:s4], $0x0  }
0x19: {  	s7 =	sld [smem:$0x3F9E]  }
0x1a: {  	s8 =	sadd.s32 $0xFFFFE003, lr  }
0x1b: {  	s9 =	sadd.s32 $0xFFFFFEF7, lr;
	s5 =	simm.s32 $0xFFFFFFFF;
	p2 =	slt.u32 s8, $0xFFFFF086  }
0x1c: {  	p1 =	slt.u32 s9, $0xF7A;
	s5 =	simm.s32 @!p2 $0x0  }
0x1d: {  	s5 =	simm.s32 @p1 $0x1;
	p0 =	seq.s32 s7, s2  }
0x1e: {  	s7 =	smul.u32 @!p0 $0xF7A, s2;
	p2 =	seq.s32 @!p0 s5, $0x0  }
0x1f: {  	s9 =	smul.u32 $0xF7A, s1;
	s8 =	simm.s32 @!p0 $0x1BF5;
	p2 =	por !p2, p0  }
0x20: {  	[sflag:s8] =	ssyncset.s32 @!p0 $0xFFFFF086;
	s6 =	sadd.s32 @!p0 s3, s7;
	s7 =	simm.s32 @!p0 $0x108  }
0x21: {  	s3 =	sadd.s32 s3, s9;
	s6 =	sadd.s32 @!p0 $0x88, s6;
	s7 =	simm.s32 @p2 $0x1082  }
0x22: {  	[simem:s7], [sflag:s8] =	dma.local @!p0 [hbm:s6], $0xF7A  }
0x23: {  	s9 =	sor.u32 $0xD0000000, s2;
	s6 =	simm.s32 $0x108;
	_ =	swait.ge @!p0 [sflag:s8], $0x0  }
0x24: {  	s3 =	sadd.s32 $0x88, s3;
	s6 =	simm.s32 @!p1 $0x1082;
	[sflag:s4] =	ssyncset.s32 $0xFFFFF086  }
0x25: {  	[simem:s6], [sflag:s4] =	dma.local [hbm:s3], $0xF7A  }
0x26: {  	[smem:$0x3F9E] =	sst s1;
	(tag) =	ssettag s2;
	_ =	strace s9  }
0x27: {  	s1 =	sld [smem:$0x3FAE]  }
0x28: {  	s2 =	sld [smem:$0x3FAF]  }
0x29: {  	s4 =	sld [smem:$0x3FB1]  }
0x2a: {  	p0 =	seq.s32 s5, $0x0;
	s5 =	sld [smem:$0x3FB2]  }
0x2b: {  	s6 =	sld [smem:$0x3FB3]  }
0x2c: {  	s7 =	sld [smem:$0x3FB4]  }
0x2d: {  	s3 =	simm.s32 $0x108;
	s8 =	sld [smem:$0x3FB5]  }
0x2e: {  	s3 =	simm.s32 @!p0 $0x1082;
	s9 =	sld [smem:$0x3FB6]  }
0x2f: {  	lr =	sadd.s32 s0, s3;
	s0 =	sld [smem:$0x3FAD]  }
0x30: {  	s3 =	sld [smem:$0x3FB0]  }
0x31: {  	[smem:$0x3FB9] =	sst s10  }
0x32: {  	s10 =	sld [smem:$0x3FB7];
	_ =	sdelay $0x3  }
0x33: {  	p0 =	seq.s32 s10, $0x1;
	s10 =	sld [smem:$0x3FB9];
	_ =	sdelay $0x3  }
0x34: {  	[smem:$0x3FB9] =	sst s10  }
0x35: {  	s10 =	sld [smem:$0x3FB8];
	_ =	sdelay $0x3  }
0x36: {  	p1 =	seq.s32 s10, $0x1;
	s10 =	sld [smem:$0x3FB9];
	_ =	sdelay $0x3  }
0x37: {  	[smem:$0x3FB9] =	sst s10  }
0x38: {  	s10 =	sld [smem:$0x3FBA]  }
0x39: {  	_ = 	snop;
	(pc) =	sbr.ind lr, $3  }
0x3a: {  	_ = 	snop  }
0x3b: {  	_ = 	snop  }
0x3c: {  	p2 =	seq.s32 s10, $0x1;
	s10 =	sld [smem:$0x3FB9]  }
0x3d: {  	_ =	shalt  }
0x3e: {  	_ =	shalt  }
0x3f: {  	_ =	shalt  }
0x40: {  	_ =	shalt  }
0x41: {  	_ =	shalt  }
0x42: {  	_ =	shalt  }
0x43: {  	_ =	shalt  }
0x44: {  	_ =	shalt  }
0x45: {  	_ =	shalt  }
0x46: {  	_ =	shalt  }
0x47: {  	_ =	shalt  }
0x48: {  	_ =	shalt  }
0x49: {  	_ =	shalt  }
0x4a: {  	_ =	shalt  }
0x4b: {  	_ =	shalt  }
0x4c: {  	_ =	shalt  }
0x4d: {  	_ =	shalt  }
0x4e: {  	_ =	shalt  }
0x4f: {  	_ =	shalt  }
0x50: {  	_ =	shalt  }
0x51: {  	_ =	shalt  }
0x52: {  	_ =	shalt  }
0x53: {  	_ =	shalt  }
0x54: {  	_ =	shalt  }
0x55: {  	_ =	shalt  }
0x56: {  	_ =	shalt  }
0x57: {  	_ =	shalt  }
0x58: {  	_ =	shalt  }
0x59: {  	_ =	shalt  }
0x5a: {  	_ =	shalt  }
0x5b: {  	_ =	shalt  }
0x5c: {  	_ =	shalt  }
0x5d: {  	_ =	shalt  }
0x5e: {  	_ =	shalt  }
0x5f: {  	_ =	shalt  }
0x60: {  	_ =	shalt  }
0x61: {  	_ =	shalt  }
0x62: {  	_ =	shalt  }
0x63: {  	_ =	shalt  }
0x64: {  	_ =	shalt  }
0x65: {  	_ =	shalt  }
0x66: {  	_ =	shalt  }
0x67: {  	_ =	shalt  }
0x68: {  	_ =	shalt  }
0x69: {  	_ =	shalt  }
0x6a: {  	_ =	shalt  }
0x6b: {  	_ =	shalt  }
0x6c: {  	_ =	shalt  }
0x6d: {  	_ =	shalt  }
0x6e: {  	_ =	shalt  }
0x6f: {  	_ =	shalt  }
0x70: {  	_ =	shalt  }
0x71: {  	_ =	shalt  }
0x72: {  	_ =	shalt  }
0x73: {  	_ =	shalt  }
0x74: {  	_ =	shalt  }
0x75: {  	_ =	shalt  }
0x76: {  	_ =	shalt  }
0x77: {  	_ =	shalt  }
0x78: {  	_ =	shalt  }
0x79: {  	_ =	shalt  }
0x7a: {  	_ =	shalt  }
0x7b: {  	_ =	shalt  }
0x7c: {  	_ =	shalt  }
0x7d: {  	_ =	shalt  }
0x7e: {  	_ =	shalt  }
0x7f: {  	_ =	shalt  }
0x80: {  	_ =	shalt  }
0x81: {  	_ =	shalt  }
0x82: {  	_ =	shalt  }
0x83: {  	_ =	shalt  }
0x84: {  	_ =	shalt  }
0x85: {  	_ =	shalt  }
0x86: {  	_ =	shalt  }
0x87: {  	_ =	shalt  }
.Lfunc_end0:
.L_simem_size_0:
called_computation_lowered:
.L_overlay_start_0:
0x88: {  	s2 =	sld [smem:$0x3FD9]  }
0x89: {  	s3 =	sld [smem:$0x3FFE];
	_ =	sdelay $0x1  }
0x8a: {  	s1 =	srdreg.scid  }
0x8b: {  	s0 =	sand.u32 $0x1, s1  }
0x8c: {  	s17 =	sshll.u32 s0, $0xA;
	s2 =	sadd.s32 s3, s2  }
0x8d: {  	s2 =	sadd.s32 s2, s17  }
0x8e: {  	[smem:$0x3FC5] =	sst s2  }
0x8f: {  	_ = 	snop  }
0x90: {  	s2 =	sld [smem:$0x3FD0];
	(tm) =	ssettm $0x1  }
0x91: {  	s18 =	sld [smem:$0x3FFB];
	_ =	sdelay $0x3  }
0x92: {  	_ =	strace s18  }
0x93: {  	s3 =	sld [smem:$0x3FFC];
	_ =	sdelay $0x3  }
0x94: {  	_ =	strace s3  }
0x95: {  	s3 =	sld [smem:$0x3FFD];
	_ =	sdelay $0x3  }
0x96: {  	_ =	strace s3  }
0x97: {  	_ =	strace $0x8FFFFFFF  }
0x98: {  	s19 =	sld [smem:$0x3FDB];
	_ =	sdelay $0x1  }
0x99: {  	s4 =	simm.s32 $_scs_section_size  }
0x9a: {  	s5 =	simm.s32 $_size__tile_overlayer_lowered;
	s6 =	simm.s32 $_tile_overlayer_lowered  }
0x9b: {  	s22 =	simm.s32 $0x1BFF;
	s21 =	sshll.u32 s6, $0x1;
	s3 =	sadd.s32 s4, s19  }
0x9c: {  	s7 =	simm.s32 $0x0;
	s20 =	sshll.u32 s5, $0x1;
	s5 =	sadd.s32 s21, s3  }
0x9d: {  	[timem:s7], [sflag:s22] =	dma.local [hbm:s5], s20  }
0x9e: {  	_ =	swait.ge [sflag:s22], s20  }
0x9f: {  	s4 =	ssub.s32 $0x0, s20;
	[sflag:s22] =	ssyncset.done $0x0  }
0xa0: {  	[sflag:s22] =	ssyncadd.s32 s4;
	_ =	sdelay $0x1  }
0xa1: {  	s23 =	simm.s32 $0x1B8B  }
0xa2: {  	_ =	swait.ge [sflag:s23], $0x1  }
0xa3: {  	[sflag:s23] =	ssyncset.done $0x0  }
0xa4: {  	s25 =	simm.s32 $0x1B8E;
	s24 =	sld [smem:$0x3FFE];
	[sflag:s23] =	ssyncadd.s32 $0xFFFFFFFF  }
0xa5: {  	s26 =	simm.s32 $execute0_lowered;
	[smem:$0x3FD2] =	sst s25  }
0xa6: {  	s5 =	sshll.u32 s26, $0x1;
	_ =	strace $0x80000046;
	[dreg:$0x1] =	wrdreg $0xFFFFFFFF  }
0xa7: {  	s28 =	simm.s32 $_size_execute0_lowered;
	s3 =	sadd.s32 s3, s5;
	[dreg:$0x0] =	wrdreg $0x0  }
0xa8: {  	s5 =	sshll.u32 s28, $0x1;
	[dreg:$0x2] =	wrdreg s3  }
0xa9: {  	[dreg:$0x3] =	wrdreg s5  }
0xaa: {  	[dreg:$0x4] =	wrdreg $0xC0  }
0xab: {  	_ =	task [dreg:s7], $0x5FFFF  }
0xac: {  	[dreg:$0x1] =	wrdreg $0xFFFFFFFF  }
0xad: {  	[dreg:$0x0] =	wrdreg $0x60  }
0xae: {  	[dreg:$0x2] =	wrdreg s24  }
0xaf: {  	[dreg:$0x3] =	wrdreg s2  }
0xb0: {  	[dreg:$0x4] =	wrdreg $0x9  }
0xb1: {  	_ =	task.clear_ibuf [dreg:s7], $0x5FFFF;
	_ =	strace $0x90000046  }
0xb2: {  	s29 =	simm.s32 $0x9;
	_ =	strace $0x80000048  }
0xb3: {  	_ =	swait.ge [sflag:s29], $0x1  }
0xb4: {  	[sflag:s29] =	ssyncadd.s32 $0xFFFFFFFF  }
0xb5: {  	_ =	strace $0x90000048  }
0xb6: {  	_ =	sfence  }
0xb7: {  	s30 =	sld [smem:$0x0];
	_ =	sdelay $0x2  }
0xb8: {  	s31 =	sshll.u32 s1, $0xD;
	s1 =	sshrl.u32 s1, $0x2  }
0xb9: {  	s3 =	sand.u32 $0x4000, s31;
	s1 =	sadd.s32 s1, s30  }
0xba: {  	s0 =	sor.u32 s3, s0;
	s1 =	sshll.u32 s1, $0x11  }
0xbb: {  	s0 =	sor.u32 s1, s0  }
0xbc: {  	s0 =	sadd.s32 $0x8F2B, s0  }
0xbd: {  	[sflag:s0] =	ssyncadd.remote.s32 $0x1  }
0xbe: {  	_ =	sfence.sel $0xFFFF  }
0xbf: {  	[dreg:$0x0] =	wrdreg $0xFFFFFFFF;
	(pc) =	sbr.abs _section_cstart, $3  }
0xc0: {  	[dreg:$0x1] =	wrdreg $0xFFFFFFFF  }
0xc1: {  	_ =	task.clear_ibuf [dreg:s7], $0x2FFFF;
	_ =	strace $0x9FFFFFFF  }
0xc2: {  	(tm) =	ssettm $0x7FFFFFFF  }
0xc3: {  	_ =	shalt  }
tec
execute0_lowered:
.L_overlay_start_1:
0x0: {  	(tag) =	ssettag $0x1  }
0x1: {  	v5 =	vlaneseq.u32;
	s3 =	stileid.u32  }
0x2: {  	s0 =	rddreg [dreg:$0x0];
	v6 =	vmul.u32 $0xC8, v5;
	s4 =	sshll.u32 s3, $0x1;
	s3 =	simm.s32 $0x0  }
0x3: {  	[smem:$0x7FF] =	sst s3  }
0x4: {  	s2 =	rddreg [dreg:$0x1];
	v8 =	vor.u32 $0x10, v5;
	_ =	strace $0x80000047;
	[tilespmem:$0x1FD10] =	vst v6  }
0x5: {  	v10 =	vor.u32 $0x20, v5;
	[tilespmem:$0x1FD30] =	vst v8  }
0x6: {  	v12 =	vor.u32 $0x30, v5;
	[tilespmem:$0x1FD50] =	vst v10  }
0x7: {  	v14 =	vor.u32 $0x40, v5;
	[tilespmem:$0x1FD70] =	vst v12  }
0x8: {  	v16 =	vor.u32 $0x50, v5;
	[tilespmem:$0x1FD90] =	vst v14  }
0x9: {  	v19 =	vor.u32 $0x60, v5;
	v40 =	vmul.u32 $0x88, v5;
	[tilespmem:$0x1FDB0] =	vst v16  }
0xa: {  	[tilespmem:$0x1FDD0] =	vst v19  }
0xb: {  	v21 =	vor.u32 $0x70, v5;
	[tilespmem:$0x1FDE0] =	vst v40  }
0xc: {  	v7 =	vadd.s32 $0xC80, v6;
	[tilespmem:$0x1FE00] =	vst v21  }
0xd: {  	v9 =	vadd.s32 $0x1900, v6;
	[tilespmem:$0x1FD20] =	vst v7  }
0xe: {  	v11 =	vadd.s32 $0x2580, v6;
	[tilespmem:$0x1FD40] =	vst v9  }
0xf: {  	v13 =	vadd.s32 $0x3200, v6;
	[tilespmem:$0x1FD60] =	vst v11  }
0x10: {  	v15 =	vadd.s32 $0x3E80, v6;
	[tilespmem:$0x1FD80] =	vst v13  }
0x11: {  	v18 =	vadd.s32 $0x4B00, v6;
	[tilespmem:$0x1FDA0] =	vst v15  }
0x12: {  	v20 =	vadd.s32 $0x5780, v6;
	[tilespmem:$0x1FDC0] =	vst v18  }
0x13: {  	v45 =	vadd.s32 $0x880, v40;
	[tilespmem:$0x1FDF0] =	vst v20  }
0x14: {  	v46 =	vadd.s32 $0x1100, v40;
	[tilespmem:$0x1FE10] =	vst v45  }
0x15: {  	v48 =	vadd.s32 $0x1980, v40;
	[tilespmem:$0x1FE20] =	vst v46  }
0x16: {  	v51 =	vor.u32 $0x1, v40;
	[tilespmem:$0x1FE30] =	vst v48  }
0x17: {  	v52 =	vadd.s32 $0x881, v40;
	[tilespmem:$0x1FE40] =	vst v51  }
0x18: {  	v50 =	vadd.s32 $0x1101, v40;
	[tilespmem:$0x1FE50] =	vst v52  }
0x19: {  	v47 =	vadd.s32 $0x1981, v40;
	[tilespmem:$0x1FE60] =	vst v50  }
0x1a: {  	v49 =	vor.u32 $0x2, v40;
	[tilespmem:$0x1FE70] =	vst v47  }
0x1b: {  	v43 =	vadd.s32 $0x882, v40;
	[tilespmem:$0x1FE80] =	vst v49  }
0x1c: {  	v23 =	vadd.s32 $0x1986, v40;
	[tilespmem:$0x1FE90] =	vst v43  }
0x1d: {  	v22 =	vadd.s32 $0x1984, v40;
	[tilespmem:$0x1FEA0] =	vst v23  }
0x1e: {  	v24 =	vadd.s32 $0x1105, v40;
	[tilespmem:$0x1FEB0] =	vst v22  }
0x1f: {  	v38 =	vadd.s32 $0x1987, v40;
	[tilespmem:$0x1FEC0] =	vst v24  }
0x20: {  	v54 =	vadd.s32 $0x1985, v40;
	[tilespmem:$0x1FED0] =	vst v38  }
0x21: {  	v28 =	vor.u32 $0x5, v40;
	[tilespmem:$0x1FEE0] =	vst v54  }
0x22: {  	v29 =	vadd.s32 $0x885, v40;
	[tilespmem:$0x1FEF0] =	vst v28  }
0x23: {  	v30 =	vor.u32 $0x6, v40;
	[tilespmem:$0x1FF00] =	vst v29  }
0x24: {  	v31 =	vadd.s32 $0x886, v40;
	[tilespmem:$0x1FF10] =	vst v30  }
0x25: {  	v35 =	vadd.s32 $0x1106, v40;
	[tilespmem:$0x1FF20] =	vst v31  }
0x26: {  	v37 =	vor.u32 $0x7, v40;
	[tilespmem:$0x1FF30] =	vst v35  }
0x27: {  	v56 =	vadd.s32 $0x887, v40;
	[tilespmem:$0x1FF40] =	vst v37  }
0x28: {  	v55 =	vadd.s32 $0x1107, v40;
	[tilespmem:$0x1FF50] =	vst v56  }
0x29: {  	v36 =	vadd.s32 $0x1982, v40;
	[tilespmem:$0x1FF60] =	vst v55  }
0x2a: {  	s1 =	srdreg.scid;
	s10 =	simm.s32 $0x6400;
	v34 =	vor.u32 $0x3, v40;
	[tilespmem:$0x1FF70] =	vst v36  }
0x2b: {  	s11 =	simm.s32 $0x80;
	s12 =	simm.s32 $0xC800;
	s1 =	sand.u32 $0x1, s1;
	v42 =	vadd.s32 $0x883, v40;
	[tilespmem:$0x1FF80] =	vst v34  }
0x2c: {  	s14 =	simm.s32 $0xE800;
	s15 =	simm.s32 $0x1;
	s5 =	sor.u32 s1, s4;
	v39 =	vadd.s32 $0x1102, v40;
	[tilespmem:$0x1FF90] =	vst v42  }
0x2d: {  	s16 =	simm.s32 $0x10800;
	s17 =	simm.s32 $0x2;
	s4 =	smul.u32 $0xC80, s5;
	v26 =	vadd.s32 $0x1103, v40;
	[tilespmem:$0x1FFA0] =	vst v39  }
.Ltmp0:
0x2e: {  	s18 =	simm.s32 $0x4;
	s1 =	ssub.s32 $0x2, s1;
	v57 =	vor.u32 $0x4, v40;
	[tilespmem:$0x1FFB0] =	vst v26;
	(pc) =	sbr.rel .LBB2_1-.Ltmp0, $4  }
0x2f: {  	s19 =	simm.s32 $0x12A00;
	s30 =	sshrl.u32 s1, $0x1;
	v63 =	vadd.s32 $0x1104, v40;
	[tilespmem:$0x1FFC0] =	vst v57;
	s6 =	sadd.s32 s4, s0  }
0x30: {  	v58 =	vadd.s32 $0x1983, v40;
	[tilespmem:$0x1FFD0] =	vst v63;
	s4 =	sadd.s32 $0x19C00, s0;
	s0 =	ssub.s32 s1, s30;
	s31 =	sadd.s32 $0xC00, s6  }
0x31: {  	v0 =	vimm.s32 $0x0;
	vm0 =	vcmask $0x300;
	s21 =	simm.s32 $0x0;
	v62 =	vadd.s32 $0x884, v40;
	[tilespmem:$0x1FFE0] =	vst v58;
	s0 =	smax.u32 s0, $0x1;
	[dreg:$0x3] =	wrdreg s31  }
0x32: {  	v17 =	vsel vm0, $0x3, v0;
	s7 =	sadd.s32 $0x8000, s2;
	[tilespmem:$0x1FFF0] =	vst v62;
	s6 =	sshll.u32 s5, $0x7;
	[dreg:$0x4] =	wrdreg s0  }
.LBB2_18:
0x33: {  	s0 =	simm.s32 $0x3  }
0x34: {  	_ =	swait.ge [sflag:s0], $0x2000  }
0x35: {  	[sflag:s0] =	ssyncset.done $0x0  }
0x36: {  	[sflag:s0] =	ssyncadd.s32 $0xFFFFE000  }
0x37: {  	_ =	swait.ge [sflag:s18], $0x2000  }
0x38: {  	s21 =	sadd.s32 $0x1, s21;
	s31 =	rddreg [dreg:$0x4]  }
0x39: {  	p0 =	sne.s32 s21, s31  }
.Ltmp1:
0x3a: {  	_ = 	snop;
	(pc) =	sbr.rel @!p0 .LBB2_19-.Ltmp1, $3  }
0x3b: {  	_ =	sdelay $0x1  }
0x3c: {  	[sflag:s18] =	ssyncset.done $0x0  }
0x3d: {  	[sflag:s18] =	ssyncadd.s32 $0xFFFFE000  }
.LBB2_1:
0x3e: {  	v0 =	vmov s3  }
0x3f: {  	v1 =	vand.u32 $0xFF, v0  }
0x40: {  	s0 =	rddreg [dreg:$0x3];
	s30 =	simm.s32 $0x5;
	v2 =	vadd.s32 v6, v1  }
0x41: {  	[tilespmem:s3], [sflag:$0x5] =	stream.linear.gather [hbm4b:s0+s3], $0x6400, $0x38;
	[tilespmem:$0x14C00] =	vst v63  }
0x42: {  	_ =	swait.ge [sflag:s30], $0x6400  }
0x43: {  	[sflag:s30] =	ssyncset.done $0x0  }
0x44: {  	v0 =	vshll.u32 v0, $0x7;
	[sflag:s30] =	ssyncadd.s32 $0xFFFF9C00  }
0x45: {  	v3 =	vor.u32 v5, v0;
	v2 =	vld.idx.msk [tilespmem:v2+s3+$0x0], $0xffff  }
0x46: {  	v4 =	vadd.s32 v7, v1;
	_ =	sdelay $0x3  }
0x47: {  	[tilespmem:v3+s10+$0x0] =	vst.idx.msk $0xffff, v2  }
0x48: {  	v3 =	vor.u32 v8, v0;
	v2 =	vld.idx.msk [tilespmem:v4+s3+$0x0], $0xffff  }
0x49: {  	v4 =	vadd.s32 v9, v1;
	_ =	sdelay $0x3  }
0x4a: {  	[tilespmem:v3+s10+$0x0] =	vst.idx.msk $0xffff, v2  }
0x4b: {  	v3 =	vor.u32 v10, v0;
	v2 =	vld.idx.msk [tilespmem:v4+s3+$0x0], $0xffff  }
0x4c: {  	v4 =	vadd.s32 v11, v1;
	_ =	sdelay $0x3  }
0x4d: {  	[tilespmem:v3+s10+$0x0] =	vst.idx.msk $0xffff, v2  }
0x4e: {  	v3 =	vor.u32 v12, v0;
	v2 =	vld.idx.msk [tilespmem:v4+s3+$0x0], $0xffff  }
0x4f: {  	v4 =	vadd.s32 v13, v1;
	_ =	sdelay $0x3  }
0x50: {  	[tilespmem:v3+s10+$0x0] =	vst.idx.msk $0xffff, v2  }
0x51: {  	v3 =	vor.u32 v14, v0;
	v2 =	vld.idx.msk [tilespmem:v4+s3+$0x0], $0xffff  }
0x52: {  	v4 =	vadd.s32 v15, v1;
	_ =	sdelay $0x3  }
0x53: {  	[tilespmem:v3+s10+$0x0] =	vst.idx.msk $0xffff, v2  }
0x54: {  	v3 =	vor.u32 v16, v0;
	v2 =	vld.idx.msk [tilespmem:v4+s3+$0x0], $0xffff  }
0x55: {  	v4 =	vadd.s32 v18, v1;
	_ =	sdelay $0x3  }
0x56: {  	[tilespmem:v3+s10+$0x0] =	vst.idx.msk $0xffff, v2  }
0x57: {  	v3 =	vor.u32 v19, v0;
	v2 =	vld.idx.msk [tilespmem:v4+s3+$0x0], $0xffff  }
0x58: {  	v4 =	vadd.s32 v20, v1;
	_ =	sdelay $0x3  }
0x59: {  	s31 =	simm.s32 $0x1;
	[tilespmem:v3+s10+$0x0] =	vst.idx.msk $0xffff, v2  }
0x5a: {  	s0 =	simm.s32 $0x2;
	v1 =	vmov s31;
	v2 =	vld.idx.msk [tilespmem:v4+s3+$0x0], $0xffff  }
.LBB2_2:
0x5b: {  	p0 =	sne.s32 s0, $0xC7;
	v3 =	vand.u32 $0xFF, v1;
	v0 =	vor.u32 v21, v0  }
0x5c: {  	v4 =	vadd.s32 v6, v3;
	_ =	sdelay $0x3  }
0x5d: {  	[tilespmem:v0+s10+$0x0] =	vst.idx.msk $0xffff, v2  }
0x5e: {  	v0 =	vshll.u32 v1, $0x7;
	v2 =	vld.idx.msk [tilespmem:v4+s3+$0x0], $0xffff  }
0x5f: {  	v1 =	vor.u32 v5, v0  }
0x60: {  	v4 =	vadd.s32 v7, v3;
	_ =	sdelay $0x3  }
0x61: {  	[tilespmem:v1+s10+$0x0] =	vst.idx.msk $0xffff, v2  }
0x62: {  	v1 =	vld.idx.msk [tilespmem:v4+s3+$0x0], $0xffff  }
0x63: {  	v2 =	vor.u32 v8, v0  }
0x64: {  	v4 =	vadd.s32 v9, v3;
	_ =	sdelay $0x3  }
0x65: {  	[tilespmem:v2+s10+$0x0] =	vst.idx.msk $0xffff, v1  }
0x66: {  	v1 =	vld.idx.msk [tilespmem:v4+s3+$0x0], $0xffff  }
0x67: {  	v2 =	vor.u32 v10, v0  }
0x68: {  	v4 =	vadd.s32 v11, v3;
	_ =	sdelay $0x3  }
0x69: {  	[tilespmem:v2+s10+$0x0] =	vst.idx.msk $0xffff, v1  }
0x6a: {  	v1 =	vld.idx.msk [tilespmem:v4+s3+$0x0], $0xffff  }
0x6b: {  	v2 =	vor.u32 v12, v0  }
0x6c: {  	v4 =	vadd.s32 v13, v3;
	_ =	sdelay $0x3  }
0x6d: {  	[tilespmem:v2+s10+$0x0] =	vst.idx.msk $0xffff, v1  }
0x6e: {  	v1 =	vld.idx.msk [tilespmem:v4+s3+$0x0], $0xffff  }
0x6f: {  	v2 =	vor.u32 v14, v0  }
0x70: {  	v4 =	vadd.s32 v15, v3;
	_ =	sdelay $0x3  }
0x71: {  	[tilespmem:v2+s10+$0x0] =	vst.idx.msk $0xffff, v1  }
0x72: {  	v1 =	vld.idx.msk [tilespmem:v4+s3+$0x0], $0xffff  }
0x73: {  	v2 =	vor.u32 v16, v0  }
0x74: {  	v4 =	vadd.s32 v18, v3;
	_ =	sdelay $0x3  }
0x75: {  	[tilespmem:v2+s10+$0x0] =	vst.idx.msk $0xffff, v1  }
0x76: {  	v1 =	vld.idx.msk [tilespmem:v4+s3+$0x0], $0xffff  }
0x77: {  	v2 =	vor.u32 v19, v0  }
0x78: {  	v3 =	vadd.s32 v20, v3  }
.Ltmp2:
0x79: {  	(pc) =	sbr.rel @p0 .LBB2_2-.Ltmp2, $3  }
0x7a: {  	_ =	sdelay $0x1  }
0x7b: {  	[tilespmem:v2+s10+$0x0] =	vst.idx.msk $0xffff, v1  }
0x7c: {  	v1 =	vmov s0;
	s0 =	sadd.s32 $0x1, s0;
	v2 =	vld.idx.msk [tilespmem:v3+s3+$0x0], $0xffff  }
0x7d: {  	v3 =	vand.u32 $0xFF, v1;
	v0 =	vor.u32 v21, v0  }
0x7e: {  	v4 =	vadd.s32 v6, v3;
	_ =	sdelay $0x3  }
0x7f: {  	[tilespmem:v0+s10+$0x0] =	vst.idx.msk $0xffff, v2;
	v0 =	vshll.u32 v1, $0x7  }
0x80: {  	v59 =	vld.idx.msk [tilespmem:v4+s3+$0x0], $0xffff;
	v60 =	vor.u32 v5, v0  }
0x81: {  	v61 =	vadd.s32 v7, v3;
	_ =	sdelay $0x3  }
0x82: {  	[tilespmem:v60+s10+$0x0] =	vst.idx.msk $0xffff, v59  }
0x83: {  	v8 =	vor.u32 v8, v0;
	v1 =	vld.idx.msk [tilespmem:v61+s3+$0x0], $0xffff  }
0x84: {  	v9 =	vadd.s32 v9, v3;
	_ =	sdelay $0x3  }
0x85: {  	[tilespmem:v8+s10+$0x0] =	vst.idx.msk $0xffff, v1  }
0x86: {  	v10 =	vor.u32 v10, v0;
	v1 =	vld.idx.msk [tilespmem:v9+s3+$0x0], $0xffff  }
0x87: {  	v32 =	vadd.s32 v11, v3;
	_ =	sdelay $0x3  }
0x88: {  	[tilespmem:v10+s10+$0x0] =	vst.idx.msk $0xffff, v1  }
0x89: {  	v33 =	vor.u32 v12, v0;
	v1 =	vld.idx.msk [tilespmem:v32+s3+$0x0], $0xffff  }
0x8a: {  	v41 =	vadd.s32 v13, v3;
	_ =	sdelay $0x3  }
0x8b: {  	[tilespmem:v33+s10+$0x0] =	vst.idx.msk $0xffff, v1  }
0x8c: {  	v44 =	vor.u32 v14, v0;
	v1 =	vld.idx.msk [tilespmem:v41+s3+$0x0], $0xffff  }
0x8d: {  	v53 =	vadd.s32 v15, v3;
	_ =	sdelay $0x3  }
0x8e: {  	[tilespmem:v44+s10+$0x0] =	vst.idx.msk $0xffff, v1  }
0x8f: {  	v59 =	vor.u32 v16, v0;
	v1 =	vld.idx.msk [tilespmem:v53+s3+$0x0], $0xffff  }
0x90: {  	v60 =	vadd.s32 v18, v3;
	_ =	sdelay $0x3  }
0x91: {  	[tilespmem:v59+s10+$0x0] =	vst.idx.msk $0xffff, v1  }
0x92: {  	v61 =	vor.u32 v19, v0;
	v1 =	vld.idx.msk [tilespmem:v60+s3+$0x0], $0xffff  }
0x93: {  	v3 =	vadd.s32 v20, v3;
	_ =	sdelay $0x3  }
0x94: {  	[tilespmem:v61+s10+$0x0] =	vst.idx.msk $0xffff, v1  }
0x95: {  	v0 =	vor.u32 v21, v0;
	v1 =	vld.idx.msk [tilespmem:v3+s3+$0x0], $0xffff;
	_ =	sdelay $0x4  }
0x96: {  	[tilespmem:v0+s10+$0x0] =	vst.idx.msk $0xffff, v1  }
0x97: {  	[tilespmem:s12], [sflag:$0x1] =	stream.indirect.gather [hbm4b:s4+s11], $0x40, s10, s11, $0xb8;
	[tilespmem:$0x14C00] =	vst v63  }
0x98: {  	s0 =	simm.s32 $0x6480;
	s22 =	simm.s32 $0x0  }
0x99: {  	[tilespmem:s14], [sflag:$0x2] =	stream.indirect.gather [hbm4b:s4+s11], $0x40, s0, s11, $0xb8;
	[tilespmem:$0x14C00] =	vst v63  }
.LBB2_4:
0x9a: {  	_ =	swait.ge [sflag:s15], $0x2000;
	s0 =	simm.s32 $0x8  }
0x9b: {  	p0 =	seq.s32 s22, $0x0;
	[sflag:s15] =	ssyncset.done $0x0;
	v0 =	vmov s0  }
0x9c: {  	s0 =	simm.s32 @!p0 $0x3;
	[sflag:s15] =	ssyncadd.s32 $0xFFFFE000;
	v0 =	vshrl.u32 v0, $0x3  }
0x9d: {  	_ =	swait.ge @!p0 [sflag:s0], $0x2000;
	v0 =	vshll.u32 v0, v17  }
0x9e: {  	[sflag:s0] =	ssyncset.done @!p0 $0x0;
	v0 =	vbroadcast v0, $0x0  }
0x9f: {  	s26 =	simm.s32 $0xCA00;
	[sflag:s0] =	ssyncadd.s32 @!p0 $0xFFFFE000  }
0xa0: {  	v1 =	vld [tilespmem:s26+$0x0];
	v2 =	vadd.s32 v40, v0;
	_ =	sdelay $0x2  }
0xa1: {  	s1 =	simm.s32 $0x0  }
0xa2: {  	v3 =	vmov s1  }
0xa3: {  	v3 =	vshrl.u32 v3, $0x3;
	[tilespmem:v2+s16+$0x0] =	vst.idx.msk $0xffff, v1  }
0xa4: {  	v1 =	vshll.u32 v3, v17;
	v3 =	vadd.s32 v45, v0;
	v2 =	vld [tilespmem:s26+$0x10]  }
0xa5: {  	v1 =	vbroadcast v1, $0x0;
	_ =	sdelay $0x1  }
0xa6: {  	v5 =	vld [tilespmem:s26+$0xFFFFFE00];
	v4 =	vadd.s32 v40, v1;
	_ =	sdelay $0x1  }
0xa7: {  	[tilespmem:v3+s16+$0x0] =	vst.idx.msk $0xffff, v2  }
0xa8: {  	v3 =	vadd.s32 v46, v0;
	v2 =	vld [tilespmem:s26+$0x20];
	_ =	sdelay $0x1  }
0xa9: {  	[tilespmem:v4+s16+$0x0] =	vst.idx.msk $0xffff, v5  }
0xaa: {  	v4 =	vadd.s32 v45, v1;
	v5 =	vld [tilespmem:s26+$0xFFFFFE10];
	_ =	sdelay $0x1  }
0xab: {  	[tilespmem:v3+s16+$0x0] =	vst.idx.msk $0xffff, v2  }
0xac: {  	s5 =	simm.s32 $0x9;
	v0 =	vadd.s32 v48, v0;
	v2 =	vld [tilespmem:s26+$0x30]  }
0xad: {  	v3 =	vmov s5  }
0xae: {  	v3 =	vshrl.u32 v3, $0x3;
	[tilespmem:v4+s16+$0x0] =	vst.idx.msk $0xffff, v5  }
0xaf: {  	v4 =	vadd.s32 v46, v1;
	v3 =	vshll.u32 v3, v17;
	v5 =	vld [tilespmem:s26+$0xFFFFFE20]  }
0xb0: {  	v3 =	vbroadcast v3, $0x0  }
0xb1: {  	[tilespmem:v0+s16+$0x0] =	vst.idx.msk $0xffff, v2  }
0xb2: {  	v2 =	vadd.s32 v51, v3;
	v0 =	vld [tilespmem:s26+$0x40];
	_ =	sdelay $0x1  }
0xb3: {  	[tilespmem:v4+s16+$0x0] =	vst.idx.msk $0xffff, v5  }
0xb4: {  	s8 =	simm.s32 $0x1;
	v1 =	vadd.s32 v48, v1;
	v4 =	vld [tilespmem:s26+$0xFFFFFE30]  }
0xb5: {  	v5 =	vmov s8  }
0xb6: {  	v5 =	vshrl.u32 v5, $0x3;
	[tilespmem:v2+s16+$0x0] =	vst.idx.msk $0xffff, v0  }
0xb7: {  	v0 =	vshll.u32 v5, v17;
	v5 =	vadd.s32 v52, v3;
	v2 =	vld [tilespmem:s26+$0x50]  }
0xb8: {  	v0 =	vbroadcast v0, $0x0  }
0xb9: {  	[tilespmem:v1+s16+$0x0] =	vst.idx.msk $0xffff, v4  }
0xba: {  	v1 =	vadd.s32 v51, v0;
	v4 =	vld [tilespmem:s26+$0xFFFFFE40];
	_ =	sdelay $0x1  }
0xbb: {  	[tilespmem:v5+s16+$0x0] =	vst.idx.msk $0xffff, v2  }
0xbc: {  	v5 =	vadd.s32 v50, v3;
	v2 =	vld [tilespmem:s26+$0x60];
	_ =	sdelay $0x1  }
0xbd: {  	[tilespmem:v1+s16+$0x0] =	vst.idx.msk $0xffff, v4  }
0xbe: {  	v1 =	vadd.s32 v52, v0;
	v4 =	vld [tilespmem:s26+$0xFFFFFE50];
	_ =	sdelay $0x1  }
0xbf: {  	[tilespmem:v5+s16+$0x0] =	vst.idx.msk $0xffff, v2  }
0xc0: {  	s9 =	simm.s32 $0xA;
	v3 =	vadd.s32 v47, v3;
	v2 =	vld [tilespmem:s26+$0x70]  }
0xc1: {  	v5 =	vmov s9  }
0xc2: {  	[tilespmem:v1+s16+$0x0] =	vst.idx.msk $0xffff, v4;
	v1 =	vshrl.u32 v5, $0x3  }
0xc3: {  	v4 =	vadd.s32 v50, v0;
	v5 =	vld [tilespmem:s26+$0xFFFFFE60];
	v1 =	vshll.u32 v1, v17  }
0xc4: {  	v1 =	vbroadcast v1, $0x0  }
0xc5: {  	[tilespmem:v3+s16+$0x0] =	vst.idx.msk $0xffff, v2  }
0xc6: {  	v3 =	vadd.s32 v49, v1;
	v2 =	vld [tilespmem:s26+$0x80];
	_ =	sdelay $0x1  }
0xc7: {  	[tilespmem:v4+s16+$0x0] =	vst.idx.msk $0xffff, v5  }
0xc8: {  	s13 =	simm.s32 $0x2;
	v0 =	vadd.s32 v47, v0;
	v4 =	vld [tilespmem:s26+$0xFFFFFE70]  }
0xc9: {  	v5 =	vmov s13  }
0xca: {  	v5 =	vshrl.u32 v5, $0x3;
	[tilespmem:v3+s16+$0x0] =	vst.idx.msk $0xffff, v2  }
0xcb: {  	v2 =	vshll.u32 v5, v17;
	v5 =	vadd.s32 v43, v1;
	v3 =	vld [tilespmem:s26+$0x90]  }
0xcc: {  	v2 =	vbroadcast v2, $0x0  }
0xcd: {  	s20 =	simm.s32 $0x18;
	[tilespmem:v0+s16+$0x0] =	vst.idx.msk $0xffff, v4  }
0xce: {  	v6 =	vmov s20;
	v0 =	vadd.s32 v49, v2;
	v4 =	vld [tilespmem:s26+$0xFFFFFE80]  }
0xcf: {  	v6 =	vshrl.u32 v6, $0x3  }
0xd0: {  	s23 =	simm.s32 $0x10;
	[tilespmem:v5+s16+$0x0] =	vst.idx.msk $0xffff, v3;
	v3 =	vshll.u32 v6, v17  }
0xd1: {  	v7 =	vadd.s32 v39, v1;
	v5 =	vmov s23;
	v6 =	vld [tilespmem:s26+$0xA0];
	v3 =	vbroadcast v3, $0x0  }
0xd2: {  	s23 =	simm.s32 $0xCE00;
	v5 =	vshrl.u32 v5, $0x3  }
0xd3: {  	[tilespmem:v0+s16+$0x0] =	vst.idx.msk $0xffff, v4;
	v0 =	vshll.u32 v5, v17;
	v4 =	vld [tilespmem:s23+$0x0];
	v5 =	vadd.s32 v40, v3  }
0xd4: {  	v8 =	vadd.s32 v43, v2;
	v9 =	vld [tilespmem:s26+$0xFFFFFE90];
	v0 =	vbroadcast v0, $0x0;
	_ =	sdelay $0x1  }
0xd5: {  	v10 =	vadd.s32 v40, v0;
	[tilespmem:v7+s16+$0x0] =	vst.idx.msk $0xffff, v6;
	v6 =	vld [tilespmem:s23+$0xFFFFFE00]  }
0xd6: {  	s24 =	simm.s32 $0xB;
	v1 =	vadd.s32 v36, v1;
	v7 =	vld [tilespmem:s26+$0xB0]  }
0xd7: {  	v11 =	vmov s24;
	[tilespmem:v5+s16+$0x0] =	vst.idx.msk $0xffff, v4  }
0xd8: {  	[tilespmem:v8+s16+$0x0] =	vst.idx.msk $0xffff, v9;
	v4 =	vshrl.u32 v11, $0x3;
	v8 =	vadd.s32 v45, v3;
	v5 =	vld [tilespmem:s23+$0x10]  }
0xd9: {  	v9 =	vadd.s32 v39, v2;
	v11 =	vld [tilespmem:s26+$0xFFFFFEA0];
	v4 =	vshll.u32 v4, v17  }
0xda: {  	v4 =	vbroadcast v4, $0x0;
	[tilespmem:v10+s16+$0x0] =	vst.idx.msk $0xffff, v6  }
0xdb: {  	v6 =	vadd.s32 v45, v0;
	[tilespmem:v1+s16+$0x0] =	vst.idx.msk $0xffff, v7;
	v1 =	vld [tilespmem:s23+$0xFFFFFE10]  }
0xdc: {  	v10 =	vadd.s32 v34, v4;
	v7 =	vld [tilespmem:s26+$0xC0]  }
0xdd: {  	[tilespmem:v8+s16+$0x0] =	vst.idx.msk $0xffff, v5  }
0xde: {  	[tilespmem:v9+s16+$0x0] =	vst.idx.msk $0xffff, v11;
	v8 =	vadd.s32 v46, v3;
	v5 =	vld [tilespmem:s23+$0x20]  }
0xdf: {  	s25 =	simm.s32 $0x3;
	v2 =	vadd.s32 v36, v2;
	v9 =	vld [tilespmem:s26+$0xFFFFFEB0]  }
0xe0: {  	v11 =	vmov s25;
	[tilespmem:v6+s16+$0x0] =	vst.idx.msk $0xffff, v1  }
0xe1: {  	v1 =	vshrl.u32 v11, $0x3;
	v6 =	vadd.s32 v46, v0;
	[tilespmem:v10+s16+$0x0] =	vst.idx.msk $0xffff, v7;
	v7 =	vld [tilespmem:s23+$0xFFFFFE20]  }
0xe2: {  	v11 =	vadd.s32 v42, v4;
	v1 =	vshll.u32 v1, v17;
	v10 =	vld [tilespmem:s26+$0xD0]  }
0xe3: {  	v1 =	vbroadcast v1, $0x0;
	[tilespmem:v8+s16+$0x0] =	vst.idx.msk $0xffff, v5  }
0xe4: {  	s1 =	simm.s32 $0x19;
	v3 =	vadd.s32 v48, v3;
	[tilespmem:v2+s16+$0x0] =	vst.idx.msk $0xffff, v9;
	v2 =	vld [tilespmem:s23+$0x30]  }
0xe5: {  	v9 =	vmov s1;
	v5 =	vadd.s32 v34, v1;
	v8 =	vld [tilespmem:s26+$0xFFFFFEC0]  }
0xe6: {  	[tilespmem:v6+s16+$0x0] =	vst.idx.msk $0xffff, v7;
	v6 =	vshrl.u32 v9, $0x3  }
0xe7: {  	s5 =	simm.s32 $0x11;
	v0 =	vadd.s32 v48, v0;
	[tilespmem:v11+s16+$0x0] =	vst.idx.msk $0xffff, v10;
	v7 =	vld [tilespmem:s23+$0xFFFFFE30];
	v6 =	vshll.u32 v6, v17  }
0xe8: {  	v9 =	vmov s5;
	v11 =	vadd.s32 v26, v4;
	v10 =	vld [tilespmem:s26+$0xE0];
	v6 =	vbroadcast v6, $0x0  }
0xe9: {  	v9 =	vshrl.u32 v9, $0x3;
	[tilespmem:v3+s16+$0x0] =	vst.idx.msk $0xffff, v2  }
0xea: {  	v2 =	vshll.u32 v9, v17;
	[tilespmem:v5+s16+$0x0] =	vst.idx.msk $0xffff, v8;
	v3 =	vld [tilespmem:s23+$0x40];
	v5 =	vadd.s32 v51, v6  }
0xeb: {  	v8 =	vadd.s32 v42, v1;
	v2 =	vbroadcast v2, $0x0;
	v9 =	vld [tilespmem:s26+$0xFFFFFED0]  }
0xec: {  	[tilespmem:v0+s16+$0x0] =	vst.idx.msk $0xffff, v7  }
0xed: {  	v0 =	vadd.s32 v51, v2;
	[tilespmem:v11+s16+$0x0] =	vst.idx.msk $0xffff, v10;
	v7 =	vld [tilespmem:s23+$0xFFFFFE40]  }
0xee: {  	s8 =	simm.s32 $0xC;
	v4 =	vadd.s32 v58, v4;
	v10 =	vld [tilespmem:s26+$0xF0]  }
0xef: {  	v11 =	vmov s8;
	[tilespmem:v5+s16+$0x0] =	vst.idx.msk $0xffff, v3  }
0xf0: {  	[tilespmem:v8+s16+$0x0] =	vst.idx.msk $0xffff, v9;
	v3 =	vshrl.u32 v11, $0x3;
	v8 =	vadd.s32 v52, v6;
	v5 =	vld [tilespmem:s23+$0x50]  }
0xf1: {  	v9 =	vadd.s32 v26, v1;
	v11 =	vld [tilespmem:s26+$0xFFFFFEE0];
	v3 =	vshll.u32 v3, v17  }
0xf2: {  	v3 =	vbroadcast v3, $0x0;
	[tilespmem:v0+s16+$0x0] =	vst.idx.msk $0xffff, v7  }
0xf3: {  	v0 =	vadd.s32 v52, v2;
	[tilespmem:v4+s16+$0x0] =	vst.idx.msk $0xffff, v10;
	v4 =	vld [tilespmem:s23+$0xFFFFFE50]  }
0xf4: {  	v10 =	vadd.s32 v57, v3;
	v7 =	vld [tilespmem:s26+$0x100]  }
0xf5: {  	[tilespmem:v8+s16+$0x0] =	vst.idx.msk $0xffff, v5  }
0xf6: {  	[tilespmem:v9+s16+$0x0] =	vst.idx.msk $0xffff, v11;
	v8 =	vadd.s32 v50, v6;
	v5 =	vld [tilespmem:s23+$0x60]  }
0xf7: {  	s9 =	simm.s32 $0x4;
	v1 =	vadd.s32 v58, v1;
	v9 =	vld [tilespmem:s26+$0xFFFFFEF0]  }
0xf8: {  	v11 =	vmov s9;
	[tilespmem:v0+s16+$0x0] =	vst.idx.msk $0xffff, v4  }
0xf9: {  	v0 =	vshrl.u32 v11, $0x3;
	v4 =	vadd.s32 v50, v2;
	[tilespmem:v10+s16+$0x0] =	vst.idx.msk $0xffff, v7;
	v7 =	vld [tilespmem:s23+$0xFFFFFE60]  }
0xfa: {  	v11 =	vadd.s32 v62, v3;
	v0 =	vshll.u32 v0, v17;
	v10 =	vld [tilespmem:s26+$0x110]  }
0xfb: {  	v0 =	vbroadcast v0, $0x0;
	[tilespmem:v8+s16+$0x0] =	vst.idx.msk $0xffff, v5  }
0xfc: {  	s13 =	simm.s32 $0x1A;
	[tilespmem:v1+s16+$0x0] =	vst.idx.msk $0xffff, v9;
	v5 =	vadd.s32 v47, v6;
	v1 =	vld [tilespmem:s23+$0x70]  }
0xfd: {  	v9 =	vmov s13;
	v6 =	vadd.s32 v57, v0;
	v8 =	vld [tilespmem:s26+$0xFFFFFF00]  }
0xfe: {  	[tilespmem:v4+s16+$0x0] =	vst.idx.msk $0xffff, v7;
	v4 =	vshrl.u32 v9, $0x3  }
0xff: {  	s20 =	simm.s32 $0x12;
	v2 =	vadd.s32 v47, v2;
	[tilespmem:v11+s16+$0x0] =	vst.idx.msk $0xffff, v10;
	v7 =	vld [tilespmem:s23+$0xFFFFFE70];
	v4 =	vshll.u32 v4, v17  }
0x100: {  	v9 =	vmov s20;
	v11 =	vadd.s32 v63, v3;
	v10 =	vld [tilespmem:s26+$0x120];
	v4 =	vbroadcast v4, $0x0  }
0x101: {  	v9 =	vshrl.u32 v9, $0x3;
	[tilespmem:v5+s16+$0x0] =	vst.idx.msk $0xffff, v1  }
0x102: {  	v1 =	vshll.u32 v9, v17;
	[tilespmem:v6+s16+$0x0] =	vst.idx.msk $0xffff, v8;
	v5 =	vld [tilespmem:s23+$0x80];
	v6 =	vadd.s32 v49, v4  }
0x103: {  	v8 =	vadd.s32 v62, v0;
	v1 =	vbroadcast v1, $0x0;
	v9 =	vld [tilespmem:s26+$0xFFFFFF10]  }
0x104: {  	[tilespmem:v2+s16+$0x0] =	vst.idx.msk $0xffff, v7  }
0x105: {  	v2 =	vadd.s32 v49, v1;
	[tilespmem:v11+s16+$0x0] =	vst.idx.msk $0xffff, v10;
	v7 =	vld [tilespmem:s23+$0xFFFFFE80]  }
0x106: {  	s24 =	simm.s32 $0xD;
	v3 =	vadd.s32 v22, v3;
	v10 =	vld [tilespmem:s26+$0x130]  }
0x107: {  	v11 =	vmov s24;
	[tilespmem:v6+s16+$0x0] =	vst.idx.msk $0xffff, v5  }
0x108: {  	[tilespmem:v8+s16+$0x0] =	vst.idx.msk $0xffff, v9;
	v5 =	vshrl.u32 v11, $0x3;
	v8 =	vadd.s32 v43, v4;
	v6 =	vld [tilespmem:s23+$0x90]  }
0x109: {  	v9 =	vadd.s32 v63, v0;
	v11 =	vld [tilespmem:s26+$0xFFFFFF20];
	v5 =	vshll.u32 v5, v17  }
0x10a: {  	v5 =	vbroadcast v5, $0x0;
	[tilespmem:v2+s16+$0x0] =	vst.idx.msk $0xffff, v7  }
0x10b: {  	v2 =	vadd.s32 v43, v1;
	[tilespmem:v3+s16+$0x0] =	vst.idx.msk $0xffff, v10;
	v3 =	vld [tilespmem:s23+$0xFFFFFE90]  }
0x10c: {  	v10 =	vadd.s32 v28, v5;
	v7 =	vld [tilespmem:s26+$0x140]  }
0x10d: {  	s25 =	simm.s32 $0x28;
	[tilespmem:v8+s16+$0x0] =	vst.idx.msk $0xffff, v6  }
0x10e: {  	s1 =	simm.s32 $0x5;
	[tilespmem:v9+s16+$0x0] =	vst.idx.msk $0xffff, v11;
	v6 =	vmov s25;
	v9 =	vadd.s32 v39, v4;
	v8 =	vld [tilespmem:s23+$0xA0]  }
0x10f: {  	v0 =	vadd.s32 v22, v0;
	v11 =	vmov s1;
	v12 =	vld [tilespmem:s26+$0xFFFFFF30];
	v6 =	vshrl.u32 v6, $0x3  }
0x110: {  	s5 =	simm.s32 $0x20;
	v11 =	vshrl.u32 v11, $0x3;
	v6 =	vshll.u32 v6, v17;
	[tilespmem:v2+s16+$0x0] =	vst.idx.msk $0xffff, v3  }
0x111: {  	v2 =	vadd.s32 v39, v1;
	v3 =	vmov s5;
	v6 =	vbroadcast v6, $0x0;
	[tilespmem:v10+s16+$0x0] =	vst.idx.msk $0xffff, v7;
	v7 =	vld [tilespmem:s23+$0xFFFFFEA0]  }
0x112: {  	s24 =	simm.s32 $0xD200;
	v13 =	vadd.s32 v29, v5;
	v10 =	vshll.u32 v11, v17;
	v3 =	vshrl.u32 v3, $0x3;
	v11 =	vld [tilespmem:s26+$0x150]  }
0x113: {  	v14 =	vld [tilespmem:s24+$0x0];
	v10 =	vbroadcast v10, $0x0;
	v3 =	vshll.u32 v3, v17;
	v15 =	vadd.s32 v40, v6;
	[tilespmem:v9+s16+$0x0] =	vst.idx.msk $0xffff, v8  }
0x114: {  	s8 =	simm.s32 $0x1B;
	v4 =	vadd.s32 v36, v4;
	[tilespmem:v0+s16+$0x0] =	vst.idx.msk $0xffff, v12;
	v0 =	vbroadcast v3, $0x0;
	v3 =	vld [tilespmem:s23+$0xB0]  }
0x115: {  	v12 =	vmov s8;
	v8 =	vadd.s32 v28, v10;
	v9 =	vld [tilespmem:s26+$0xFFFFFF40]  }
0x116: {  	v18 =	vld [tilespmem:s24+$0xFFFFFE00];
	v16 =	vadd.s32 v40, v0;
	[tilespmem:v2+s16+$0x0] =	vst.idx.msk $0xffff, v7;
	v2 =	vshrl.u32 v12, $0x3  }
0x117: {  	s9 =	simm.s32 $0x13;
	v1 =	vadd.s32 v36, v1;
	[tilespmem:v13+s16+$0x0] =	vst.idx.msk $0xffff, v11;
	v7 =	vld [tilespmem:s23+$0xFFFFFEB0];
	v2 =	vshll.u32 v2, v17  }
0x118: {  	v11 =	vmov s9;
	v13 =	vadd.s32 v24, v5;
	[tilespmem:v15+s16+$0x0] =	vst.idx.msk $0xffff, v14;
	v12 =	vld [tilespmem:s26+$0x160];
	v2 =	vbroadcast v2, $0x0  }
0x119: {  	v15 =	vadd.s32 v45, v6;
	v11 =	vshrl.u32 v11, $0x3;
	v14 =	vld [tilespmem:s24+$0x10];
	[tilespmem:v4+s16+$0x0] =	vst.idx.msk $0xffff, v3  }
0x11a: {  	v3 =	vshll.u32 v11, v17;
	[tilespmem:v8+s16+$0x0] =	vst.idx.msk $0xffff, v9;
	v4 =	vld [tilespmem:s23+$0xC0];
	v8 =	vadd.s32 v34, v2  }
0x11b: {  	v9 =	vadd.s32 v29, v10;
	v3 =	vbroadcast v3, $0x0;
	v11 =	vld [tilespmem:s26+$0xFFFFFF50];
	[tilespmem:v16+s16+$0x0] =	vst.idx.msk $0xffff, v18  }
0x11c: {  	v16 =	vadd.s32 v45, v0;
	v18 =	vld [tilespmem:s24+$0xFFFFFE10];
	[tilespmem:v1+s16+$0x0] =	vst.idx.msk $0xffff, v7  }
0x11d: {  	v1 =	vadd.s32 v34, v3;
	[tilespmem:v13+s16+$0x0] =	vst.idx.msk $0xffff, v12;
	v7 =	vld [tilespmem:s23+$0xFFFFFEC0]  }
0x11e: {  	s13 =	simm.s32 $0xE;
	v5 =	vadd.s32 v54, v5;
	[tilespmem:v15+s16+$0x0] =	vst.idx.msk $0xffff, v14;
	v12 =	vld [tilespmem:s26+$0x170]  }
0x11f: {  	v13 =	vmov s13;
	v15 =	vadd.s32 v46, v6;
	v14 =	vld [tilespmem:s24+$0x20];
	[tilespmem:v8+s16+$0x0] =	vst.idx.msk $0xffff, v4  }
0x120: {  	[tilespmem:v9+s16+$0x0] =	vst.idx.msk $0xffff, v11;
	v4 =	vshrl.u32 v13, $0x3;
	v9 =	vadd.s32 v42, v2;
	v8 =	vld [tilespmem:s23+$0xD0]  }
0x121: {  	v11 =	vadd.s32 v24, v10;
	v13 =	vld [tilespmem:s26+$0xFFFFFF60];
	v4 =	vshll.u32 v4, v17;
	[tilespmem:v16+s16+$0x0] =	vst.idx.msk $0xffff, v18  }
0x122: {  	v16 =	vadd.s32 v46, v0;
	v4 =	vbroadcast v4, $0x0;
	v18 =	vld [tilespmem:s24+$0xFFFFFE20];
	[tilespmem:v1+s16+$0x0] =	vst.idx.msk $0xffff, v7  }
0x123: {  	v1 =	vadd.s32 v42, v3;
	[tilespmem:v5+s16+$0x0] =	vst.idx.msk $0xffff, v12;
	v5 =	vld [tilespmem:s23+$0xFFFFFED0]  }
0x124: {  	v12 =	vadd.s32 v30, v4;
	[tilespmem:v15+s16+$0x0] =	vst.idx.msk $0xffff, v14;
	v7 =	vld [tilespmem:s26+$0x180]  }
0x125: {  	s20 =	simm.s32 $0x29;
	v6 =	vadd.s32 v48, v6;
	v14 =	vld [tilespmem:s24+$0x30];
	[tilespmem:v9+s16+$0x0] =	vst.idx.msk $0xffff, v8  }
0x126: {  	s25 =	simm.s32 $0x6;
	[tilespmem:v11+s16+$0x0] =	vst.idx.msk $0xffff, v13;
	v8 =	vmov s20;
	v11 =	vadd.s32 v26, v2;
	v9 =	vld [tilespmem:s23+$0xE0]  }
0x127: {  	v10 =	vadd.s32 v54, v10;
	v13 =	vmov s25;
	v15 =	vld [tilespmem:s26+$0xFFFFFF70];
	[tilespmem:v16+s16+$0x0] =	vst.idx.msk $0xffff, v18;
	v8 =	vshrl.u32 v8, $0x3  }
0x128: {  	s5 =	simm.s32 $0x21;
	v0 =	vadd.s32 v48, v0;
	v13 =	vshrl.u32 v13, $0x3;
	v16 =	vld [tilespmem:s24+$0xFFFFFE30];
	v8 =	vshll.u32 v8, v17;
	[tilespmem:v1+s16+$0x0] =	vst.idx.msk $0xffff, v5  }
0x129: {  	v1 =	vadd.s32 v26, v3;
	v5 =	vmov s5;
	[tilespmem:v12+s16+$0x0] =	vst.idx.msk $0xffff, v7;
	v7 =	vbroadcast v8, $0x0;
	v8 =	vld [tilespmem:s23+$0xFFFFFEE0]  }
0x12a: {  	v18 =	vadd.s32 v31, v4;
	v12 =	vshll.u32 v13, v17;
	v5 =	vshrl.u32 v5, $0x3;
	[tilespmem:v6+s16+$0x0] =	vst.idx.msk $0xffff, v14;
	v13 =	vld [tilespmem:s26+$0x190]  }
0x12b: {  	v6 =	vbroadcast v12, $0x0;
	v5 =	vshll.u32 v5, v17;
	v12 =	vld [tilespmem:s24+$0x40];
	v14 =	vadd.s32 v51, v7;
	[tilespmem:v11+s16+$0x0] =	vst.idx.msk $0xffff, v9  }
0x12c: {  	s8 =	simm.s32 $0x1C;
	v2 =	vadd.s32 v58, v2;
	v5 =	vbroadcast v5, $0x0;
	[tilespmem:v10+s16+$0x0] =	vst.idx.msk $0xffff, v15;
	v9 =	vld [tilespmem:s23+$0xF0]  }
0x12d: {  	v10 =	vadd.s32 v30, v6;
	v11 =	vld [tilespmem:s26+$0xFFFFFF80];
	[tilespmem:v0+s16+$0x0] =	vst.idx.msk $0xffff, v16;
	v0 =	vmov s8  }
0x12e: {  	v15 =	vadd.s32 v51, v5;
	v16 =	vld [tilespmem:s24+$0xFFFFFE40];
	v0 =	vshrl.u32 v0, $0x3;
	[tilespmem:v1+s16+$0x0] =	vst.idx.msk $0xffff, v8  }
0x12f: {  	s9 =	simm.s32 $0x14;
	v1 =	vadd.s32 v58, v3;
	v0 =	vshll.u32 v0, v17;
	[tilespmem:v18+s16+$0x0] =	vst.idx.msk $0xffff, v13;
	v3 =	vld [tilespmem:s23+$0xFFFFFEF0]  }
0x130: {  	v8 =	vmov s9;
	v18 =	vadd.s32 v35, v4;
	v0 =	vbroadcast v0, $0x0;
	v13 =	vld [tilespmem:s26+$0x1A0];
	[tilespmem:v14+s16+$0x0] =	vst.idx.msk $0xffff, v12  }
0x131: {  	v8 =	vshrl.u32 v8, $0x3;
	v14 =	vadd.s32 v52, v7;
	v12 =	vld [tilespmem:s24+$0x50];
	[tilespmem:v2+s16+$0x0] =	vst.idx.msk $0xffff, v9  }
0x132: {  	v2 =	vshll.u32 v8, v17;
	[tilespmem:v10+s16+$0x0] =	vst.idx.msk $0xffff, v11;
	v9 =	vadd.s32 v57, v0;
	v8 =	vld [tilespmem:s23+$0x100]  }
0x133: {  	v10 =	vadd.s32 v31, v6;
	v2 =	vbroadcast v2, $0x0;
	v11 =	vld [tilespmem:s26+$0xFFFFFF90];
	[tilespmem:v15+s16+$0x0] =	vst.idx.msk $0xffff, v16  }
0x134: {  	v15 =	vadd.s32 v52, v5;
	v16 =	vld [tilespmem:s24+$0xFFFFFE50];
	[tilespmem:v1+s16+$0x0] =	vst.idx.msk $0xffff, v3  }
0x135: {  	v1 =	vadd.s32 v57, v2;
	[tilespmem:v18+s16+$0x0] =	vst.idx.msk $0xffff, v13;
	v3 =	vld [tilespmem:s23+$0xFFFFFF00]  }
0x136: {  	s13 =	simm.s32 $0xF;
	v4 =	vadd.s32 v23, v4;
	v13 =	vld [tilespmem:s26+$0x1B0];
	[tilespmem:v14+s16+$0x0] =	vst.idx.msk $0xffff, v12  }
0x137: {  	v18 =	vadd.s32 v50, v7;
	v12 =	vmov s13;
	v14 =	vld [tilespmem:s24+$0x60];
	[tilespmem:v9+s16+$0x0] =	vst.idx.msk $0xffff, v8  }
0x138: {  	[tilespmem:v10+s16+$0x0] =	vst.idx.msk $0xffff, v11;
	v8 =	vshrl.u32 v12, $0x3;
	v10 =	vadd.s32 v62, v0;
	v9 =	vld [tilespmem:s23+$0x110]  }
0x139: {  	v11 =	vadd.s32 v35, v6;
	v12 =	vld [tilespmem:s26+$0xFFFFFFA0];
	v8 =	vshll.u32 v8, v17;
	[tilespmem:v15+s16+$0x0] =	vst.idx.msk $0xffff, v16  }
0x13a: {  	v15 =	vadd.s32 v50, v5;
	v16 =	vbroadcast v8, $0x0;
	v8 =	vld [tilespmem:s24+$0xFFFFFE60];
	[tilespmem:v1+s16+$0x0] =	vst.idx.msk $0xffff, v3  }
0x13b: {  	v1 =	vadd.s32 v62, v2;
	[tilespmem:v4+s16+$0x0] =	vst.idx.msk $0xffff, v13;
	v3 =	vld [tilespmem:s23+$0xFFFFFF10]  }
0x13c: {  	v13 =	vadd.s32 v37, v16;
	v4 =	vld [tilespmem:s26+$0x1C0];
	[tilespmem:v18+s16+$0x0] =	vst.idx.msk $0xffff, v14  }
0x13d: {  	s20 =	simm.s32 $0x2A;
	v7 =	vadd.s32 v47, v7;
	v14 =	vld [tilespmem:s24+$0x70];
	[tilespmem:v10+s16+$0x0] =	vst.idx.msk $0xffff, v9  }
0x13e: {  	s25 =	simm.s32 $0x7;
	[tilespmem:v11+s16+$0x0] =	vst.idx.msk $0xffff, v12;
	v9 =	vmov s20;
	v11 =	vadd.s32 v63, v0;
	v10 =	vld [tilespmem:s23+$0x120]  }
0x13f: {  	v6 =	vadd.s32 v23, v6;
	v12 =	vmov s25;
	v18 =	vld [tilespmem:s26+$0xFFFFFFB0];
	[tilespmem:v15+s16+$0x0] =	vst.idx.msk $0xffff, v8;
	v8 =	vshrl.u32 v9, $0x3  }
0x140: {  	s5 =	simm.s32 $0x22;
	v5 =	vadd.s32 v47, v5;
	v9 =	vshrl.u32 v12, $0x3;
	v12 =	vld [tilespmem:s24+$0xFFFFFE70];
	v8 =	vshll.u32 v8, v17;
	[tilespmem:v1+s16+$0x0] =	vst.idx.msk $0xffff, v3  }
0x141: {  	v1 =	vadd.s32 v63, v2;
	v3 =	vmov s5;
	[tilespmem:v13+s16+$0x0] =	vst.idx.msk $0xffff, v4;
	v13 =	vbroadcast v8, $0x0;
	v4 =	vld [tilespmem:s23+$0xFFFFFF20]  }
0x142: {  	v15 =	vadd.s32 v56, v16;
	v8 =	vshll.u32 v9, v17;
	v3 =	vshrl.u32 v3, $0x3;
	v9 =	vld [tilespmem:s26+$0x1D0];
	[tilespmem:v7+s16+$0x0] =	vst.idx.msk $0xffff, v14  }
0x143: {  	v7 =	vbroadcast v8, $0x0;
	v3 =	vshll.u32 v3, v17;
	v8 =	vld [tilespmem:s24+$0x80];
	v14 =	vadd.s32 v49, v13;
	[tilespmem:v11+s16+$0x0] =	vst.idx.msk $0xffff, v10  }
0x144: {  	v0 =	vadd.s32 v22, v0;
	v10 =	vbroadcast v3, $0x0;
	[tilespmem:v6+s16+$0x0] =	vst.idx.msk $0xffff, v18;
	v3 =	vld [tilespmem:s23+$0x130]  }
0x145: {  	s8 =	simm.s32 $0x1D;
	v6 =	vadd.s32 v37, v7;
	v11 =	vld [tilespmem:s26+$0xFFFFFFC0];
	[tilespmem:v5+s16+$0x0] =	vst.idx.msk $0xffff, v12  }
0x146: {  	s9 =	simm.s32 $0x15;
	v2 =	vadd.s32 v22, v2;
	v20 =	vadd.s32 v43, v13;
	v5 =	vmov s8;
	[tilespmem:v1+s16+$0x0] =	vst.idx.msk $0xffff, v4  }
0x147: {  	v18 =	vadd.s32 v49, v10;
	v19 =	vld [tilespmem:s24+$0xFFFFFE80];
	v1 =	vshrl.u32 v5, $0x3;
	v4 =	vmov s9;
	[tilespmem:v15+s16+$0x0] =	vst.idx.msk $0xffff, v9  }
0x148: {  	v12 =	vadd.s32 v56, v7;
	v5 =	vld [tilespmem:s23+$0xFFFFFF30];
	v1 =	vshll.u32 v1, v17;
	v4 =	vshrl.u32 v4, $0x3;
	[tilespmem:v14+s16+$0x0] =	vst.idx.msk $0xffff, v8  }
0x149: {  	v15 =	vadd.s32 v55, v16;
	v9 =	vld [tilespmem:s26+$0x1E0];
	v14 =	vbroadcast v1, $0x0;
	v1 =	vshll.u32 v4, v17;
	[tilespmem:v0+s16+$0x0] =	vst.idx.msk $0xffff, v3  }
0x14a: {  	v4 =	vld [tilespmem:s24+$0x90];
	[tilespmem:v6+s16+$0x0] =	vst.idx.msk $0xffff, v11;
	v11 =	vadd.s32 v55, v7;
	v7 =	vadd.s32 v38, v7  }
0x14b: {  	v53 =	vmov v23;
	s13 =	simm.s32 $0x16;
	v23 =	vadd.s32 v39, v13;
	v3 =	vld [tilespmem:s23+$0x140];
	v6 =	vadd.s32 v28, v14;
	[tilespmem:$0x1FBC0] =	vst v7  }
0x14c: {  	s20 =	simm.s32 $0x17;
	v16 =	vadd.s32 v38, v16;
	v0 =	vmov s13;
	v1 =	vbroadcast v1, $0x0;
	v7 =	vld [tilespmem:s26+$0xFFFFFFD0];
	[tilespmem:v18+s16+$0x0] =	vst.idx.msk $0xffff, v19  }
0x14d: {  	v8 =	vmov s20;
	v0 =	vshrl.u32 v0, $0x3;
	v19 =	vadd.s32 v43, v10;
	v21 =	vld [tilespmem:s24+$0xFFFFFE90];
	[tilespmem:v2+s16+$0x0] =	vst.idx.msk $0xffff, v5  }
0x14e: {  	v18 =	vadd.s32 v28, v1;
	v0 =	vshll.u32 v0, v17;
	v2 =	vshrl.u32 v8, $0x3;
	[tilespmem:v15+s16+$0x0] =	vst.idx.msk $0xffff, v9;
	v9 =	vld [tilespmem:s23+$0xFFFFFF40]  }
0x14f: {  	s25 =	simm.s32 $0x38;
	v5 =	vadd.s32 v29, v1;
	v8 =	vadd.s32 v54, v1;
	v0 =	vbroadcast v0, $0x0;
	[tilespmem:v20+s16+$0x0] =	vst.idx.msk $0xffff, v4  }
0x150: {  	v15 =	vadd.s32 v24, v1;
	v1 =	vshll.u32 v2, v17;
	v2 =	vmov s25;
	v20 =	vld [tilespmem:s24+$0xA0];
	[tilespmem:v6+s16+$0x0] =	vst.idx.msk $0xffff, v3  }
0x151: {  	v44 =	vmovc v22;
	v22 =	vld [tilespmem:s26+$0x1F0];
	v2 =	vshrl.u32 v2, $0x3;
	v4 =	vadd.s32 v31, v0;
	v3 =	vmov v39;
	[tilespmem:v12+s16+$0x0] =	vst.idx.msk $0xffff, v7  }
0x152: {  	v2 =	vshll.u32 v2, v17;
	v7 =	vld [tilespmem:s23+$0x150];
	v12 =	vadd.s32 v29, v14;
	[tilespmem:v19+s16+$0x0] =	vst.idx.msk $0xffff, v21  }
0x153: {  	s1 =	simm.s32 $0x30;
	v39 =	vmov v24;
	v25 =	vbroadcast v2, $0x0;
	v2 =	vadd.s32 v35, v0;
	v24 =	vld [tilespmem:s26+$0xFFFFFFE0];
	[tilespmem:v18+s16+$0x0] =	vst.idx.msk $0xffff, v9  }
0x154: {  	v6 =	vadd.s32 v30, v0;
	v19 =	vadd.s32 v3, v10;
	v21 =	vmov s1;
	v3 =	vmovc v43;
	v43 =	vmovc v26;
	v26 =	vld [tilespmem:s24+$0xFFFFFEA0];
	[tilespmem:$0x1FC90] =	vst v2  }
0x155: {  	s25 =	simm.s32 $0xD600;
	v0 =	vadd.s32 v53, v0;
	v18 =	vbroadcast v1, $0x0;
	v2 =	vshrl.u32 v21, $0x3;
	v9 =	vld [tilespmem:s23+$0xFFFFFF50];
	[tilespmem:v23+s16+$0x0] =	vst.idx.msk $0xffff, v20  }
0x156: {  	v1 =	vshll.u32 v2, v17;
	v21 =	vld [tilespmem:s25+$0x0];
	[tilespmem:$0x1FCA0] =	vst v0  }
0x157: {  	v20 =	vbroadcast v1, $0x0;
	v1 =	vadd.s32 v37, v18;
	[tilespmem:v12+s16+$0x0] =	vst.idx.msk $0xffff, v7  }
0x158: {  	v0 =	vld [tilespmem:s24+$0xB0];
	[tilespmem:$0x1FCC0] =	vst v1  }
0x159: {  	[tilespmem:v16+s16+$0x0] =	vst.idx.msk $0xffff, v22  }
0x15a: {  	v12 =	vld [tilespmem:s23+$0x160];
	[tilespmem:v19+s16+$0x0] =	vst.idx.msk $0xffff, v26  }
0x15b: {  	v41 =	vmov v28;
	v1 =	vadd.s32 v56, v18;
	v28 =	vld [tilespmem:s25+$0xFFFFFE00];
	[tilespmem:v11+s16+$0x0] =	vst.idx.msk $0xffff, v24  }
0x15c: {  	v27 =	vadd.s32 v40, v25;
	v11 =	vld [tilespmem:s24+$0xFFFFFEB0];
	[tilespmem:$0x1FD00] =	vst v1  }
0x15d: {  	v1 =	vld [tilespmem:s26+$0xFFFFFFF0];
	_ =	sdelay $0x1  }
0x15e: {  	v13 =	vadd.s32 v36, v13  }
0x15f: {  	s5 =	simm.s32 $0x2B  }
0x160: {  	s8 =	simm.s32 $0x23;
	v7 =	vmov s5;
	v23 =	vadd.s32 v40, v20;
	v16 =	vadd.s32 v39, v14;
	[tilespmem:v27+s16+$0x0] =	vst.idx.msk $0xffff, v21  }
0x161: {  	v7 =	vshrl.u32 v7, $0x3;
	v22 =	vmov s8;
	[tilespmem:$0x1FBD0] =	vst v1;
	v1 =	vadd.s32 v55, v18  }
0x162: {  	v10 =	vadd.s32 v36, v10;
	v7 =	vshll.u32 v7, v17;
	v19 =	vshrl.u32 v22, $0x3;
	[tilespmem:$0x1FBE0] =	vst v1  }
0x163: {  	v19 =	vshll.u32 v19, v17;
	v21 =	vbroadcast v7, $0x0;
	[tilespmem:v13+s16+$0x0] =	vst.idx.msk $0xffff, v0;
	v0 =	vadd.s32 v38, v18  }
0x164: {  	v22 =	vadd.s32 v45, v25;
	v7 =	vbroadcast v19, $0x0;
	v19 =	vld [tilespmem:s25+$0x10];
	[tilespmem:$0x1FBF0] =	vst v0  }
0x165: {  	v13 =	vadd.s32 v34, v21;
	v0 =	vld [tilespmem:s24+$0xC0];
	[tilespmem:v16+s16+$0x0] =	vst.idx.msk $0xffff, v12  }
0x166: {  	v14 =	vadd.s32 v54, v14;
	[tilespmem:v23+s16+$0x0] =	vst.idx.msk $0xffff, v28;
	v18 =	vld [tilespmem:s23+$0x170]  }
0x167: {  	s9 =	simm.s32 $0x24;
	v24 =	vadd.s32 v45, v20;
	[tilespmem:v10+s16+$0x0] =	vst.idx.msk $0xffff, v11;
	v26 =	vld [tilespmem:s25+$0xFFFFFE10]  }
0x168: {  	s13 =	simm.s32 $0x1E;
	v12 =	vmov s9;
	v16 =	vadd.s32 v34, v7;
	[tilespmem:v5+s16+$0x0] =	vst.idx.msk $0xffff, v9;
	v27 =	vld [tilespmem:s24+$0xFFFFFEC0]  }
0x169: {  	v23 =	vadd.s32 v42, v7;
	v10 =	vmov s13;
	v11 =	vshrl.u32 v12, $0x3;
	[tilespmem:v22+s16+$0x0] =	vst.idx.msk $0xffff, v19  }
0x16a: {  	s20 =	simm.s32 $0x25;
	v9 =	vadd.s32 v58, v7;
	v5 =	vshrl.u32 v10, $0x3;
	v10 =	vld [tilespmem:s23+$0xFFFFFF60];
	v11 =	vshll.u32 v11, v17;
	[tilespmem:v13+s16+$0x0] =	vst.idx.msk $0xffff, v0  }
0x16b: {  	v12 =	vadd.s32 v43, v7;
	v7 =	vmov s20;
	v11 =	vbroadcast v11, $0x0;
	v19 =	vld [tilespmem:s25+$0x20];
	[tilespmem:v14+s16+$0x0] =	vst.idx.msk $0xffff, v18  }
0x16c: {  	v5 =	vshll.u32 v5, v17;
	v22 =	vadd.s32 v46, v25;
	v0 =	vshrl.u32 v7, $0x3;
	v28 =	vld [tilespmem:s24+$0xD0];
	[tilespmem:v24+s16+$0x0] =	vst.idx.msk $0xffff, v26  }
0x16d: {  	s26 =	simm.s32 $0x26;
	v13 =	vbroadcast v5, $0x0;
	v5 =	vadd.s32 v63, v11;
	v0 =	vshll.u32 v0, v17;
	[tilespmem:v16+s16+$0x0] =	vst.idx.msk $0xffff, v27;
	v14 =	vld [tilespmem:s23+$0x180]  }
0x16e: {  	v2 =	vmovc v34;
	v34 =	vmovc v29;
	v29 =	vadd.s32 v42, v21;
	v24 =	vbroadcast v0, $0x0;
	v32 =	vld [tilespmem:s25+$0xFFFFFE20];
	v0 =	vmov s26;
	[tilespmem:$0x1FCB0] =	vst v5  }
0x16f: {  	v18 =	vadd.s32 v30, v13;
	[tilespmem:v15+s16+$0x0] =	vst.idx.msk $0xffff, v10;
	v10 =	vshrl.u32 v0, $0x3;
	v0 =	vadd.s32 v44, v11  }
0x170: {  	v16 =	vld [tilespmem:s24+$0xFFFFFED0];
	[tilespmem:$0x1FCF0] =	vst v0  }
0x171: {  	v1 =	vmov v31;
	v31 =	vadd.s32 v46, v20;
	v0 =	vadd.s32 v34, v24;
	[tilespmem:v22+s16+$0x0] =	vst.idx.msk $0xffff, v19  }
0x172: {  	v7 =	vadd.s32 v62, v11;
	v26 =	vmov v30;
	v30 =	vadd.s32 v57, v11;
	v11 =	vld [tilespmem:s23+$0xFFFFFF70];
	[tilespmem:$0x1FC00] =	vst v0  }
0x173: {  	[tilespmem:v29+s16+$0x0] =	vst.idx.msk $0xffff, v28  }
0x174: {  	v22 =	vadd.s32 v48, v25;
	v19 =	vld [tilespmem:s25+$0x30];
	[tilespmem:v18+s16+$0x0] =	vst.idx.msk $0xffff, v14;
	v14 =	vadd.s32 v54, v24  }
0x175: {  	v28 =	vadd.s32 v43, v21;
	v27 =	vld [tilespmem:s24+$0xE0];
	[tilespmem:$0x1FC10] =	vst v14  }
0x176: {  	s5 =	simm.s32 $0x39;
	v61 =	vadd.s32 v41, v24;
	v60 =	vadd.s32 v39, v24;
	[tilespmem:v31+s16+$0x0] =	vst.idx.msk $0xffff, v32  }
0x177: {  	s1 =	simm.s32 $0x27;
	v10 =	vshll.u32 v10, v17;
	v25 =	vmov s5;
	v24 =	vadd.s32 v1, v13;
	v18 =	vld [tilespmem:s23+$0x190];
	[tilespmem:v23+s16+$0x0] =	vst.idx.msk $0xffff, v16  }
0x178: {  	v15 =	vmov s1;
	v10 =	vbroadcast v10, $0x0;
	v14 =	vshrl.u32 v25, $0x3;
	v25 =	vld [tilespmem:s25+$0xFFFFFE30];
	[tilespmem:v8+s16+$0x0] =	vst.idx.msk $0xffff, v11  }
0x179: {  	s8 =	simm.s32 $0x31;
	v20 =	vadd.s32 v48, v20;
	v15 =	vshrl.u32 v15, $0x3;
	v23 =	vld [tilespmem:s24+$0xFFFFFEE0];
	[tilespmem:v22+s16+$0x0] =	vst.idx.msk $0xffff, v19  }
0x17a: {  	v16 =	vmov s8;
	v8 =	vshll.u32 v15, v17;
	v15 =	vld [tilespmem:s23+$0xFFFFFF80];
	v22 =	vadd.s32 v26, v10;
	[tilespmem:v28+s16+$0x0] =	vst.idx.msk $0xffff, v27  }
0x17b: {  	v11 =	vshrl.u32 v16, $0x3;
	v16 =	vld [tilespmem:s25+$0x40];
	[tilespmem:$0x1FC20] =	vst v22  }
0x17c: {  	v14 =	vshll.u32 v14, v17;
	[tilespmem:v24+s16+$0x0] =	vst.idx.msk $0xffff, v18;
	v18 =	vadd.s32 v1, v10  }
0x17d: {  	v14 =	vbroadcast v14, $0x0;
	v22 =	vld [tilespmem:s24+$0xF0];
	[tilespmem:$0x1FC30] =	vst v18  }
0x17e: {  	v59 =	vadd.s32 v35, v10;
	[tilespmem:v20+s16+$0x0] =	vst.idx.msk $0xffff, v25  }
0x17f: {  	v8 =	vbroadcast v8, $0x0;
	v19 =	vadd.s32 v51, v14;
	v10 =	vadd.s32 v53, v10;
	v20 =	vld [tilespmem:s23+$0x1A0];
	[tilespmem:v12+s16+$0x0] =	vst.idx.msk $0xffff, v23  }
0x180: {  	s9 =	simm.s32 $0x2C;
	v27 =	vld [tilespmem:s25+$0xFFFFFE40];
	[tilespmem:$0x1FC40] =	vst v10  }
0x181: {  	v21 =	vadd.s32 v58, v21;
	v18 =	vmov s9;
	[tilespmem:v6+s16+$0x0] =	vst.idx.msk $0xffff, v15;
	v6 =	vadd.s32 v37, v8  }
0x182: {  	v11 =	vshll.u32 v11, v17;
	v12 =	vshrl.u32 v18, $0x3;
	v10 =	vld [tilespmem:s24+$0xFFFFFEF0];
	[tilespmem:$0x1FC50] =	vst v6;
	v6 =	vadd.s32 v56, v8  }
0x183: {  	v11 =	vbroadcast v11, $0x0;
	v24 =	vadd.s32 v35, v13;
	v12 =	vshll.u32 v12, v17;
	[tilespmem:$0x1FC60] =	vst v6  }
0x184: {  	v15 =	vadd.s32 v55, v8;
	v6 =	vbroadcast v12, $0x0;
	[tilespmem:v19+s16+$0x0] =	vst.idx.msk $0xffff, v16;
	v12 =	vld [tilespmem:s23+$0xFFFFFF90]  }
0x185: {  	v25 =	vadd.s32 v51, v11;
	[tilespmem:$0x1FC70] =	vst v15;
	v23 =	vld [tilespmem:$0x1FE50]  }
0x186: {  	v8 =	vadd.s32 v38, v8;
	[tilespmem:v21+s16+$0x0] =	vst.idx.msk $0xffff, v22  }
0x187: {  	v15 =	vld [tilespmem:s25+$0x50];
	[tilespmem:$0x1FC80] =	vst v8  }
0x188: {  	v19 =	vadd.s32 v57, v6;
	v18 =	vld [tilespmem:s24+$0x100];
	[tilespmem:v24+s16+$0x0] =	vst.idx.msk $0xffff, v20  }
0x189: {  	v13 =	vadd.s32 v53, v13;
	v21 =	vld [tilespmem:s23+$0x1B0]  }
0x18a: {  	[tilespmem:v25+s16+$0x0] =	vst.idx.msk $0xffff, v27;
	v16 =	vadd.s32 v23, v14  }
0x18b: {  	[tilespmem:v9+s16+$0x0] =	vst.idx.msk $0xffff, v10;
	v25 =	vld [tilespmem:s25+$0xFFFFFE50];
	v23 =	vadd.s32 v23, v11  }
0x18c: {  	[tilespmem:v4+s16+$0x0] =	vst.idx.msk $0xffff, v12  }
0x18d: {  	[tilespmem:v19+s16+$0x0] =	vst.idx.msk $0xffff, v18  }
0x18e: {  	[tilespmem:v13+s16+$0x0] =	vst.idx.msk $0xffff, v21  }
0x18f: {  	s26 =	simm.s32 $0x1F;
	[tilespmem:v16+s16+$0x0] =	vst.idx.msk $0xffff, v15  }
0x190: {  	s13 =	simm.s32 $0x32;
	v9 =	vmov s26;
	v10 =	vld [tilespmem:s24+$0xFFFFFF00];
	[tilespmem:v23+s16+$0x0] =	vst.idx.msk $0xffff, v25  }
0x191: {  	v8 =	vmov s13;
	v4 =	vshrl.u32 v9, $0x3;
	v0 =	vld [tilespmem:$0x1FFA0]  }
0x192: {  	v8 =	vshrl.u32 v8, $0x3;
	v4 =	vshll.u32 v4, v17  }
0x193: {  	v8 =	vshll.u32 v8, v17;
	v31 =	vbroadcast v4, $0x0;
	v4 =	vld [tilespmem:s24+$0x110]  }
0x194: {  	s20 =	simm.s32 $0x33;
	v28 =	vadd.s32 v50, v14;
	v8 =	vbroadcast v8, $0x0;
	v16 =	vld [tilespmem:s25+$0x60]  }
0x195: {  	v20 =	vmov s20;
	v18 =	vadd.s32 v62, v6;
	v19 =	vld [tilespmem:s23+$0x1C0];
	[tilespmem:v30+s16+$0x0] =	vst.idx.msk $0xffff, v10  }
0x196: {  	v9 =	vshrl.u32 v20, $0x3;
	v21 =	vadd.s32 v37, v31;
	v20 =	vadd.s32 v0, v8;
	v0 =	vld [tilespmem:$0x1FC90]  }
0x197: {  	v24 =	vadd.s32 v50, v11;
	v23 =	vld [tilespmem:s25+$0xFFFFFE60]  }
0x198: {  	v10 =	vld [tilespmem:s24+$0xFFFFFF10]  }
0x199: {  	v12 =	vld [tilespmem:s23+$0xFFFFFFA0];
	[tilespmem:v28+s16+$0x0] =	vst.idx.msk $0xffff, v16  }
0x19a: {  	[tilespmem:v18+s16+$0x0] =	vst.idx.msk $0xffff, v4  }
0x19b: {  	[tilespmem:v21+s16+$0x0] =	vst.idx.msk $0xffff, v19  }
0x19c: {  	[tilespmem:v24+s16+$0x0] =	vst.idx.msk $0xffff, v23  }
0x19d: {  	v29 =	vadd.s32 v47, v14;
	v25 =	vld [tilespmem:s25+$0x70];
	[tilespmem:v7+s16+$0x0] =	vst.idx.msk $0xffff, v10  }
0x19e: {  	v27 =	vadd.s32 v47, v11;
	v9 =	vshll.u32 v9, v17;
	v18 =	vld [tilespmem:s24+$0x120];
	[tilespmem:v0+s16+$0x0] =	vst.idx.msk $0xffff, v12  }
0x19f: {  	v32 =	vadd.s32 v49, v8;
	v13 =	vbroadcast v9, $0x0;
	v30 =	vadd.s32 v63, v6;
	v0 =	vld [tilespmem:$0x1FCA0]  }
0x1a0: {  	s5 =	simm.s32 $0x34;
	v22 =	vadd.s32 v3, v8;
	v15 =	vadd.s32 v36, v8;
	v21 =	vadd.s32 v56, v31;
	v19 =	vld [tilespmem:s23+$0x1D0]  }
0x1a1: {  	v11 =	vadd.s32 v2, v13;
	v9 =	vadd.s32 v42, v13;
	v8 =	vmov s5;
	v23 =	vld [tilespmem:s25+$0xFFFFFE70]  }
0x1a2: {  	v5 =	vmovc v3;
	v3 =	vshrl.u32 v8, $0x3;
	v8 =	vadd.s32 v58, v13;
	v12 =	vadd.s32 v43, v13;
	v13 =	vld [tilespmem:s23+$0xFFFFFFB0]  }
0x1a3: {  	[tilespmem:v29+s16+$0x0] =	vst.idx.msk $0xffff, v25  }
0x1a4: {  	[tilespmem:v30+s16+$0x0] =	vst.idx.msk $0xffff, v18  }
0x1a5: {  	s20 =	simm.s32 $0x37;
	[tilespmem:v21+s16+$0x0] =	vst.idx.msk $0xffff, v19  }
0x1a6: {  	v18 =	vmov s20;
	[tilespmem:v27+s16+$0x0] =	vst.idx.msk $0xffff, v23  }
0x1a7: {  	v30 =	vadd.s32 v44, v6;
	v6 =	vshrl.u32 v18, $0x3;
	[tilespmem:v0+s16+$0x0] =	vst.idx.msk $0xffff, v13  }
0x1a8: {  	v0 =	vshll.u32 v6, v17;
	v6 =	vld [tilespmem:$0x1FCB0];
	_ =	sdelay $0x2  }
0x1a9: {  	v33 =	vld [tilespmem:s24+$0xFFFFFF20];
	_ =	sdelay $0x2  }
0x1aa: {  	v3 =	vshll.u32 v3, v17  }
0x1ab: {  	v3 =	vbroadcast v3, $0x0  }
0x1ac: {  	s8 =	simm.s32 $0x35;
	[tilespmem:v6+s16+$0x0] =	vst.idx.msk $0xffff, v33  }
0x1ad: {  	s9 =	simm.s32 $0x3A;
	v16 =	vmov s8;
	v10 =	vadd.s32 v44, v3;
	v44 =	vbroadcast v0, $0x0;
	v0 =	vld [tilespmem:$0x1FCC0]  }
0x1ae: {  	s13 =	simm.s32 $0x36;
	v14 =	vmov s9;
	v4 =	vshrl.u32 v16, $0x3  }
0x1af: {  	v14 =	vshrl.u32 v14, $0x3;
	v7 =	vmov s13;
	v4 =	vshll.u32 v4, v17  }
0x1b0: {  	v14 =	vshll.u32 v14, v17;
	v7 =	vshrl.u32 v7, $0x3;
	v2 =	vbroadcast v4, $0x0;
	v4 =	vld [tilespmem:s23+$0xFFFFFFC0]  }
0x1b1: {  	v28 =	vbroadcast v14, $0x0;
	v7 =	vshll.u32 v7, v17  }
0x1b2: {  	v16 =	vadd.s32 v57, v3;
	v14 =	vadd.s32 v62, v3;
	v24 =	vadd.s32 v41, v2;
	v29 =	vld [tilespmem:s24+$0x130]  }
0x1b3: {  	v25 =	vadd.s32 v49, v28;
	v27 =	vbroadcast v7, $0x0;
	v13 =	vadd.s32 v63, v3;
	v3 =	vld [tilespmem:s25+$0x80]  }
0x1b4: {  	v23 =	vadd.s32 v55, v31;
	v19 =	vadd.s32 v34, v2;
	v21 =	vld [tilespmem:s23+$0x1E0];
	v18 =	vadd.s32 v39, v2  }
0x1b5: {  	v43 =	vld [tilespmem:s25+$0xFFFFFE80];
	v6 =	vadd.s32 v54, v2;
	v2 =	vadd.s32 v26, v27;
	[tilespmem:v0+s16+$0x0] =	vst.idx.msk $0xffff, v4  }
0x1b6: {  	v1 =	vadd.s32 v1, v27;
	v54 =	vld [tilespmem:s24+$0xFFFFFF30];
	[tilespmem:$0x1FCD0] =	vst v2  }
0x1b7: {  	[tilespmem:$0x1FCE0] =	vst v1  }
0x1b8: {  	[tilespmem:v25+s16+$0x0] =	vst.idx.msk $0xffff, v3  }
0x1b9: {  	[tilespmem:v30+s16+$0x0] =	vst.idx.msk $0xffff, v29  }
0x1ba: {  	[tilespmem:v23+s16+$0x0] =	vst.idx.msk $0xffff, v21  }
0x1bb: {  	[tilespmem:v32+s16+$0x0] =	vst.idx.msk $0xffff, v43  }
0x1bc: {  	v0 =	vld [tilespmem:$0x1FCF0];
	_ =	sdelay $0x7  }
0x1bd: {  	[tilespmem:v0+s16+$0x0] =	vst.idx.msk $0xffff, v54  }
0x1be: {  	v0 =	vld [tilespmem:$0x1FD00];
	_ =	sdelay $0x1  }
0x1bf: {  	s26 =	simm.s32 $0x2D  }
0x1c0: {  	v1 =	vmov s26;
	v26 =	vld [tilespmem:s23+$0xFFFFFFD0]  }
0x1c1: {  	v63 =	vadd.s32 v35, v27;
	v1 =	vshrl.u32 v1, $0x3;
	v35 =	vld [tilespmem:s25+$0x90]  }
0x1c2: {  	v36 =	vadd.s32 v5, v28;
	v25 =	vshll.u32 v1, v17;
	v29 =	vld [tilespmem:s24+$0x140]  }
0x1c3: {  	v57 =	vadd.s32 v53, v27;
	v2 =	vadd.s32 v37, v44;
	v34 =	vld [tilespmem:s25+$0xFFFFFE90];
	v27 =	vbroadcast v25, $0x0  }
0x1c4: {  	s29 =	simm.s32 $0x2F;
	s28 =	simm.s32 $0x3F;
	v23 =	vadd.s32 v55, v44;
	v21 =	vadd.s32 v38, v44;
	v1 =	vadd.s32 v56, v44;
	v25 =	vld [tilespmem:s23+$0x1F0]  }
0x1c5: {  	s30 =	simm.s32 $0x6;
	s31 =	simm.s32 $0x4F;
	s26 =	simm.s32 $0xD600;
	v32 =	vadd.s32 v41, v27;
	[tilespmem:v0+s16+$0x0] =	vst.idx.msk $0xffff, v26;
	v26 =	vadd.s32 v38, v31;
	v31 =	vld [tilespmem:s24+$0xFFFFFF40]  }
.LBB2_5:
0x1c6: {  	_ =	sdelay $0x2  }
0x1c7: {  	s0 =	sadd.s32 $0xFFFFFFF1, s31;
	s1 =	sadd.s32 $0xFFFFFFF9, s31  }
0x1c8: {  	v30 =	vmov s0;
	v58 =	vmov s1;
	[tilespmem:v36+s16+$0x0] =	vst.idx.msk $0xffff, v35  }
0x1c9: {  	v36 =	vld [tilespmem:s25+$0xA0];
	[tilespmem:v32+s16+$0x0] =	vst.idx.msk $0xffff, v29;
	v29 =	vshrl.u32 v30, $0x3;
	v30 =	vshrl.u32 v58, $0x3  }
0x1ca: {  	v32 =	vld [tilespmem:s24+$0x150];
	[tilespmem:v26+s16+$0x0] =	vst.idx.msk $0xffff, v25;
	v25 =	vshll.u32 v29, v17;
	v29 =	vshll.u32 v30, v17  }
0x1cb: {  	v30 =	vbroadcast v29, $0x0;
	v29 =	vld [tilespmem:$0x1FBE0];
	_ =	sdelay $0x2  }
0x1cc: {  	v33 =	vld [tilespmem:s23+$0xFFFFFFE0]  }
0x1cd: {  	s20 =	sadd.s32 $0xFFFFFFF2, s31;
	v55 =	vld [tilespmem:$0x1FFA0]  }
0x1ce: {  	v56 =	vld [tilespmem:$0x1FF00];
	[tilespmem:v22+s16+$0x0] =	vst.idx.msk $0xffff, v34;
	v26 =	vmov s20  }
0x1cf: {  	v22 =	vbroadcast v25, $0x0;
	v25 =	vshrl.u32 v26, $0x3;
	v26 =	vld [tilespmem:s25+$0xFFFFFEA0];
	[tilespmem:v61+s16+$0x0] =	vst.idx.msk $0xffff, v31  }
0x1d0: {  	v38 =	vld [tilespmem:s24+$0xFFFFFF50]  }
0x1d1: {  	[tilespmem:v29+s16+$0x0] =	vst.idx.msk $0xffff, v33;
	v29 =	vmov v23;
	v23 =	vld [tilespmem:$0x1FDE0]  }
0x1d2: {  	v53 =	vld [tilespmem:$0x1FF70]  }
0x1d3: {  	v54 =	vld [tilespmem:$0x1FEE0]  }
0x1d4: {  	v7 =	vld [tilespmem:$0x1FE90]  }
0x1d5: {  	v5 =	vmov v57;
	v57 =	vld [tilespmem:$0x1FF10]  }
0x1d6: {  	v37 =	vadd.s32 v55, v28;
	v58 =	vadd.s32 v23, v30;
	v23 =	vld [tilespmem:$0x1FBC0]  }
0x1d7: {  	v4 =	vmov v2;
	v2 =	vld [tilespmem:$0x1FFF0];
	v35 =	vadd.s32 v56, v27  }
0x1d8: {  	v31 =	vld [tilespmem:$0x1FC70]  }
0x1d9: {  	[tilespmem:$0x1FC70] =	vst v29;
	v29 =	vld [tilespmem:$0x1FBD0]  }
0x1da: {  	v44 =	vmov v52;
	v52 =	vmov v51;
	v51 =	vld [tilespmem:$0x1FEC0];
	s25 =	sadd.s32 $0x400, s25  }
0x1db: {  	v39 =	vld [tilespmem:s25+$0x0];
	[tilespmem:v37+s16+$0x0] =	vst.idx.msk $0xffff, v36  }
0x1dc: {  	s9 =	sadd.s32 $0xFFFFFFF4, s31;
	v37 =	vld [tilespmem:s26+$0xB0];
	[tilespmem:v35+s16+$0x0] =	vst.idx.msk $0xffff, v32  }
0x1dd: {  	[tilespmem:$0x1FBB0] =	vst v63;
	v62 =	vmov s9;
	s9 =	sadd.s32 $0xFFFFFFFC, s28;
	v32 =	vld [tilespmem:s24+$0x160]  }
0x1de: {  	v63 =	vmov v24;
	v41 =	vadd.s32 v53, v28;
	v28 =	vmov s9;
	[tilespmem:v23+s16+$0x0] =	vst.idx.msk $0xffff, v29;
	v29 =	vld [tilespmem:$0x1FBF0]  }
0x1df: {  	v24 =	vshll.u32 v25, v17;
	v42 =	vadd.s32 v51, v27;
	v43 =	vld [tilespmem:s25+$0xFFFFFE00];
	[tilespmem:v20+s16+$0x0] =	vst.idx.msk $0xffff, v26;
	v20 =	vshrl.u32 v28, $0x3  }
0x1e0: {  	s8 =	sadd.s32 $0xFFFFFFF3, s31;
	v24 =	vbroadcast v24, $0x0;
	v33 =	vadd.s32 v40, v22;
	v26 =	vld [tilespmem:$0x1FC80];
	v20 =	vshll.u32 v20, v17  }
0x1e1: {  	v25 =	vmov s8;
	v0 =	vmov v31;
	[tilespmem:v58+s16+$0x0] =	vst.idx.msk $0xffff, v39;
	v39 =	vbroadcast v20, $0x0;
	v20 =	vld [tilespmem:s23+$0xFFFFFFF0]  }
0x1e2: {  	v25 =	vshrl.u32 v25, $0x3;
	v31 =	vadd.s32 v52, v24;
	[tilespmem:$0x1FBE0] =	vst v0;
	v34 =	vld [tilespmem:s25+$0x10]  }
0x1e3: {  	v0 =	vshll.u32 v25, v17;
	v40 =	vadd.s32 v45, v30;
	[tilespmem:v41+s16+$0x0] =	vst.idx.msk $0xffff, v37;
	v61 =	vld [tilespmem:s26+$0xFFFFFEB0];
	s23 =	smov.u32 s24;
	s24 =	smov.u32 s26  }
0x1e4: {  	v28 =	vadd.s32 v50, v24;
	v37 =	vld [tilespmem:s24+$0xC0];
	[tilespmem:v42+s16+$0x0] =	vst.idx.msk $0xffff, v32;
	v23 =	vmov v29;
	v29 =	vadd.s32 v44, v24  }
0x1e5: {  	v3 =	vmov v26;
	v26 =	vadd.s32 v47, v24;
	v24 =	vbroadcast v0, $0x0;
	[tilespmem:v33+s16+$0x0] =	vst.idx.msk $0xffff, v43;
	v0 =	vld [tilespmem:$0x1FC00]  }
0x1e6: {  	[tilespmem:$0x1FBD0] =	vst v20;
	v20 =	vshrl.u32 v62, $0x3;
	v62 =	vld [tilespmem:$0x1FF80]  }
0x1e7: {  	[tilespmem:$0x1FBC0] =	vst v23;
	v25 =	vadd.s32 v49, v24;
	v49 =	vld [tilespmem:s25+$0xFFFFFE10]  }
0x1e8: {  	[tilespmem:v15+s16+$0x0] =	vst.idx.msk $0xffff, v61;
	v61 =	vld [tilespmem:$0x1FF90]  }
0x1e9: {  	v36 =	vadd.s32 v45, v22;
	v23 =	vadd.s32 v48, v22;
	v48 =	vld [tilespmem:s23+$0x170];
	[tilespmem:v40+s16+$0x0] =	vst.idx.msk $0xffff, v34  }
0x1ea: {  	v43 =	vld [tilespmem:s25+$0x20];
	v20 =	vshll.u32 v20, v17  }
0x1eb: {  	v35 =	vadd.s32 v46, v22;
	v22 =	vmovc v21;
	v44 =	vld [tilespmem:s24+$0xFFFFFEC0];
	v50 =	vbroadcast v20, $0x0;
	v41 =	vadd.s32 v62, v39  }
0x1ec: {  	s20 =	sadd.s32 $0xFFFFFFFF, s29;
	v27 =	vadd.s32 v54, v27;
	[tilespmem:$0x1FC80] =	vst v22;
	v22 =	vadd.s32 v7, v24;
	v20 =	vadd.s32 v55, v24;
	v55 =	vld [tilespmem:$0x1FFB0]  }
0x1ed: {  	v58 =	vmov s20;
	v47 =	vadd.s32 v61, v39;
	[tilespmem:v0+s16+$0x0] =	vst.idx.msk $0xffff, v38;
	v38 =	vadd.s32 v61, v50;
	v61 =	vmovc v18;
	v18 =	vld [tilespmem:$0x1FE30]  }
0x1ee: {  	v15 =	vadd.s32 v53, v24;
	v24 =	vadd.s32 v62, v50;
	v0 =	vshrl.u32 v58, $0x3;
	v62 =	vld [tilespmem:s23+$0xFFFFFF60];
	[tilespmem:v36+s16+$0x0] =	vst.idx.msk $0xffff, v49  }
0x1ef: {  	v0 =	vshll.u32 v0, v17;
	v42 =	vld [tilespmem:s25+$0xFFFFFE20]  }
0x1f0: {  	v45 =	vadd.s32 v46, v30;
	[tilespmem:v41+s16+$0x0] =	vst.idx.msk $0xffff, v37;
	v37 =	vbroadcast v0, $0x0;
	v0 =	vld [tilespmem:$0x1FFE0]  }
0x1f1: {  	[tilespmem:v11+s16+$0x0] =	vst.idx.msk $0xffff, v44;
	v53 =	vld [tilespmem:s24+$0xD0]  }
0x1f2: {  	s5 =	sadd.s32 $0xFFFFFFF5, s31;
	[tilespmem:v27+s16+$0x0] =	vst.idx.msk $0xffff, v48;
	v48 =	vld [tilespmem:s24+$0xFFFFFED0]  }
0x1f3: {  	v21 =	vmov s5;
	[tilespmem:$0x1FBF0] =	vst v3;
	v33 =	vld [tilespmem:s23+$0x180]  }
0x1f4: {  	v21 =	vshrl.u32 v21, $0x3;
	[tilespmem:v60+s16+$0x0] =	vst.idx.msk $0xffff, v62;
	v60 =	vmov v59;
	v59 =	vld [tilespmem:$0x1FFC0]  }
0x1f5: {  	v3 =	vmov v1;
	v1 =	vmov v19;
	v19 =	vshll.u32 v21, v17;
	[tilespmem:v45+s16+$0x0] =	vst.idx.msk $0xffff, v43;
	v62 =	vld [tilespmem:$0x1FFD0]  }
0x1f6: {  	s13 =	sadd.s32 $0xFFFFFFF6, s31;
	v19 =	vbroadcast v19, $0x0;
	v36 =	vadd.s32 v57, v37;
	v45 =	vld [tilespmem:s25+$0x30]  }
0x1f7: {  	s0 =	sadd.s32 $0xFFFFFFF7, s31;
	v40 =	vadd.s32 v55, v50;
	v41 =	vadd.s32 v0, v50;
	v50 =	vmov s13;
	[tilespmem:v47+s16+$0x0] =	vst.idx.msk $0xffff, v53;
	v53 =	vld [tilespmem:$0x1FEB0]  }
0x1f8: {  	v27 =	vmov s0;
	v21 =	vshrl.u32 v50, $0x3  }
0x1f9: {  	s8 =	sadd.s32 $0xFFFFFFFA, s31;
	v32 =	vadd.s32 v2, v19;
	v44 =	vshrl.u32 v27, $0x3;
	v21 =	vshll.u32 v21, v17  }
0x1fa: {  	v43 =	vld [tilespmem:s23+$0xFFFFFF70];
	[tilespmem:v35+s16+$0x0] =	vst.idx.msk $0xffff, v42;
	v50 =	vadd.s32 v18, v30;
	v18 =	vmov s8;
	v21 =	vbroadcast v21, $0x0  }
0x1fb: {  	v34 =	vadd.s32 v59, v19;
	v27 =	vadd.s32 v62, v19;
	v46 =	vld [tilespmem:s24+$0xE0];
	[tilespmem:v36+s16+$0x0] =	vst.idx.msk $0xffff, v33;
	v18 =	vshrl.u32 v18, $0x3  }
0x1fc: {  	v36 =	vld [tilespmem:s25+$0xFFFFFE30];
	v30 =	vadd.s32 v53, v19;
	v19 =	vadd.s32 v56, v21;
	v56 =	vshll.u32 v18, v17  }
0x1fd: {  	[tilespmem:v9+s16+$0x0] =	vst.idx.msk $0xffff, v48;
	v9 =	vmov v38;
	v38 =	vbroadcast v56, $0x0;
	v56 =	vld [tilespmem:$0x1FC10]  }
0x1fe: {  	v47 =	vadd.s32 v55, v39;
	v55 =	vld [tilespmem:$0x1FEF0]  }
0x1ff: {  	[tilespmem:$0x1FC00] =	vst v1;
	v1 =	vld [tilespmem:$0x1FCD0]  }
0x200: {  	v58 =	vld [tilespmem:$0x1FF20]  }
0x201: {  	s1 =	sadd.s32 $0xFFFFFFF8, s31;
	v39 =	vadd.s32 v0, v39;
	v0 =	vld [tilespmem:$0x1FEA0]  }
0x202: {  	v11 =	vmov v24;
	v24 =	vmov s1;
	v33 =	vld [tilespmem:s23+$0x190]  }
0x203: {  	v49 =	vshrl.u32 v24, $0x3;
	v42 =	vld [tilespmem:s24+$0xFFFFFEE0];
	v24 =	vadd.s32 v55, v21;
	[tilespmem:v50+s16+$0x0] =	vst.idx.msk $0xffff, v45  }
0x204: {  	v18 =	vadd.s32 v51, v21;
	v21 =	vadd.s32 v54, v21;
	v48 =	vld [tilespmem:s25+$0x40];
	[tilespmem:v47+s16+$0x0] =	vst.idx.msk $0xffff, v46  }
0x205: {  	v35 =	vadd.s32 v58, v37;
	[tilespmem:v56+s16+$0x0] =	vst.idx.msk $0xffff, v43;
	v56 =	vmov v6;
	v6 =	vmov v21;
	v21 =	vld [tilespmem:s24+$0xF0]  }
0x206: {  	s9 =	sadd.s32 $0xFFFFFFFD, s28;
	v43 =	vshll.u32 v44, v17;
	v44 =	vshll.u32 v49, v17;
	v49 =	vadd.s32 v52, v38;
	v52 =	vld [tilespmem:$0x1FE50]  }
0x207: {  	v54 =	vld [tilespmem:s23+$0xFFFFFF80];
	[tilespmem:v23+s16+$0x0] =	vst.idx.msk $0xffff, v36;
	v23 =	vmov s9  }
0x208: {  	v43 =	vbroadcast v43, $0x0;
	v47 =	vld [tilespmem:s25+$0xFFFFFE40];
	[tilespmem:v12+s16+$0x0] =	vst.idx.msk $0xffff, v42;
	v12 =	vshrl.u32 v23, $0x3  }
0x209: {  	v23 =	vshll.u32 v12, v17;
	v12 =	vld [tilespmem:$0x1FC20]  }
0x20a: {  	[tilespmem:v35+s16+$0x0] =	vst.idx.msk $0xffff, v33;
	v35 =	vadd.s32 v57, v43;
	v57 =	vld [tilespmem:$0x1FF30]  }
0x20b: {  	v36 =	vld [tilespmem:s23+$0x1A0]  }
0x20c: {  	[tilespmem:$0x1FC10] =	vst v56;
	v56 =	vld [tilespmem:$0x1FF40]  }
0x20d: {  	v50 =	vadd.s32 v58, v43;
	v58 =	vld [tilespmem:$0x1FF60];
	[tilespmem:v49+s16+$0x0] =	vst.idx.msk $0xffff, v48  }
0x20e: {  	v49 =	vld [tilespmem:s25+$0x50]  }
0x20f: {  	v42 =	vadd.s32 v0, v43;
	v51 =	vadd.s32 v57, v43;
	v43 =	vld [tilespmem:s24+$0xFFFFFEF0]  }
0x210: {  	v46 =	vadd.s32 v57, v37;
	v57 =	vld [tilespmem:$0x1FF50]  }
0x211: {  	[tilespmem:v12+s16+$0x0] =	vst.idx.msk $0xffff, v54;
	v54 =	vld [tilespmem:$0x1FED0]  }
0x212: {  	[tilespmem:v39+s16+$0x0] =	vst.idx.msk $0xffff, v21;
	v48 =	vld [tilespmem:s23+$0xFFFFFF90]  }
0x213: {  	v21 =	vmov v1;
	[tilespmem:v31+s16+$0x0] =	vst.idx.msk $0xffff, v47;
	v47 =	vld [tilespmem:$0x1FC30]  }
0x214: {  	v44 =	vbroadcast v44, $0x0;
	v52 =	vadd.s32 v52, v38;
	v1 =	vmov v35;
	[tilespmem:$0x1FC20] =	vst v21  }
0x215: {  	v45 =	vbroadcast v23, $0x0;
	v39 =	vld [tilespmem:s24+$0x100];
	[tilespmem:$0x1FCD0] =	vst v1  }
0x216: {  	v1 =	vld [tilespmem:$0x1FCE0];
	v23 =	vadd.s32 v58, v44;
	v12 =	vmovc v40;
	v40 =	vadd.s32 v56, v44;
	v33 =	vadd.s32 v57, v44  }
0x217: {  	[tilespmem:v46+s16+$0x0] =	vst.idx.msk $0xffff, v36;
	v36 =	vld [tilespmem:s25+$0xFFFFFE50];
	v21 =	vadd.s32 v54, v44;
	v44 =	vadd.s32 v59, v45  }
0x218: {  	[tilespmem:v8+s16+$0x0] =	vst.idx.msk $0xffff, v43;
	v31 =	vld [tilespmem:s23+$0x1B0]  }
0x219: {  	v35 =	vadd.s32 v0, v37;
	v46 =	vmov s29;
	v8 =	vmov v41;
	v41 =	vld [tilespmem:s24+$0xFFFFFF00];
	[tilespmem:v52+s16+$0x0] =	vst.idx.msk $0xffff, v49  }
0x21a: {  	v37 =	vshrl.u32 v46, $0x3;
	v46 =	vld [tilespmem:s25+$0x60]  }
0x21b: {  	[tilespmem:v47+s16+$0x0] =	vst.idx.msk $0xffff, v48;
	v48 =	vmov v1;
	v1 =	vmov v50;
	v50 =	vld [tilespmem:$0x1FE60]  }
0x21c: {  	v59 =	vld [tilespmem:s23+$0xFFFFFFA0];
	[tilespmem:v44+s16+$0x0] =	vst.idx.msk $0xffff, v39  }
0x21d: {  	[tilespmem:v29+s16+$0x0] =	vst.idx.msk $0xffff, v36;
	v39 =	vld [tilespmem:s24+$0x110]  }
0x21e: {  	[tilespmem:v35+s16+$0x0] =	vst.idx.msk $0xffff, v31;
	v35 =	vld [tilespmem:s25+$0xFFFFFE60]  }
0x21f: {  	v37 =	vshll.u32 v37, v17  }
0x220: {  	v37 =	vbroadcast v37, $0x0;
	[tilespmem:v16+s16+$0x0] =	vst.idx.msk $0xffff, v41  }
0x221: {  	s13 =	sadd.s32 $0xFFFFFFFB, s31;
	v16 =	vmov v34;
	v34 =	vld [tilespmem:s24+$0xFFFFFF10];
	[tilespmem:v60+s16+$0x0] =	vst.idx.msk $0xffff, v59  }
0x222: {  	v31 =	vadd.s32 v56, v37;
	v56 =	vmov s13;
	v47 =	vadd.s32 v50, v38;
	v36 =	vld [tilespmem:s23+$0xFFFFFFB0]  }
0x223: {  	[tilespmem:v28+s16+$0x0] =	vst.idx.msk $0xffff, v35;
	v28 =	vshrl.u32 v56, $0x3;
	v56 =	vld [tilespmem:$0x1FC40];
	_ =	sdelay $0x1  }
0x224: {  	v29 =	vld [tilespmem:s23+$0x1C0]  }
0x225: {  	v35 =	vld [tilespmem:s25+$0xFFFFFE70]  }
0x226: {  	[tilespmem:v47+s16+$0x0] =	vst.idx.msk $0xffff, v46;
	v47 =	vld [tilespmem:$0x1FE70]  }
0x227: {  	v44 =	vadd.s32 v2, v45;
	[tilespmem:v14+s16+$0x0] =	vst.idx.msk $0xffff, v34  }
0x228: {  	v14 =	vmov v32;
	v32 =	vld [tilespmem:s24+$0xFFFFFF20]  }
0x229: {  	v49 =	vld [tilespmem:$0x1FE80]  }
0x22a: {  	v41 =	vld [tilespmem:s25+$0x70];
	[tilespmem:v56+s16+$0x0] =	vst.idx.msk $0xffff, v36  }
0x22b: {  	v38 =	vadd.s32 v47, v38;
	v34 =	vld [tilespmem:s23+$0xFFFFFFC0];
	[tilespmem:v26+s16+$0x0] =	vst.idx.msk $0xffff, v35  }
0x22c: {  	[tilespmem:v44+s16+$0x0] =	vst.idx.msk $0xffff, v39;
	v56 =	vld [tilespmem:s25+$0xFFFFFE80]  }
0x22d: {  	[tilespmem:v13+s16+$0x0] =	vst.idx.msk $0xffff, v32;
	v13 =	vmov v27;
	v27 =	vld [tilespmem:$0x1FC50]  }
0x22e: {  	v28 =	vshll.u32 v28, v17;
	v44 =	vadd.s32 v62, v45;
	v43 =	vld [tilespmem:s24+$0x120];
	[tilespmem:v31+s16+$0x0] =	vst.idx.msk $0xffff, v29  }
0x22f: {  	v28 =	vbroadcast v28, $0x0;
	v31 =	vadd.s32 v57, v37;
	v29 =	vld [tilespmem:s23+$0x1D0]  }
0x230: {  	[tilespmem:v38+s16+$0x0] =	vst.idx.msk $0xffff, v41  }
0x231: {  	v62 =	vadd.s32 v49, v28;
	v36 =	vld [tilespmem:s25+$0x80]  }
0x232: {  	v0 =	vld [tilespmem:$0x1FBB0]  }
0x233: {  	v41 =	vadd.s32 v53, v45;
	v53 =	vadd.s32 v58, v37;
	v58 =	vld [tilespmem:s24+$0xFFFFFF30];
	[tilespmem:v44+s16+$0x0] =	vst.idx.msk $0xffff, v43  }
0x234: {  	v39 =	vld [tilespmem:s24+$0x130];
	[tilespmem:v31+s16+$0x0] =	vst.idx.msk $0xffff, v29  }
0x235: {  	v52 =	vld [tilespmem:$0x1FE50];
	[tilespmem:v27+s16+$0x0] =	vst.idx.msk $0xffff, v34  }
0x236: {  	v31 =	vld [tilespmem:s23+$0x1E0];
	[tilespmem:v62+s16+$0x0] =	vst.idx.msk $0xffff, v36  }
0x237: {  	v62 =	vld [tilespmem:s23+$0xFFFFFFD0];
	[tilespmem:v25+s16+$0x0] =	vst.idx.msk $0xffff, v56  }
0x238: {  	v34 =	vld [tilespmem:s25+$0xFFFFFE90]  }
0x239: {  	[tilespmem:v10+s16+$0x0] =	vst.idx.msk $0xffff, v58;
	v10 =	vmov v30;
	v30 =	vld [tilespmem:$0x1FC60]  }
0x23a: {  	[tilespmem:$0x1FC30] =	vst v48;
	v48 =	vld [tilespmem:$0x1FE30]  }
0x23b: {  	s29 =	smov.u32 s28;
	v2 =	vmov v40;
	v40 =	vld [tilespmem:$0x1FDE0]  }
0x23c: {  	s30 =	sadd.s32 $0x2, s30;
	s20 =	sadd.s32 $0xFFFFFFFE, s29;
	[tilespmem:$0x1FCE0] =	vst v1;
	v60 =	vmovc v61;
	v61 =	vmov v63;
	v63 =	vmov v51;
	v51 =	vld [tilespmem:$0x1FE40];
	v57 =	vmov v5  }
0x23d: {  	p1 =	slt.u32 s30, $0xE;
	v46 =	vld [tilespmem:$0x1FE20];
	[tilespmem:$0x1FC40] =	vst v57;
	v26 =	vmov s20;
	v27 =	vmov v4  }
.Ltmp3:
0x23e: {  	v26 =	vshrl.u32 v26, $0x3;
	v45 =	vld [tilespmem:$0x1FE10];
	[tilespmem:$0x1FC50] =	vst v27;
	(pc) =	sbr.rel @p1 .LBB2_5-.Ltmp3, $4  }
0x23f: {  	v26 =	vshll.u32 v26, v17;
	v35 =	vld [tilespmem:s25+$0x90];
	[tilespmem:v41+s16+$0x0] =	vst.idx.msk $0xffff, v39  }
0x240: {  	v27 =	vbroadcast v26, $0x0;
	v29 =	vld [tilespmem:s24+$0x140];
	[tilespmem:v53+s16+$0x0] =	vst.idx.msk $0xffff, v31  }
0x241: {  	v1 =	vmovc v33;
	v59 =	vmov v0;
	v57 =	vmov v42;
	v31 =	vld [tilespmem:s24+$0xFFFFFF40];
	[tilespmem:v30+s16+$0x0] =	vst.idx.msk $0xffff, v62;
	v30 =	vmov v3  }
0x242: {  	s26 =	smov.u32 s25;
	s28 =	smov.u32 s31;
	s31 =	sadd.s32 $0x10, s31;
	v36 =	vadd.s32 v7, v28;
	v26 =	vadd.s32 v54, v37;
	v32 =	vadd.s32 v55, v27;
	v25 =	vld [tilespmem:s23+$0x1F0];
	[tilespmem:$0x1FC60] =	vst v30  }
0x243: {  	_ =	sdelay $0x3  }
0x244: {  	[tilespmem:v36+s16+$0x0] =	vst.idx.msk $0xffff, v35  }
0x245: {  	v58 =	vld [tilespmem:$0x1FFA0];
	_ =	sdelay $0x4  }
0x246: {  	v30 =	vld [tilespmem:s25+$0xA0];
	v33 =	vadd.s32 v58, v28;
	_ =	sdelay $0x3  }
0x247: {  	[tilespmem:v22+s16+$0x0] =	vst.idx.msk $0xffff, v34  }
0x248: {  	[tilespmem:v33+s16+$0x0] =	vst.idx.msk $0xffff, v30  }
0x249: {  	v33 =	vld [tilespmem:$0x1FF70];
	_ =	sdelay $0x3  }
0x24a: {  	v22 =	vld [tilespmem:s25+$0xFFFFFEA0]  }
0x24b: {  	v30 =	vld [tilespmem:s26+$0xB0];
	v28 =	vadd.s32 v33, v28;
	_ =	sdelay $0x3  }
0x24c: {  	[tilespmem:v20+s16+$0x0] =	vst.idx.msk $0xffff, v22  }
0x24d: {  	s0 =	sadd.s32 $0xFFFFFFFC, s28;
	[tilespmem:v28+s16+$0x0] =	vst.idx.msk $0xffff, v30  }
0x24e: {  	v20 =	vmov s0;
	v34 =	vld [tilespmem:$0x1FF80]  }
0x24f: {  	v20 =	vshrl.u32 v20, $0x3  }
0x250: {  	v20 =	vshll.u32 v20, v17  }
0x251: {  	v20 =	vbroadcast v20, $0x0  }
0x252: {  	v22 =	vld [tilespmem:s26+$0xFFFFFEB0]  }
0x253: {  	v28 =	vld [tilespmem:s26+$0xC0];
	v30 =	vadd.s32 v34, v20;
	_ =	sdelay $0x3  }
0x254: {  	[tilespmem:v15+s16+$0x0] =	vst.idx.msk $0xffff, v22  }
0x255: {  	[tilespmem:v30+s16+$0x0] =	vst.idx.msk $0xffff, v28  }
0x256: {  	v44 =	vld [tilespmem:$0x1FF90];
	_ =	sdelay $0x3  }
0x257: {  	v15 =	vld [tilespmem:s26+$0xFFFFFEC0]  }
0x258: {  	v22 =	vld [tilespmem:s26+$0xD0];
	v28 =	vadd.s32 v44, v20;
	_ =	sdelay $0x3  }
0x259: {  	[tilespmem:v11+s16+$0x0] =	vst.idx.msk $0xffff, v15  }
0x25a: {  	[tilespmem:v28+s16+$0x0] =	vst.idx.msk $0xffff, v22  }
0x25b: {  	v56 =	vld [tilespmem:$0x1FFB0];
	_ =	sdelay $0x3  }
0x25c: {  	v11 =	vld [tilespmem:s26+$0xFFFFFED0]  }
0x25d: {  	v15 =	vld [tilespmem:s26+$0xE0];
	v22 =	vadd.s32 v56, v20;
	_ =	sdelay $0x3  }
0x25e: {  	[tilespmem:v9+s16+$0x0] =	vst.idx.msk $0xffff, v11  }
0x25f: {  	[tilespmem:v22+s16+$0x0] =	vst.idx.msk $0xffff, v15  }
0x260: {  	v53 =	vld [tilespmem:$0x1FFE0];
	_ =	sdelay $0x3  }
0x261: {  	v9 =	vld [tilespmem:s26+$0xFFFFFEE0]  }
0x262: {  	v43 =	vld [tilespmem:s26+$0xF0];
	v15 =	vadd.s32 v53, v20;
	_ =	sdelay $0x3  }
0x263: {  	[tilespmem:v12+s16+$0x0] =	vst.idx.msk $0xffff, v9  }
0x264: {  	s20 =	sadd.s32 $0xFFFFFFFD, s28;
	[tilespmem:v15+s16+$0x0] =	vst.idx.msk $0xffff, v43  }
0x265: {  	v62 =	vmov s20;
	v35 =	vld [tilespmem:$0x1FFC0]  }
0x266: {  	v9 =	vshrl.u32 v62, $0x3  }
0x267: {  	v9 =	vshll.u32 v9, v17  }
0x268: {  	v9 =	vbroadcast v9, $0x0  }
0x269: {  	v12 =	vld [tilespmem:s26+$0xFFFFFEF0]  }
0x26a: {  	v11 =	vld [tilespmem:s26+$0x100];
	v15 =	vadd.s32 v35, v9;
	_ =	sdelay $0x3  }
0x26b: {  	[tilespmem:v8+s16+$0x0] =	vst.idx.msk $0xffff, v12  }
0x26c: {  	[tilespmem:v15+s16+$0x0] =	vst.idx.msk $0xffff, v11  }
0x26d: {  	v39 =	vld [tilespmem:$0x1FFF0];
	_ =	sdelay $0x3  }
0x26e: {  	v8 =	vld [tilespmem:s26+$0xFFFFFF00]  }
0x26f: {  	v11 =	vld [tilespmem:s26+$0x110];
	v12 =	vadd.s32 v39, v9;
	_ =	sdelay $0x3  }
0x270: {  	[tilespmem:v16+s16+$0x0] =	vst.idx.msk $0xffff, v8  }
0x271: {  	[tilespmem:v12+s16+$0x0] =	vst.idx.msk $0xffff, v11  }
0x272: {  	v38 =	vld [tilespmem:$0x1FFD0];
	_ =	sdelay $0x3  }
0x273: {  	v8 =	vld [tilespmem:s26+$0xFFFFFF10]  }
0x274: {  	v11 =	vld [tilespmem:s26+$0x120];
	v12 =	vadd.s32 v38, v9;
	_ =	sdelay $0x3  }
0x275: {  	[tilespmem:v14+s16+$0x0] =	vst.idx.msk $0xffff, v8  }
0x276: {  	[tilespmem:v12+s16+$0x0] =	vst.idx.msk $0xffff, v11  }
0x277: {  	v22 =	vld [tilespmem:$0x1FEB0]  }
0x278: {  	v8 =	vld [tilespmem:s26+$0xFFFFFF20];
	_ =	sdelay $0x3  }
0x279: {  	v11 =	vld [tilespmem:s26+$0x130];
	v9 =	vadd.s32 v22, v9  }
0x27a: {  	[tilespmem:v13+s16+$0x0] =	vst.idx.msk $0xffff, v8  }
0x27b: {  	v12 =	vld [tilespmem:s26+$0xFFFFFF30];
	_ =	sdelay $0x2  }
0x27c: {  	s25 =	sadd.s32 $0xFFFFFFFE, s28;
	[tilespmem:v9+s16+$0x0] =	vst.idx.msk $0xffff, v11  }
0x27d: {  	v0 =	vmov s25;
	v28 =	vld [tilespmem:$0x1FEF0]  }
0x27e: {  	v8 =	vshrl.u32 v0, $0x3;
	[tilespmem:v10+s16+$0x0] =	vst.idx.msk $0xffff, v12  }
0x27f: {  	v8 =	vshll.u32 v8, v17;
	[tilespmem:v32+s16+$0x0] =	vst.idx.msk $0xffff, v29  }
0x280: {  	v8 =	vbroadcast v8, $0x0;
	v29 =	vld [tilespmem:$0x1FF00];
	_ =	sdelay $0x1  }
0x281: {  	v9 =	vld [tilespmem:s26+$0x140];
	v3 =	vadd.s32 v28, v8;
	_ =	sdelay $0x1  }
0x282: {  	v10 =	vld [tilespmem:s26+$0xFFFFFF40]  }
0x283: {  	v12 =	vld [tilespmem:s24+$0x150];
	v13 =	vadd.s32 v29, v27;
	_ =	sdelay $0x1  }
0x284: {  	[tilespmem:v3+s16+$0x0] =	vst.idx.msk $0xffff, v9  }
0x285: {  	[tilespmem:v61+s16+$0x0] =	vst.idx.msk $0xffff, v31;
	v4 =	vadd.s32 v29, v8;
	v9 =	vld [tilespmem:s26+$0x150]  }
0x286: {  	[tilespmem:v24+s16+$0x0] =	vst.idx.msk $0xffff, v10  }
0x287: {  	[tilespmem:v13+s16+$0x0] =	vst.idx.msk $0xffff, v12  }
0x288: {  	v43 =	vld [tilespmem:$0x1FEC0];
	_ =	sdelay $0x1  }
0x289: {  	[tilespmem:v4+s16+$0x0] =	vst.idx.msk $0xffff, v9  }
0x28a: {  	v0 =	vld [tilespmem:$0x1FC00]  }
0x28b: {  	v14 =	vld [tilespmem:s26+$0xFFFFFF50]  }
0x28c: {  	v12 =	vld [tilespmem:s24+$0x160];
	v13 =	vadd.s32 v43, v27  }
0x28d: {  	v5 =	vld [tilespmem:s24+$0xFFFFFF50];
	_ =	sdelay $0x2  }
0x28e: {  	[tilespmem:v19+s16+$0x0] =	vst.idx.msk $0xffff, v14  }
0x28f: {  	[tilespmem:v13+s16+$0x0] =	vst.idx.msk $0xffff, v12  }
0x290: {  	v7 =	vld [tilespmem:s26+$0x160];
	[tilespmem:v0+s16+$0x0] =	vst.idx.msk $0xffff, v5  }
0x291: {  	v32 =	vadd.s32 v43, v8;
	v55 =	vld [tilespmem:$0x1FEE0];
	_ =	sdelay $0x2  }
0x292: {  	v36 =	vld [tilespmem:s26+$0xFFFFFF60]  }
0x293: {  	v10 =	vld [tilespmem:s24+$0xFFFFFF60]  }
0x294: {  	v12 =	vld [tilespmem:s24+$0x170];
	[tilespmem:v32+s16+$0x0] =	vst.idx.msk $0xffff, v7;
	v13 =	vadd.s32 v55, v27  }
0x295: {  	v9 =	vld [tilespmem:s26+$0x170];
	v8 =	vadd.s32 v55, v8;
	_ =	sdelay $0x1  }
0x296: {  	[tilespmem:v18+s16+$0x0] =	vst.idx.msk $0xffff, v36  }
0x297: {  	s30 =	sadd.s32 $0xFFFFFFFF, s29;
	[tilespmem:v60+s16+$0x0] =	vst.idx.msk $0xffff, v10  }
0x298: {  	v37 =	vmov s30;
	[tilespmem:v13+s16+$0x0] =	vst.idx.msk $0xffff, v12  }
0x299: {  	s31 =	sadd.s32 $0xFFFFFFFF, s28;
	v0 =	vshrl.u32 v37, $0x3;
	v37 =	vld [tilespmem:$0x1FF10];
	[tilespmem:v8+s16+$0x0] =	vst.idx.msk $0xffff, v9  }
0x29a: {  	v41 =	vmov s31;
	v8 =	vld [tilespmem:$0x1FC10]  }
0x29b: {  	v11 =	vshrl.u32 v41, $0x3;
	v0 =	vshll.u32 v0, v17  }
0x29c: {  	v11 =	vshll.u32 v11, v17;
	v0 =	vbroadcast v0, $0x0;
	v14 =	vld [tilespmem:s26+$0xFFFFFF70]  }
0x29d: {  	v11 =	vbroadcast v11, $0x0;
	v10 =	vld [tilespmem:s24+$0xFFFFFF70]  }
0x29e: {  	v12 =	vld [tilespmem:s24+$0x180];
	v13 =	vadd.s32 v37, v0  }
0x29f: {  	v42 =	vld [tilespmem:s26+$0x180];
	v54 =	vadd.s32 v37, v11;
	_ =	sdelay $0x1  }
0x2a0: {  	[tilespmem:v6+s16+$0x0] =	vst.idx.msk $0xffff, v14  }
0x2a1: {  	[tilespmem:v8+s16+$0x0] =	vst.idx.msk $0xffff, v10  }
0x2a2: {  	[tilespmem:v13+s16+$0x0] =	vst.idx.msk $0xffff, v12  }
0x2a3: {  	v31 =	vld [tilespmem:$0x1FF20];
	[tilespmem:v54+s16+$0x0] =	vst.idx.msk $0xffff, v42  }
0x2a4: {  	v8 =	vld [tilespmem:$0x1FC20];
	_ =	sdelay $0x2  }
0x2a5: {  	v7 =	vld [tilespmem:s24+$0xFFFFFF80];
	_ =	sdelay $0x4  }
0x2a6: {  	[tilespmem:v8+s16+$0x0] =	vst.idx.msk $0xffff, v7  }
0x2a7: {  	v3 =	vld [tilespmem:$0x1FCD0];
	_ =	sdelay $0x1  }
0x2a8: {  	v12 =	vld [tilespmem:s24+$0x190];
	v13 =	vadd.s32 v31, v0  }
0x2a9: {  	v60 =	vld [tilespmem:s26+$0xFFFFFF80]  }
0x2aa: {  	v61 =	vld [tilespmem:s26+$0x190];
	v62 =	vadd.s32 v31, v11;
	_ =	sdelay $0x2  }
0x2ab: {  	[tilespmem:v13+s16+$0x0] =	vst.idx.msk $0xffff, v12  }
0x2ac: {  	[tilespmem:v3+s16+$0x0] =	vst.idx.msk $0xffff, v60  }
0x2ad: {  	v32 =	vld [tilespmem:$0x1FF30];
	[tilespmem:v62+s16+$0x0] =	vst.idx.msk $0xffff, v61  }
0x2ae: {  	v7 =	vld [tilespmem:$0x1FC30];
	_ =	sdelay $0x2  }
0x2af: {  	v36 =	vld [tilespmem:s24+$0xFFFFFF90];
	_ =	sdelay $0x4  }
0x2b0: {  	[tilespmem:v7+s16+$0x0] =	vst.idx.msk $0xffff, v36  }
0x2b1: {  	v3 =	vld [tilespmem:$0x1FCE0];
	_ =	sdelay $0x1  }
0x2b2: {  	v42 =	vld [tilespmem:s24+$0x1A0];
	v12 =	vadd.s32 v32, v0  }
0x2b3: {  	v41 =	vld [tilespmem:s26+$0xFFFFFF90];
	_ =	sdelay $0x3  }
0x2b4: {  	[tilespmem:v12+s16+$0x0] =	vst.idx.msk $0xffff, v42  }
0x2b5: {  	v54 =	vld [tilespmem:s26+$0x1A0];
	[tilespmem:v3+s16+$0x0] =	vst.idx.msk $0xffff, v41  }
0x2b6: {  	v60 =	vadd.s32 v32, v11;
	v3 =	vld [tilespmem:$0x1FEA0];
	_ =	sdelay $0x2  }
0x2b7: {  	v5 =	vld [tilespmem:s24+$0xFFFFFFA0]  }
0x2b8: {  	v61 =	vld [tilespmem:s26+$0xFFFFFFA0]  }
0x2b9: {  	v62 =	vld [tilespmem:s24+$0x1B0];
	[tilespmem:v60+s16+$0x0] =	vst.idx.msk $0xffff, v54;
	v0 =	vadd.s32 v3, v0  }
0x2ba: {  	v36 =	vld [tilespmem:s26+$0x1B0];
	v42 =	vadd.s32 v3, v11;
	_ =	sdelay $0x1  }
0x2bb: {  	[tilespmem:v59+s16+$0x0] =	vst.idx.msk $0xffff, v5  }
0x2bc: {  	[tilespmem:v63+s16+$0x0] =	vst.idx.msk $0xffff, v61  }
0x2bd: {  	[tilespmem:v0+s16+$0x0] =	vst.idx.msk $0xffff, v62  }
0x2be: {  	v10 =	vmov s29;
	v59 =	vld [tilespmem:$0x1FF40];
	[tilespmem:v42+s16+$0x0] =	vst.idx.msk $0xffff, v36  }
0x2bf: {  	v4 =	vmov s28;
	v6 =	vshrl.u32 v10, $0x3;
	v5 =	vld [tilespmem:$0x1FC40]  }
0x2c0: {  	v4 =	vshrl.u32 v4, $0x3;
	v6 =	vshll.u32 v6, v17  }
0x2c1: {  	v6 =	vbroadcast v6, $0x0;
	v60 =	vshll.u32 v4, v17;
	v8 =	vld [tilespmem:s26+$0xFFFFFFB0]  }
0x2c2: {  	v54 =	vld [tilespmem:s24+$0xFFFFFFB0];
	v0 =	vbroadcast v60, $0x0  }
0x2c3: {  	v61 =	vld [tilespmem:s24+$0x1C0];
	v62 =	vadd.s32 v59, v6  }
0x2c4: {  	v63 =	vld [tilespmem:s26+$0x1C0];
	v36 =	vadd.s32 v59, v0;
	_ =	sdelay $0x1  }
0x2c5: {  	[tilespmem:v57+s16+$0x0] =	vst.idx.msk $0xffff, v8  }
0x2c6: {  	[tilespmem:v5+s16+$0x0] =	vst.idx.msk $0xffff, v54  }
0x2c7: {  	[tilespmem:v62+s16+$0x0] =	vst.idx.msk $0xffff, v61  }
0x2c8: {  	v30 =	vld [tilespmem:$0x1FF50];
	[tilespmem:v36+s16+$0x0] =	vst.idx.msk $0xffff, v63  }
0x2c9: {  	v5 =	vld [tilespmem:$0x1FC50];
	_ =	sdelay $0x1  }
0x2ca: {  	v8 =	vld [tilespmem:s26+$0xFFFFFFC0]  }
0x2cb: {  	v42 =	vld [tilespmem:s24+$0xFFFFFFC0]  }
0x2cc: {  	v4 =	vld [tilespmem:s24+$0x1D0];
	v54 =	vadd.s32 v30, v6  }
0x2cd: {  	v57 =	vld [tilespmem:s26+$0x1D0];
	v60 =	vadd.s32 v30, v0;
	_ =	sdelay $0x1  }
0x2ce: {  	[tilespmem:v2+s16+$0x0] =	vst.idx.msk $0xffff, v8  }
0x2cf: {  	[tilespmem:v5+s16+$0x0] =	vst.idx.msk $0xffff, v42  }
0x2d0: {  	[tilespmem:v54+s16+$0x0] =	vst.idx.msk $0xffff, v4  }
0x2d1: {  	v36 =	vld [tilespmem:$0x1FF60];
	[tilespmem:v60+s16+$0x0] =	vst.idx.msk $0xffff, v57  }
0x2d2: {  	v5 =	vld [tilespmem:$0x1FC60]  }
0x2d3: {  	v62 =	vld [tilespmem:s26+$0xFFFFFFD0];
	_ =	sdelay $0x1  }
0x2d4: {  	v61 =	vld [tilespmem:s24+$0xFFFFFFD0]  }
0x2d5: {  	v4 =	vld [tilespmem:s24+$0x1E0];
	v63 =	vadd.s32 v36, v6;
	_ =	sdelay $0x1  }
0x2d6: {  	[tilespmem:v1+s16+$0x0] =	vst.idx.msk $0xffff, v62  }
0x2d7: {  	[tilespmem:v26+s16+$0x0] =	vst.idx.msk $0xffff, v25  }
0x2d8: {  	[tilespmem:v5+s16+$0x0] =	vst.idx.msk $0xffff, v61  }
0x2d9: {  	[tilespmem:v63+s16+$0x0] =	vst.idx.msk $0xffff, v4  }
0x2da: {  	v4 =	vld [tilespmem:$0x1FBE0];
	_ =	sdelay $0x2  }
0x2db: {  	v9 =	vld [tilespmem:s23+$0xFFFFFFE0]  }
0x2dc: {  	v10 =	vld [tilespmem:s26+$0x1E0];
	v11 =	vadd.s32 v36, v0;
	_ =	sdelay $0x3  }
0x2dd: {  	[tilespmem:v4+s16+$0x0] =	vst.idx.msk $0xffff, v9  }
0x2de: {  	v25 =	vld [tilespmem:$0x1FED0];
	[tilespmem:v11+s16+$0x0] =	vst.idx.msk $0xffff, v10  }
0x2df: {  	v5 =	vld [tilespmem:$0x1FC70];
	_ =	sdelay $0x1  }
0x2e0: {  	v7 =	vld [tilespmem:s26+$0xFFFFFFE0]  }
0x2e1: {  	v42 =	vld [tilespmem:s24+$0xFFFFFFE0];
	_ =	sdelay $0x3  }
0x2e2: {  	[tilespmem:v23+s16+$0x0] =	vst.idx.msk $0xffff, v7  }
0x2e3: {  	[tilespmem:v5+s16+$0x0] =	vst.idx.msk $0xffff, v42  }
0x2e4: {  	v62 =	vld [tilespmem:$0x1FBC0];
	_ =	sdelay $0x1  }
0x2e5: {  	v54 =	vld [tilespmem:s24+$0x1F0];
	v57 =	vadd.s32 v25, v6  }
0x2e6: {  	v7 =	vld [tilespmem:$0x1FBD0];
	_ =	sdelay $0x3  }
0x2e7: {  	[tilespmem:v57+s16+$0x0] =	vst.idx.msk $0xffff, v54  }
0x2e8: {  	[tilespmem:v62+s16+$0x0] =	vst.idx.msk $0xffff, v7  }
0x2e9: {  	v41 =	vmov v3;
	v3 =	vld [tilespmem:$0x1FBF0];
	_ =	sdelay $0x1  }
0x2ea: {  	v61 =	vld [tilespmem:s26+$0x1F0];
	v0 =	vadd.s32 v25, v0  }
0x2eb: {  	v60 =	vld [tilespmem:s23+$0xFFFFFFF0];
	_ =	sdelay $0x3  }
0x2ec: {  	[tilespmem:v0+s16+$0x0] =	vst.idx.msk $0xffff, v61  }
0x2ed: {  	[tilespmem:v3+s16+$0x0] =	vst.idx.msk $0xffff, v60  }
0x2ee: {  	v0 =	vld [tilespmem:$0x1FC80];
	_ =	sdelay $0x1  }
0x2ef: {  	v63 =	vld [tilespmem:s26+$0xFFFFFFF0]  }
0x2f0: {  	v5 =	vld [tilespmem:s24+$0xFFFFFFF0];
	_ =	sdelay $0x2  }
0x2f1: {  	s1 =	sshll.u32 s22, $0x10  }
0x2f2: {  	s23 =	sor.u32 s6, s1;
	[tilespmem:v21+s16+$0x0] =	vst.idx.msk $0xffff, v63  }
0x2f3: {  	s5 =	simm.s32 $0x10800;
	s1 =	sadd.s32 s2, s23;
	[tilespmem:v0+s16+$0x0] =	vst.idx.msk $0xffff, v5  }
0x2f4: {  	[hbm4b:s1+s3] =	stream.linear.scatter [tilespmem:s5], [sflag:$0x3], $0x80, $0x38;
	[tilespmem:$0x14C00] =	vst v63  }
0x2f5: {  	s8 =	simm.s32 $0x10888;
	s5 =	sadd.s32 $0x10, s1  }
0x2f6: {  	[hbm4b:s5+s3] =	stream.linear.scatter [tilespmem:s8], [sflag:$0x3], $0x80, $0x38;
	[tilespmem:$0x14C00] =	vst v63  }
0x2f7: {  	s9 =	simm.s32 $0x10910;
	s20 =	simm.s32 $0x10998;
	s13 =	sadd.s32 $0x20, s1  }
0x2f8: {  	[hbm4b:s13+s3] =	stream.linear.scatter [tilespmem:s9], [sflag:$0x3], $0x80, $0x38;
	[tilespmem:$0x14C00] =	vst v63  }
0x2f9: {  	s30 =	simm.s32 $0x10B30;
	s25 =	simm.s32 $0x10A20;
	s24 =	sadd.s32 $0x30, s1  }
0x2fa: {  	[hbm4b:s24+s3] =	stream.linear.scatter [tilespmem:s20], [sflag:$0x3], $0x80, $0x38;
	[tilespmem:$0x14C00] =	vst v63  }
0x2fb: {  	s0 =	simm.s32 $0x440;
	s28 =	simm.s32 $0x10AA8;
	s26 =	sadd.s32 $0x40, s1  }
0x2fc: {  	[hbm4b:s26+s3] =	stream.linear.scatter [tilespmem:s25], [sflag:$0x3], $0x80, $0x38;
	[tilespmem:$0x14C00] =	vst v63  }
0x2fd: {  	s29 =	sadd.s32 $0x50, s1;
	s31 =	sadd.s32 $0x60, s1;
	s5 =	simm.s32 $0x2200  }
0x2fe: {  	[hbm4b:s29+s3] =	stream.linear.scatter [tilespmem:s28], [sflag:$0x3], $0x80, $0x38;
	[tilespmem:$0x14C00] =	vst v63  }
0x2ff: {  	s8 =	simm.s32 $0x10BB8;
	s13 =	sadd.s32 $0x70, s1;
	s1 =	sadd.s32 $0x1000, s1  }
0x300: {  	v13 =	vmovc v34;
	v12 =	vmovc v35;
	v61 =	vmov v58;
	v58 =	vmov v38;
	v63 =	vmov v39;
	[hbm4b:s31+s3] =	stream.linear.scatter [tilespmem:s30], [sflag:$0x3], $0x80, $0x38;
	[tilespmem:$0x14C00] =	vst v63  }
.LBB2_7:
0x301: {  	[hbm4b:s13+s3] =	stream.linear.scatter [tilespmem:s8], [sflag:$0x3], $0x80, $0x38;
	[tilespmem:$0x14C00] =	vst v63  }
0x302: {  	s8 =	smov.u32 s0;
	s0 =	smov.u32 s5  }
0x303: {  	s9 =	sadd.s32 $0x1100, s5;
	s0 =	sshra.s32 s0, $0x2;
	s13 =	sadd.s32 $0x10800, s8  }
0x304: {  	[hbm4b:s1+s3] =	stream.linear.scatter [tilespmem:s13], [sflag:$0x3], $0x80, $0x38;
	[tilespmem:$0x14C00] =	vst v63  }
0x305: {  	p1 =	sne.s32 s5, $0x7700;
	s5 =	sadd.s32 $0x10888, s8;
	s13 =	sadd.s32 $0x10, s1  }
0x306: {  	[hbm4b:s13+s3] =	stream.linear.scatter [tilespmem:s5], [sflag:$0x3], $0x80, $0x38;
	[tilespmem:$0x14C00] =	vst v63  }
0x307: {  	s5 =	sadd.s32 $0x10910, s8;
	s13 =	sadd.s32 $0x20, s1  }
0x308: {  	[hbm4b:s13+s3] =	stream.linear.scatter [tilespmem:s5], [sflag:$0x3], $0x80, $0x38;
	[tilespmem:$0x14C00] =	vst v63  }
0x309: {  	s5 =	sadd.s32 $0x10998, s8;
	s13 =	sadd.s32 $0x30, s1  }
0x30a: {  	[hbm4b:s13+s3] =	stream.linear.scatter [tilespmem:s5], [sflag:$0x3], $0x80, $0x38;
	[tilespmem:$0x14C00] =	vst v63  }
0x30b: {  	s5 =	sadd.s32 $0x10A20, s8;
	s13 =	sadd.s32 $0x40, s1  }
0x30c: {  	[hbm4b:s13+s3] =	stream.linear.scatter [tilespmem:s5], [sflag:$0x3], $0x80, $0x38;
	[tilespmem:$0x14C00] =	vst v63  }
.Ltmp4:
0x30d: {  	s5 =	sadd.s32 $0x10AA8, s8;
	s13 =	sadd.s32 $0x50, s1;
	(pc) =	sbr.rel @p1 .LBB2_7-.Ltmp4, $4  }
0x30e: {  	[hbm4b:s13+s3] =	stream.linear.scatter [tilespmem:s5], [sflag:$0x3], $0x80, $0x38;
	[tilespmem:$0x14C00] =	vst v63  }
0x30f: {  	s5 =	sadd.s32 $0x10B30, s8;
	s13 =	sadd.s32 $0x60, s1;
	s8 =	sadd.s32 $0x10BB8, s8  }
0x310: {  	[hbm4b:s13+s3] =	stream.linear.scatter [tilespmem:s5], [sflag:$0x3], $0x80, $0x38;
	[tilespmem:$0x14C00] =	vst v63  }
0x311: {  	s13 =	sadd.s32 $0x70, s1;
	s1 =	sadd.s32 $0x1000, s1;
	s5 =	smov.u32 s9  }
0x312: {  	[hbm4b:s13+s3] =	stream.linear.scatter [tilespmem:s8], [sflag:$0x3], $0x80, $0x38;
	[tilespmem:$0x14C00] =	vst v63  }
0x313: {  	s5 =	sadd.s32 $0x10800, s0  }
0x314: {  	[hbm4b:s1+s3] =	stream.linear.scatter [tilespmem:s5], [sflag:$0x3], $0x80, $0x38;
	[tilespmem:$0x14C00] =	vst v63  }
0x315: {  	s28 =	sadd.s32 $0x10888, s0;
	s29 =	sadd.s32 $0x10, s1  }
0x316: {  	[hbm4b:s29+s3] =	stream.linear.scatter [tilespmem:s28], [sflag:$0x3], $0x80, $0x38;
	[tilespmem:$0x14C00] =	vst v63  }
0x317: {  	s30 =	sadd.s32 $0x10910, s0;
	s31 =	sadd.s32 $0x20, s1  }
0x318: {  	[hbm4b:s31+s3] =	stream.linear.scatter [tilespmem:s30], [sflag:$0x3], $0x80, $0x38;
	[tilespmem:$0x14C00] =	vst v63  }
0x319: {  	s9 =	sadd.s32 $0x10998, s0;
	s13 =	sadd.s32 $0x30, s1  }
0x31a: {  	[hbm4b:s13+s3] =	stream.linear.scatter [tilespmem:s9], [sflag:$0x3], $0x80, $0x38;
	[tilespmem:$0x14C00] =	vst v63  }
0x31b: {  	s20 =	sadd.s32 $0x10A20, s0;
	s24 =	sadd.s32 $0x40, s1  }
0x31c: {  	[hbm4b:s24+s3] =	stream.linear.scatter [tilespmem:s20], [sflag:$0x3], $0x80, $0x38;
	[tilespmem:$0x14C00] =	vst v63  }
0x31d: {  	s25 =	sadd.s32 $0x10AA8, s0;
	s26 =	sadd.s32 $0x50, s1;
	p1 =	sne.s32 s22, $0x63  }
0x31e: {  	[hbm4b:s26+s3] =	stream.linear.scatter [tilespmem:s25], [sflag:$0x3], $0x80, $0x38;
	[tilespmem:$0x14C00] =	vst v63  }
.Ltmp5:
0x31f: {  	_ = 	snop;
	(pc) =	sbr.rel @p1 .LBB2_10-.Ltmp5, $4  }
0x320: {  	s28 =	sadd.s32 $0x10B30, s0;
	s29 =	sadd.s32 $0x60, s1  }
0x321: {  	[hbm4b:s29+s3] =	stream.linear.scatter [tilespmem:s28], [sflag:$0x3], $0x80, $0x38;
	[tilespmem:$0x14C00] =	vst v63  }
0x322: {  	s30 =	sadd.s32 $0x10BB8, s0;
	s31 =	sadd.s32 $0x70, s1  }
0x323: {  	v6 =	vld [tilespmem:$0x1FE90];
	[hbm4b:s31+s3] =	stream.linear.scatter [tilespmem:s30], [sflag:$0x3], $0x80, $0x38  }
.Ltmp6:
0x324: {  	(pc) =	sbr.rel .LBB2_11-.Ltmp6, $4  }
0x325: {  	_ = 	snop  }
0x326: {  	_ =	swait.ge [sflag:s17], $0x2000  }
0x327: {  	[sflag:s17] =	ssyncset.done $0x0  }
0x328: {  	[sflag:s17] =	ssyncadd.s32 $0xFFFFE000  }
.LBB2_10:
0x329: {  	s0 =	sshll.u32 s22, $0x8  }
0x32a: {  	s0 =	sand.u32 $0x3FFFFF00, s0  }
.Ltmp7:
0x32b: {  	s0 =	sadd.s32 $0x6500, s0;
	(pc) =	sbr.rel @p0 .LBB2_12-.Ltmp7, $4  }
0x32c: {  	[tilespmem:s12], [sflag:$0x1] =	stream.indirect.gather [hbm4b:s4+s11], $0x40, s0, s11, $0xb8;
	[tilespmem:$0x14C00] =	vst v63  }
0x32d: {  	_ =	swait.ge [sflag:s17], $0x2000  }
0x32e: {  	[sflag:s17] =	ssyncset.done $0x0  }
0x32f: {  	[sflag:s17] =	ssyncadd.s32 $0xFFFFE000  }
.LBB2_11:
0x330: {  	_ =	swait.ge [sflag:s18], $0x2000  }
0x331: {  	[sflag:s18] =	ssyncset.done $0x0  }
0x332: {  	[sflag:s18] =	ssyncadd.s32 $0xFFFFE000  }
.LBB2_12:
0x333: {  	s0 =	simm.s32 $0x8  }
0x334: {  	v0 =	vmov s0  }
0x335: {  	v0 =	vshrl.u32 v0, $0x3  }
0x336: {  	v0 =	vshll.u32 v0, v17  }
0x337: {  	v0 =	vbroadcast v0, $0x0  }
0x338: {  	s28 =	simm.s32 $0xEA00  }
0x339: {  	v1 =	vld [tilespmem:s28+$0x0];
	v2 =	vadd.s32 v40, v0;
	_ =	sdelay $0x2  }
0x33a: {  	s25 =	simm.s32 $0x0  }
0x33b: {  	v3 =	vmov s25  }
0x33c: {  	v3 =	vshrl.u32 v3, $0x3;
	[tilespmem:v2+s19+$0x0] =	vst.idx.msk $0xffff, v1  }
0x33d: {  	v1 =	vshll.u32 v3, v17;
	v3 =	vadd.s32 v45, v0;
	v2 =	vld [tilespmem:s28+$0x10]  }
0x33e: {  	v1 =	vbroadcast v1, $0x0;
	_ =	sdelay $0x1  }
0x33f: {  	v5 =	vld [tilespmem:s28+$0xFFFFFE00];
	v4 =	vadd.s32 v40, v1;
	_ =	sdelay $0x1  }
0x340: {  	[tilespmem:v3+s19+$0x0] =	vst.idx.msk $0xffff, v2  }
0x341: {  	v3 =	vadd.s32 v46, v0;
	v2 =	vld [tilespmem:s28+$0x20];
	_ =	sdelay $0x1  }
0x342: {  	[tilespmem:v4+s19+$0x0] =	vst.idx.msk $0xffff, v5  }
0x343: {  	v4 =	vadd.s32 v45, v1;
	v5 =	vld [tilespmem:s28+$0xFFFFFE10];
	_ =	sdelay $0x1  }
0x344: {  	[tilespmem:v3+s19+$0x0] =	vst.idx.msk $0xffff, v2  }
0x345: {  	s26 =	simm.s32 $0x9;
	v0 =	vadd.s32 v48, v0;
	v2 =	vld [tilespmem:s28+$0x30]  }
0x346: {  	v3 =	vmov s26  }
0x347: {  	v3 =	vshrl.u32 v3, $0x3;
	[tilespmem:v4+s19+$0x0] =	vst.idx.msk $0xffff, v5  }
0x348: {  	v4 =	vadd.s32 v46, v1;
	v3 =	vshll.u32 v3, v17;
	v5 =	vld [tilespmem:s28+$0xFFFFFE20]  }
0x349: {  	v3 =	vbroadcast v3, $0x0  }
0x34a: {  	[tilespmem:v0+s19+$0x0] =	vst.idx.msk $0xffff, v2  }
0x34b: {  	v2 =	vadd.s32 v51, v3;
	v0 =	vld [tilespmem:s28+$0x40];
	_ =	sdelay $0x1  }
0x34c: {  	[tilespmem:v4+s19+$0x0] =	vst.idx.msk $0xffff, v5  }
0x34d: {  	s1 =	simm.s32 $0x1;
	v1 =	vadd.s32 v48, v1;
	v4 =	vld [tilespmem:s28+$0xFFFFFE30]  }
0x34e: {  	v5 =	vmov s1  }
0x34f: {  	v5 =	vshrl.u32 v5, $0x3;
	[tilespmem:v2+s19+$0x0] =	vst.idx.msk $0xffff, v0  }
0x350: {  	v0 =	vshll.u32 v5, v17;
	v5 =	vadd.s32 v52, v3;
	v2 =	vld [tilespmem:s28+$0x50]  }
0x351: {  	v0 =	vbroadcast v0, $0x0  }
0x352: {  	[tilespmem:v1+s19+$0x0] =	vst.idx.msk $0xffff, v4  }
0x353: {  	v1 =	vadd.s32 v51, v0;
	v4 =	vld [tilespmem:s28+$0xFFFFFE40];
	_ =	sdelay $0x1  }
0x354: {  	[tilespmem:v5+s19+$0x0] =	vst.idx.msk $0xffff, v2  }
0x355: {  	v5 =	vadd.s32 v50, v3;
	v2 =	vld [tilespmem:s28+$0x60];
	_ =	sdelay $0x1  }
0x356: {  	[tilespmem:v1+s19+$0x0] =	vst.idx.msk $0xffff, v4  }
0x357: {  	v1 =	vadd.s32 v52, v0;
	v4 =	vld [tilespmem:s28+$0xFFFFFE50];
	_ =	sdelay $0x1  }
0x358: {  	[tilespmem:v5+s19+$0x0] =	vst.idx.msk $0xffff, v2  }
0x359: {  	s5 =	simm.s32 $0xA;
	v3 =	vadd.s32 v47, v3;
	v2 =	vld [tilespmem:s28+$0x70]  }
0x35a: {  	v5 =	vmov s5  }
0x35b: {  	[tilespmem:v1+s19+$0x0] =	vst.idx.msk $0xffff, v4;
	v1 =	vshrl.u32 v5, $0x3  }
0x35c: {  	v4 =	vadd.s32 v50, v0;
	v5 =	vld [tilespmem:s28+$0xFFFFFE60];
	v1 =	vshll.u32 v1, v17  }
0x35d: {  	v1 =	vbroadcast v1, $0x0  }
0x35e: {  	[tilespmem:v3+s19+$0x0] =	vst.idx.msk $0xffff, v2  }
0x35f: {  	v3 =	vadd.s32 v49, v1;
	v2 =	vld [tilespmem:s28+$0x80];
	_ =	sdelay $0x1  }
0x360: {  	[tilespmem:v4+s19+$0x0] =	vst.idx.msk $0xffff, v5  }
0x361: {  	s8 =	simm.s32 $0x2;
	v0 =	vadd.s32 v47, v0;
	v4 =	vld [tilespmem:s28+$0xFFFFFE70]  }
0x362: {  	v5 =	vmov s8  }
0x363: {  	v5 =	vshrl.u32 v5, $0x3;
	[tilespmem:v3+s19+$0x0] =	vst.idx.msk $0xffff, v2  }
0x364: {  	v2 =	vshll.u32 v5, v17;
	v5 =	vadd.s32 v6, v1;
	v3 =	vld [tilespmem:s28+$0x90]  }
0x365: {  	v2 =	vbroadcast v2, $0x0  }
0x366: {  	s9 =	simm.s32 $0x18;
	[tilespmem:v0+s19+$0x0] =	vst.idx.msk $0xffff, v4  }
0x367: {  	v57 =	vmov s9;
	v0 =	vadd.s32 v49, v2;
	v4 =	vld [tilespmem:s28+$0xFFFFFE80]  }
0x368: {  	v23 =	vmov v6;
	v6 =	vshrl.u32 v57, $0x3  }
0x369: {  	s13 =	simm.s32 $0x10;
	[tilespmem:v5+s19+$0x0] =	vst.idx.msk $0xffff, v3;
	v3 =	vshll.u32 v6, v17  }
0x36a: {  	v7 =	vadd.s32 v61, v1;
	v5 =	vmov s13;
	v60 =	vld [tilespmem:s28+$0xA0];
	v3 =	vbroadcast v3, $0x0  }
0x36b: {  	s24 =	simm.s32 $0xEE00;
	v5 =	vshrl.u32 v5, $0x3  }
0x36c: {  	[tilespmem:v0+s19+$0x0] =	vst.idx.msk $0xffff, v4;
	v0 =	vshll.u32 v5, v17;
	v4 =	vld [tilespmem:s24+$0x0];
	v5 =	vadd.s32 v40, v3  }
0x36d: {  	v8 =	vadd.s32 v23, v2;
	v9 =	vld [tilespmem:s28+$0xFFFFFE90];
	v0 =	vbroadcast v0, $0x0;
	_ =	sdelay $0x1  }
0x36e: {  	v62 =	vld [tilespmem:s24+$0xFFFFFE00];
	v10 =	vadd.s32 v40, v0;
	[tilespmem:v7+s19+$0x0] =	vst.idx.msk $0xffff, v60  }
0x36f: {  	s20 =	simm.s32 $0xB;
	v1 =	vadd.s32 v33, v1;
	v7 =	vld [tilespmem:s28+$0xB0]  }
0x370: {  	v11 =	vmov s20;
	[tilespmem:v5+s19+$0x0] =	vst.idx.msk $0xffff, v4  }
0x371: {  	[tilespmem:v8+s19+$0x0] =	vst.idx.msk $0xffff, v9;
	v4 =	vshrl.u32 v11, $0x3;
	v8 =	vadd.s32 v45, v3;
	v5 =	vld [tilespmem:s24+$0x10]  }
0x372: {  	v9 =	vadd.s32 v61, v2;
	v11 =	vld [tilespmem:s28+$0xFFFFFEA0];
	v4 =	vshll.u32 v4, v17  }
0x373: {  	v4 =	vbroadcast v4, $0x0;
	[tilespmem:v10+s19+$0x0] =	vst.idx.msk $0xffff, v62  }
0x374: {  	v34 =	vadd.s32 v45, v0;
	[tilespmem:v1+s19+$0x0] =	vst.idx.msk $0xffff, v7;
	v1 =	vld [tilespmem:s24+$0xFFFFFE10]  }
0x375: {  	v10 =	vadd.s32 v13, v4;
	v7 =	vld [tilespmem:s28+$0xC0]  }
0x376: {  	[tilespmem:v8+s19+$0x0] =	vst.idx.msk $0xffff, v5  }
0x377: {  	[tilespmem:v9+s19+$0x0] =	vst.idx.msk $0xffff, v11;
	v8 =	vadd.s32 v46, v3;
	v5 =	vld [tilespmem:s24+$0x20]  }
0x378: {  	s25 =	simm.s32 $0x3;
	v2 =	vadd.s32 v33, v2;
	v9 =	vld [tilespmem:s28+$0xFFFFFEB0]  }
0x379: {  	v11 =	vmov s25;
	[tilespmem:v34+s19+$0x0] =	vst.idx.msk $0xffff, v1  }
0x37a: {  	v35 =	vadd.s32 v46, v0;
	v1 =	vshrl.u32 v11, $0x3;
	[tilespmem:v10+s19+$0x0] =	vst.idx.msk $0xffff, v7;
	v38 =	vld [tilespmem:s24+$0xFFFFFE20]  }
0x37b: {  	v11 =	vadd.s32 v44, v4;
	v1 =	vshll.u32 v1, v17;
	v10 =	vld [tilespmem:s28+$0xD0]  }
0x37c: {  	v1 =	vbroadcast v1, $0x0;
	[tilespmem:v8+s19+$0x0] =	vst.idx.msk $0xffff, v5  }
0x37d: {  	s26 =	simm.s32 $0x19;
	v3 =	vadd.s32 v48, v3;
	[tilespmem:v2+s19+$0x0] =	vst.idx.msk $0xffff, v9;
	v2 =	vld [tilespmem:s24+$0x30]  }
0x37e: {  	v9 =	vmov s26;
	v5 =	vadd.s32 v13, v1;
	v8 =	vld [tilespmem:s28+$0xFFFFFEC0]  }
0x37f: {  	v39 =	vshrl.u32 v9, $0x3;
	[tilespmem:v35+s19+$0x0] =	vst.idx.msk $0xffff, v38  }
0x380: {  	s1 =	simm.s32 $0x11;
	v0 =	vadd.s32 v48, v0;
	v6 =	vshll.u32 v39, v17;
	[tilespmem:v11+s19+$0x0] =	vst.idx.msk $0xffff, v10;
	v7 =	vld [tilespmem:s24+$0xFFFFFE30]  }
0x381: {  	v9 =	vmov s1;
	v6 =	vbroadcast v6, $0x0;
	v11 =	vadd.s32 v56, v4;
	v10 =	vld [tilespmem:s28+$0xE0]  }
0x382: {  	v9 =	vshrl.u32 v9, $0x3;
	[tilespmem:v3+s19+$0x0] =	vst.idx.msk $0xffff, v2  }
0x383: {  	v2 =	vshll.u32 v9, v17;
	[tilespmem:v5+s19+$0x0] =	vst.idx.msk $0xffff, v8;
	v5 =	vadd.s32 v51, v6;
	v3 =	vld [tilespmem:s24+$0x40]  }
0x384: {  	v8 =	vadd.s32 v44, v1;
	v2 =	vbroadcast v2, $0x0;
	v9 =	vld [tilespmem:s28+$0xFFFFFED0]  }
0x385: {  	[tilespmem:v0+s19+$0x0] =	vst.idx.msk $0xffff, v7  }
0x386: {  	v0 =	vadd.s32 v51, v2;
	[tilespmem:v11+s19+$0x0] =	vst.idx.msk $0xffff, v10;
	v7 =	vld [tilespmem:s24+$0xFFFFFE40]  }
0x387: {  	s5 =	simm.s32 $0xC;
	v4 =	vadd.s32 v53, v4;
	v10 =	vld [tilespmem:s28+$0xF0]  }
0x388: {  	v11 =	vmov s5;
	[tilespmem:v5+s19+$0x0] =	vst.idx.msk $0xffff, v3  }
0x389: {  	[tilespmem:v8+s19+$0x0] =	vst.idx.msk $0xffff, v9;
	v3 =	vshrl.u32 v11, $0x3;
	v8 =	vadd.s32 v52, v6;
	v5 =	vld [tilespmem:s24+$0x50]  }
0x38a: {  	v9 =	vadd.s32 v56, v1;
	v11 =	vld [tilespmem:s28+$0xFFFFFEE0];
	v3 =	vshll.u32 v3, v17  }
0x38b: {  	v3 =	vbroadcast v3, $0x0;
	[tilespmem:v0+s19+$0x0] =	vst.idx.msk $0xffff, v7  }
0x38c: {  	v0 =	vadd.s32 v52, v2;
	[tilespmem:v4+s19+$0x0] =	vst.idx.msk $0xffff, v10;
	v4 =	vld [tilespmem:s24+$0xFFFFFE50]  }
0x38d: {  	v10 =	vadd.s32 v12, v3;
	v42 =	vld [tilespmem:s28+$0x100]  }
0x38e: {  	[tilespmem:v8+s19+$0x0] =	vst.idx.msk $0xffff, v5  }
0x38f: {  	[tilespmem:v9+s19+$0x0] =	vst.idx.msk $0xffff, v11;
	v8 =	vadd.s32 v50, v6;
	v5 =	vld [tilespmem:s24+$0x60]  }
0x390: {  	s8 =	simm.s32 $0x4;
	v1 =	vadd.s32 v53, v1;
	v9 =	vld [tilespmem:s28+$0xFFFFFEF0]  }
0x391: {  	v11 =	vmov s8;
	[tilespmem:v0+s19+$0x0] =	vst.idx.msk $0xffff, v4  }
0x392: {  	v0 =	vshrl.u32 v11, $0x3;
	v4 =	vadd.s32 v50, v2;
	[tilespmem:v10+s19+$0x0] =	vst.idx.msk $0xffff, v42;
	v54 =	vld [tilespmem:s24+$0xFFFFFE60]  }
0x393: {  	v11 =	vadd.s32 v63, v3;
	v0 =	vshll.u32 v0, v17;
	v10 =	vld [tilespmem:s28+$0x110]  }
0x394: {  	v0 =	vbroadcast v0, $0x0;
	[tilespmem:v8+s19+$0x0] =	vst.idx.msk $0xffff, v5  }
0x395: {  	s9 =	simm.s32 $0x1A;
	[tilespmem:v1+s19+$0x0] =	vst.idx.msk $0xffff, v9;
	v5 =	vadd.s32 v47, v6;
	v1 =	vld [tilespmem:s24+$0x70]  }
0x396: {  	v9 =	vmov s9;
	v57 =	vadd.s32 v12, v0;
	v8 =	vld [tilespmem:s28+$0xFFFFFF00]  }
0x397: {  	[tilespmem:v4+s19+$0x0] =	vst.idx.msk $0xffff, v54;
	v4 =	vshrl.u32 v9, $0x3  }
0x398: {  	s13 =	simm.s32 $0x12;
	v2 =	vadd.s32 v47, v2;
	[tilespmem:v11+s19+$0x0] =	vst.idx.msk $0xffff, v10;
	v7 =	vld [tilespmem:s24+$0xFFFFFE70];
	v4 =	vshll.u32 v4, v17  }
0x399: {  	v9 =	vmov s13;
	v11 =	vadd.s32 v58, v3;
	v10 =	vld [tilespmem:s28+$0x120];
	v4 =	vbroadcast v4, $0x0  }
0x39a: {  	v9 =	vshrl.u32 v9, $0x3;
	[tilespmem:v5+s19+$0x0] =	vst.idx.msk $0xffff, v1  }
0x39b: {  	v1 =	vshll.u32 v9, v17;
	[tilespmem:v57+s19+$0x0] =	vst.idx.msk $0xffff, v8;
	v5 =	vld [tilespmem:s24+$0x80];
	v60 =	vadd.s32 v49, v4  }
0x39c: {  	v8 =	vadd.s32 v63, v0;
	v1 =	vbroadcast v1, $0x0;
	v9 =	vld [tilespmem:s28+$0xFFFFFF10]  }
0x39d: {  	[tilespmem:v2+s19+$0x0] =	vst.idx.msk $0xffff, v7  }
0x39e: {  	v2 =	vadd.s32 v49, v1;
	[tilespmem:v11+s19+$0x0] =	vst.idx.msk $0xffff, v10;
	v7 =	vld [tilespmem:s24+$0xFFFFFE80]  }
0x39f: {  	s20 =	simm.s32 $0xD;
	v3 =	vadd.s32 v22, v3;
	v10 =	vld [tilespmem:s28+$0x130]  }
0x3a0: {  	v11 =	vmov s20;
	[tilespmem:v60+s19+$0x0] =	vst.idx.msk $0xffff, v5  }
0x3a1: {  	[tilespmem:v8+s19+$0x0] =	vst.idx.msk $0xffff, v9;
	v5 =	vshrl.u32 v11, $0x3;
	v8 =	vadd.s32 v23, v4;
	v6 =	vld [tilespmem:s24+$0x90]  }
0x3a2: {  	v9 =	vadd.s32 v58, v0;
	v11 =	vld [tilespmem:s28+$0xFFFFFF20];
	v5 =	vshll.u32 v5, v17  }
0x3a3: {  	v5 =	vbroadcast v5, $0x0;
	[tilespmem:v2+s19+$0x0] =	vst.idx.msk $0xffff, v7  }
0x3a4: {  	v2 =	vadd.s32 v23, v1;
	[tilespmem:v3+s19+$0x0] =	vst.idx.msk $0xffff, v10;
	v3 =	vld [tilespmem:s24+$0xFFFFFE90]  }
0x3a5: {  	v10 =	vadd.s32 v28, v5;
	v62 =	vld [tilespmem:s28+$0x140]  }
0x3a6: {  	s25 =	simm.s32 $0x28;
	[tilespmem:v8+s19+$0x0] =	vst.idx.msk $0xffff, v6  }
0x3a7: {  	s1 =	simm.s32 $0x5;
	v38 =	vmov s25;
	[tilespmem:v9+s19+$0x0] =	vst.idx.msk $0xffff, v11;
	v9 =	vadd.s32 v61, v4;
	v8 =	vld [tilespmem:s24+$0xA0]  }
0x3a8: {  	v34 =	vmovc v12;
	v0 =	vadd.s32 v22, v0;
	v11 =	vmov s1;
	v6 =	vshrl.u32 v38, $0x3;
	v12 =	vld [tilespmem:s28+$0xFFFFFF30]  }
0x3a9: {  	s26 =	simm.s32 $0x20;
	v11 =	vshrl.u32 v11, $0x3;
	v6 =	vshll.u32 v6, v17;
	[tilespmem:v2+s19+$0x0] =	vst.idx.msk $0xffff, v3  }
0x3aa: {  	v26 =	vmovc v53;
	v6 =	vbroadcast v6, $0x0;
	v2 =	vadd.s32 v61, v1;
	v3 =	vmov s26;
	[tilespmem:v10+s19+$0x0] =	vst.idx.msk $0xffff, v62;
	v39 =	vld [tilespmem:s24+$0xFFFFFEA0]  }
0x3ab: {  	s25 =	simm.s32 $0xF200;
	v53 =	vmovc v44;
	v44 =	vmovc v13;
	v13 =	vadd.s32 v29, v5;
	v10 =	vshll.u32 v11, v17;
	v3 =	vshrl.u32 v3, $0x3;
	v11 =	vld [tilespmem:s28+$0x150]  }
0x3ac: {  	v14 =	vld [tilespmem:s25+$0x0];
	v15 =	vadd.s32 v40, v6;
	v10 =	vbroadcast v10, $0x0;
	v3 =	vshll.u32 v3, v17;
	[tilespmem:v9+s19+$0x0] =	vst.idx.msk $0xffff, v8  }
0x3ad: {  	v4 =	vadd.s32 v33, v4;
	s1 =	simm.s32 $0x1B;
	[tilespmem:v0+s19+$0x0] =	vst.idx.msk $0xffff, v12;
	v0 =	vbroadcast v3, $0x0;
	v3 =	vld [tilespmem:s24+$0xB0]  }
0x3ae: {  	v12 =	vmov s1;
	v8 =	vadd.s32 v28, v10;
	v9 =	vld [tilespmem:s28+$0xFFFFFF40]  }
0x3af: {  	v18 =	vld [tilespmem:s25+$0xFFFFFE00];
	v16 =	vadd.s32 v40, v0;
	[tilespmem:v2+s19+$0x0] =	vst.idx.msk $0xffff, v39;
	v2 =	vshrl.u32 v12, $0x3  }
0x3b0: {  	s5 =	simm.s32 $0x13;
	v1 =	vadd.s32 v33, v1;
	[tilespmem:v13+s19+$0x0] =	vst.idx.msk $0xffff, v11;
	v7 =	vld [tilespmem:s24+$0xFFFFFEB0];
	v2 =	vshll.u32 v2, v17  }
0x3b1: {  	[tilespmem:v15+s19+$0x0] =	vst.idx.msk $0xffff, v14;
	v11 =	vmov s5;
	v13 =	vadd.s32 v43, v5;
	v12 =	vld [tilespmem:s28+$0x160];
	v2 =	vbroadcast v2, $0x0  }
0x3b2: {  	v15 =	vadd.s32 v45, v6;
	v14 =	vld [tilespmem:s25+$0x10];
	v11 =	vshrl.u32 v11, $0x3;
	[tilespmem:v4+s19+$0x0] =	vst.idx.msk $0xffff, v3  }
0x3b3: {  	v3 =	vshll.u32 v11, v17;
	[tilespmem:v8+s19+$0x0] =	vst.idx.msk $0xffff, v9;
	v4 =	vld [tilespmem:s24+$0xC0];
	v8 =	vadd.s32 v44, v2  }
0x3b4: {  	v9 =	vadd.s32 v29, v10;
	v3 =	vbroadcast v3, $0x0;
	v11 =	vld [tilespmem:s28+$0xFFFFFF50];
	[tilespmem:v16+s19+$0x0] =	vst.idx.msk $0xffff, v18  }
0x3b5: {  	v16 =	vadd.s32 v45, v0;
	v18 =	vld [tilespmem:s25+$0xFFFFFE10];
	[tilespmem:v1+s19+$0x0] =	vst.idx.msk $0xffff, v7  }
0x3b6: {  	v1 =	vadd.s32 v44, v3;
	[tilespmem:v13+s19+$0x0] =	vst.idx.msk $0xffff, v12;
	v7 =	vld [tilespmem:s24+$0xFFFFFEC0]  }
0x3b7: {  	s8 =	simm.s32 $0xE;
	v5 =	vadd.s32 v55, v5;
	[tilespmem:v15+s19+$0x0] =	vst.idx.msk $0xffff, v14;
	v12 =	vld [tilespmem:s28+$0x170]  }
0x3b8: {  	v15 =	vadd.s32 v46, v6;
	v13 =	vmov s8;
	v14 =	vld [tilespmem:s25+$0x20];
	[tilespmem:v8+s19+$0x0] =	vst.idx.msk $0xffff, v4  }
0x3b9: {  	[tilespmem:v9+s19+$0x0] =	vst.idx.msk $0xffff, v11;
	v4 =	vshrl.u32 v13, $0x3;
	v9 =	vadd.s32 v53, v2;
	v8 =	vld [tilespmem:s24+$0xD0]  }
0x3ba: {  	v11 =	vadd.s32 v43, v10;
	v13 =	vld [tilespmem:s28+$0xFFFFFF60];
	v4 =	vshll.u32 v4, v17;
	[tilespmem:v16+s19+$0x0] =	vst.idx.msk $0xffff, v18  }
0x3bb: {  	v16 =	vadd.s32 v46, v0;
	v4 =	vbroadcast v4, $0x0;
	v18 =	vld [tilespmem:s25+$0xFFFFFE20];
	[tilespmem:v1+s19+$0x0] =	vst.idx.msk $0xffff, v7  }
0x3bc: {  	v1 =	vadd.s32 v53, v3;
	[tilespmem:v5+s19+$0x0] =	vst.idx.msk $0xffff, v12;
	v5 =	vld [tilespmem:s24+$0xFFFFFED0]  }
0x3bd: {  	[tilespmem:v15+s19+$0x0] =	vst.idx.msk $0xffff, v14;
	v12 =	vadd.s32 v37, v4;
	v54 =	vld [tilespmem:s28+$0x180]  }
0x3be: {  	s9 =	simm.s32 $0x29;
	v6 =	vadd.s32 v48, v6;
	v14 =	vld [tilespmem:s25+$0x30];
	[tilespmem:v9+s19+$0x0] =	vst.idx.msk $0xffff, v8  }
0x3bf: {  	s13 =	simm.s32 $0x6;
	[tilespmem:v11+s19+$0x0] =	vst.idx.msk $0xffff, v13;
	v8 =	vmov s9;
	v11 =	vadd.s32 v56, v2;
	v9 =	vld [tilespmem:s24+$0xE0]  }
0x3c0: {  	v10 =	vadd.s32 v55, v10;
	v13 =	vmov s13;
	v15 =	vld [tilespmem:s28+$0xFFFFFF70];
	[tilespmem:v16+s19+$0x0] =	vst.idx.msk $0xffff, v18;
	v8 =	vshrl.u32 v8, $0x3  }
0x3c1: {  	s20 =	simm.s32 $0x21;
	v0 =	vadd.s32 v48, v0;
	v13 =	vshrl.u32 v13, $0x3;
	v16 =	vld [tilespmem:s25+$0xFFFFFE30];
	v8 =	vshll.u32 v8, v17;
	[tilespmem:v1+s19+$0x0] =	vst.idx.msk $0xffff, v5  }
0x3c2: {  	v1 =	vadd.s32 v56, v3;
	v5 =	vmov s20;
	v57 =	vbroadcast v8, $0x0;
	[tilespmem:v12+s19+$0x0] =	vst.idx.msk $0xffff, v54;
	v8 =	vld [tilespmem:s24+$0xFFFFFEE0]  }
0x3c3: {  	v18 =	vadd.s32 v31, v4;
	[tilespmem:v6+s19+$0x0] =	vst.idx.msk $0xffff, v14;
	v12 =	vshll.u32 v13, v17;
	v5 =	vshrl.u32 v5, $0x3;
	v13 =	vld [tilespmem:s28+$0x190]  }
0x3c4: {  	v35 =	vbroadcast v12, $0x0;
	v5 =	vshll.u32 v5, v17;
	v12 =	vld [tilespmem:s25+$0x40];
	v14 =	vadd.s32 v51, v57;
	[tilespmem:v11+s19+$0x0] =	vst.idx.msk $0xffff, v9  }
0x3c5: {  	s26 =	simm.s32 $0x1C;
	v2 =	vadd.s32 v26, v2;
	v5 =	vbroadcast v5, $0x0;
	[tilespmem:v10+s19+$0x0] =	vst.idx.msk $0xffff, v15;
	v9 =	vld [tilespmem:s24+$0xF0]  }
0x3c6: {  	v10 =	vadd.s32 v37, v35;
	v11 =	vld [tilespmem:s28+$0xFFFFFF80];
	[tilespmem:v0+s19+$0x0] =	vst.idx.msk $0xffff, v16;
	v0 =	vmov s26  }
0x3c7: {  	v15 =	vadd.s32 v51, v5;
	v16 =	vld [tilespmem:s25+$0xFFFFFE40];
	v0 =	vshrl.u32 v0, $0x3;
	[tilespmem:v1+s19+$0x0] =	vst.idx.msk $0xffff, v8  }
0x3c8: {  	s1 =	simm.s32 $0x14;
	v1 =	vadd.s32 v26, v3;
	v0 =	vshll.u32 v0, v17;
	[tilespmem:v18+s19+$0x0] =	vst.idx.msk $0xffff, v13;
	v3 =	vld [tilespmem:s24+$0xFFFFFEF0]  }
0x3c9: {  	v8 =	vmov s1;
	v18 =	vadd.s32 v32, v4;
	[tilespmem:v14+s19+$0x0] =	vst.idx.msk $0xffff, v12;
	v0 =	vbroadcast v0, $0x0;
	v13 =	vld [tilespmem:s28+$0x1A0]  }
0x3ca: {  	v8 =	vshrl.u32 v8, $0x3;
	v14 =	vadd.s32 v52, v57;
	v12 =	vld [tilespmem:s25+$0x50];
	[tilespmem:v2+s19+$0x0] =	vst.idx.msk $0xffff, v9  }
0x3cb: {  	v2 =	vshll.u32 v8, v17;
	[tilespmem:v10+s19+$0x0] =	vst.idx.msk $0xffff, v11;
	v9 =	vadd.s32 v34, v0;
	v8 =	vld [tilespmem:s24+$0x100]  }
0x3cc: {  	v10 =	vadd.s32 v31, v35;
	v2 =	vbroadcast v2, $0x0;
	v11 =	vld [tilespmem:s28+$0xFFFFFF90];
	[tilespmem:v15+s19+$0x0] =	vst.idx.msk $0xffff, v16  }
0x3cd: {  	v15 =	vadd.s32 v52, v5;
	v16 =	vld [tilespmem:s25+$0xFFFFFE50];
	[tilespmem:v1+s19+$0x0] =	vst.idx.msk $0xffff, v3  }
0x3ce: {  	v1 =	vadd.s32 v34, v2;
	[tilespmem:v18+s19+$0x0] =	vst.idx.msk $0xffff, v13;
	v3 =	vld [tilespmem:s24+$0xFFFFFF00]  }
0x3cf: {  	s5 =	simm.s32 $0xF;
	v4 =	vadd.s32 v41, v4;
	[tilespmem:v14+s19+$0x0] =	vst.idx.msk $0xffff, v12;
	v13 =	vld [tilespmem:s28+$0x1B0]  }
0x3d0: {  	v12 =	vmov s5;
	v18 =	vadd.s32 v50, v57;
	v14 =	vld [tilespmem:s25+$0x60];
	[tilespmem:v9+s19+$0x0] =	vst.idx.msk $0xffff, v8  }
0x3d1: {  	[tilespmem:v10+s19+$0x0] =	vst.idx.msk $0xffff, v11;
	v8 =	vshrl.u32 v12, $0x3;
	v10 =	vadd.s32 v63, v0;
	v9 =	vld [tilespmem:s24+$0x110]  }
0x3d2: {  	v11 =	vadd.s32 v32, v35;
	v12 =	vld [tilespmem:s28+$0xFFFFFFA0];
	v8 =	vshll.u32 v8, v17;
	[tilespmem:v15+s19+$0x0] =	vst.idx.msk $0xffff, v16  }
0x3d3: {  	v15 =	vadd.s32 v50, v5;
	v16 =	vbroadcast v8, $0x0;
	v8 =	vld [tilespmem:s25+$0xFFFFFE60];
	[tilespmem:v1+s19+$0x0] =	vst.idx.msk $0xffff, v3  }
0x3d4: {  	v1 =	vadd.s32 v63, v2;
	[tilespmem:v4+s19+$0x0] =	vst.idx.msk $0xffff, v13;
	v3 =	vld [tilespmem:s24+$0xFFFFFF10]  }
0x3d5: {  	v13 =	vadd.s32 v59, v16;
	[tilespmem:v18+s19+$0x0] =	vst.idx.msk $0xffff, v14;
	v4 =	vld [tilespmem:s28+$0x1C0]  }
0x3d6: {  	s8 =	simm.s32 $0x2A;
	v7 =	vadd.s32 v47, v57;
	v14 =	vld [tilespmem:s25+$0x70];
	[tilespmem:v10+s19+$0x0] =	vst.idx.msk $0xffff, v9  }
0x3d7: {  	s9 =	simm.s32 $0x7;
	[tilespmem:v11+s19+$0x0] =	vst.idx.msk $0xffff, v12;
	v9 =	vmov s8;
	v11 =	vadd.s32 v58, v0;
	v10 =	vld [tilespmem:s24+$0x120]  }
0x3d8: {  	v6 =	vadd.s32 v41, v35;
	v12 =	vmov s9;
	v18 =	vld [tilespmem:s28+$0xFFFFFFB0];
	[tilespmem:v15+s19+$0x0] =	vst.idx.msk $0xffff, v8;
	v8 =	vshrl.u32 v9, $0x3  }
0x3d9: {  	s13 =	simm.s32 $0x22;
	v5 =	vadd.s32 v47, v5;
	v9 =	vshrl.u32 v12, $0x3;
	v12 =	vld [tilespmem:s25+$0xFFFFFE70];
	v8 =	vshll.u32 v8, v17;
	[tilespmem:v1+s19+$0x0] =	vst.idx.msk $0xffff, v3  }
0x3da: {  	v1 =	vadd.s32 v58, v2;
	v3 =	vmov s13;
	[tilespmem:v13+s19+$0x0] =	vst.idx.msk $0xffff, v4;
	v13 =	vbroadcast v8, $0x0;
	v4 =	vld [tilespmem:s24+$0xFFFFFF20]  }
0x3db: {  	v15 =	vadd.s32 v30, v16;
	v8 =	vshll.u32 v9, v17;
	v3 =	vshrl.u32 v3, $0x3;
	[tilespmem:v7+s19+$0x0] =	vst.idx.msk $0xffff, v14;
	v9 =	vld [tilespmem:s28+$0x1D0]  }
0x3dc: {  	v38 =	vbroadcast v8, $0x0;
	v3 =	vshll.u32 v3, v17;
	v8 =	vld [tilespmem:s25+$0x80];
	v14 =	vadd.s32 v49, v13;
	[tilespmem:v11+s19+$0x0] =	vst.idx.msk $0xffff, v10  }
0x3dd: {  	v0 =	vadd.s32 v22, v0;
	v10 =	vbroadcast v3, $0x0;
	[tilespmem:v6+s19+$0x0] =	vst.idx.msk $0xffff, v18;
	v3 =	vld [tilespmem:s24+$0x130]  }
0x3de: {  	s20 =	simm.s32 $0x1D;
	v39 =	vadd.s32 v59, v38;
	v11 =	vld [tilespmem:s28+$0xFFFFFFC0];
	[tilespmem:v5+s19+$0x0] =	vst.idx.msk $0xffff, v12  }
0x3df: {  	v5 =	vmov s20;
	[tilespmem:v1+s19+$0x0] =	vst.idx.msk $0xffff, v4  }
0x3e0: {  	s26 =	simm.s32 $0x15;
	v2 =	vadd.s32 v22, v2;
	v18 =	vadd.s32 v49, v10;
	v19 =	vld [tilespmem:s25+$0xFFFFFE80];
	v1 =	vshrl.u32 v5, $0x3;
	[tilespmem:v15+s19+$0x0] =	vst.idx.msk $0xffff, v9  }
0x3e1: {  	v20 =	vadd.s32 v23, v13;
	v4 =	vmov s26;
	v5 =	vld [tilespmem:s24+$0xFFFFFF30];
	v1 =	vshll.u32 v1, v17;
	[tilespmem:v14+s19+$0x0] =	vst.idx.msk $0xffff, v8  }
0x3e2: {  	v4 =	vshrl.u32 v4, $0x3;
	v15 =	vadd.s32 v36, v16;
	v9 =	vld [tilespmem:s28+$0x1E0];
	v14 =	vbroadcast v1, $0x0;
	[tilespmem:v0+s19+$0x0] =	vst.idx.msk $0xffff, v3  }
0x3e3: {  	v7 =	vadd.s32 v25, v38;
	v1 =	vshll.u32 v4, v17;
	v4 =	vld [tilespmem:s25+$0x90];
	[tilespmem:v39+s19+$0x0] =	vst.idx.msk $0xffff, v11  }
0x3e4: {  	s1 =	simm.s32 $0x16;
	v1 =	vbroadcast v1, $0x0;
	v3 =	vld [tilespmem:s24+$0x140];
	v42 =	vadd.s32 v28, v14;
	[tilespmem:$0x1FA50] =	vst v7  }
0x3e5: {  	v12 =	vadd.s32 v30, v38;
	v0 =	vmov s1;
	v7 =	vld [tilespmem:s28+$0xFFFFFFD0];
	[tilespmem:v18+s19+$0x0] =	vst.idx.msk $0xffff, v19  }
0x3e6: {  	s5 =	simm.s32 $0x17;
	v0 =	vshrl.u32 v0, $0x3;
	v18 =	vadd.s32 v28, v1;
	v19 =	vadd.s32 v23, v10;
	v21 =	vld [tilespmem:s25+$0xFFFFFE90];
	[tilespmem:v2+s19+$0x0] =	vst.idx.msk $0xffff, v5  }
0x3e7: {  	v8 =	vmov s5;
	v0 =	vshll.u32 v0, v17;
	v23 =	vadd.s32 v61, v13;
	[tilespmem:v15+s19+$0x0] =	vst.idx.msk $0xffff, v9;
	v9 =	vld [tilespmem:s24+$0xFFFFFF40]  }
0x3e8: {  	s8 =	simm.s32 $0x38;
	v2 =	vshrl.u32 v8, $0x3;
	v5 =	vadd.s32 v29, v1;
	v8 =	vadd.s32 v55, v1;
	[tilespmem:v20+s19+$0x0] =	vst.idx.msk $0xffff, v4  }
0x3e9: {  	v60 =	vmovc v34;
	v15 =	vadd.s32 v43, v1;
	v1 =	vshll.u32 v2, v17;
	v2 =	vmov s8;
	v20 =	vld [tilespmem:s25+$0xA0];
	[tilespmem:v42+s19+$0x0] =	vst.idx.msk $0xffff, v3  }
0x3ea: {  	v34 =	vmovc v22;
	v16 =	vadd.s32 v25, v16;
	v0 =	vbroadcast v0, $0x0;
	v22 =	vld [tilespmem:s28+$0x1F0];
	v2 =	vshrl.u32 v2, $0x3;
	[tilespmem:v12+s19+$0x0] =	vst.idx.msk $0xffff, v7  }
0x3eb: {  	v39 =	vmov v25;
	v2 =	vshll.u32 v2, v17;
	v54 =	vld [tilespmem:s24+$0x150];
	v12 =	vadd.s32 v29, v14;
	[tilespmem:v19+s19+$0x0] =	vst.idx.msk $0xffff, v21  }
0x3ec: {  	s9 =	simm.s32 $0x30;
	v6 =	vadd.s32 v37, v0;
	v25 =	vbroadcast v2, $0x0;
	v2 =	vadd.s32 v32, v0;
	v24 =	vld [tilespmem:s28+$0xFFFFFFE0];
	[tilespmem:v18+s19+$0x0] =	vst.idx.msk $0xffff, v9  }
0x3ed: {  	v62 =	vmovc v26;
	v4 =	vadd.s32 v31, v0;
	v0 =	vadd.s32 v41, v0;
	v21 =	vmov s9;
	v26 =	vld [tilespmem:s25+$0xFFFFFEA0];
	[tilespmem:$0x1FB20] =	vst v2  }
0x3ee: {  	s26 =	simm.s32 $0xF600;
	v19 =	vadd.s32 v61, v10;
	v18 =	vbroadcast v1, $0x0;
	v2 =	vshrl.u32 v21, $0x3;
	v9 =	vld [tilespmem:s24+$0xFFFFFF50];
	[tilespmem:v23+s19+$0x0] =	vst.idx.msk $0xffff, v20  }
0x3ef: {  	v11 =	vadd.s32 v36, v38;
	v1 =	vshll.u32 v2, v17;
	v21 =	vld [tilespmem:s26+$0x0];
	[tilespmem:$0x1FB40] =	vst v0  }
0x3f0: {  	v20 =	vbroadcast v1, $0x0;
	v1 =	vadd.s32 v59, v18;
	[tilespmem:v12+s19+$0x0] =	vst.idx.msk $0xffff, v54  }
0x3f1: {  	v0 =	vld [tilespmem:s25+$0xB0];
	[tilespmem:$0x1FB70] =	vst v1  }
0x3f2: {  	[tilespmem:v16+s19+$0x0] =	vst.idx.msk $0xffff, v22  }
0x3f3: {  	v12 =	vld [tilespmem:s24+$0x160];
	[tilespmem:v19+s19+$0x0] =	vst.idx.msk $0xffff, v26  }
0x3f4: {  	v42 =	vmov v28;
	v1 =	vadd.s32 v30, v18;
	v28 =	vld [tilespmem:s26+$0xFFFFFE00];
	[tilespmem:v11+s19+$0x0] =	vst.idx.msk $0xffff, v24  }
0x3f5: {  	v27 =	vadd.s32 v40, v25;
	v11 =	vld [tilespmem:s25+$0xFFFFFEB0];
	[tilespmem:$0x1FBA0] =	vst v1  }
0x3f6: {  	v1 =	vld [tilespmem:s28+$0xFFFFFFF0];
	_ =	sdelay $0x1  }
0x3f7: {  	s13 =	simm.s32 $0x2B;
	v13 =	vadd.s32 v33, v13  }
0x3f8: {  	v57 =	vmov s13  }
0x3f9: {  	s20 =	simm.s32 $0x23;
	v7 =	vshrl.u32 v57, $0x3;
	v16 =	vadd.s32 v43, v14;
	[tilespmem:v27+s19+$0x0] =	vst.idx.msk $0xffff, v21  }
0x3fa: {  	v23 =	vadd.s32 v40, v20;
	v22 =	vmov s20;
	[tilespmem:$0x1FA60] =	vst v1;
	v1 =	vadd.s32 v36, v18  }
0x3fb: {  	v10 =	vadd.s32 v33, v10;
	v7 =	vshll.u32 v7, v17;
	v19 =	vshrl.u32 v22, $0x3;
	[tilespmem:$0x1FA70] =	vst v1  }
0x3fc: {  	v19 =	vshll.u32 v19, v17;
	v21 =	vbroadcast v7, $0x0;
	[tilespmem:v13+s19+$0x0] =	vst.idx.msk $0xffff, v0;
	v0 =	vadd.s32 v39, v18  }
0x3fd: {  	v22 =	vadd.s32 v45, v25;
	v35 =	vbroadcast v19, $0x0;
	v19 =	vld [tilespmem:s26+$0x10];
	[tilespmem:$0x1FA80] =	vst v0  }
0x3fe: {  	v13 =	vadd.s32 v44, v21;
	v0 =	vld [tilespmem:s25+$0xC0];
	[tilespmem:v16+s19+$0x0] =	vst.idx.msk $0xffff, v12  }
0x3ff: {  	s8 =	simm.s32 $0x1E;
	v14 =	vadd.s32 v55, v14;
	[tilespmem:v23+s19+$0x0] =	vst.idx.msk $0xffff, v28;
	v18 =	vld [tilespmem:s24+$0x170]  }
0x400: {  	s5 =	simm.s32 $0x24;
	v24 =	vadd.s32 v45, v20;
	[tilespmem:v10+s19+$0x0] =	vst.idx.msk $0xffff, v11;
	v10 =	vmov s8;
	v26 =	vld [tilespmem:s26+$0xFFFFFE10]  }
0x401: {  	v12 =	vmov s5;
	v16 =	vadd.s32 v44, v35;
	[tilespmem:v5+s19+$0x0] =	vst.idx.msk $0xffff, v9;
	v27 =	vld [tilespmem:s25+$0xFFFFFEC0];
	v5 =	vshrl.u32 v10, $0x3  }
0x402: {  	s9 =	simm.s32 $0x25;
	v23 =	vadd.s32 v53, v35;
	v11 =	vshrl.u32 v12, $0x3;
	v5 =	vshll.u32 v5, v17;
	[tilespmem:v22+s19+$0x0] =	vst.idx.msk $0xffff, v19  }
0x403: {  	v38 =	vmov s9;
	v9 =	vadd.s32 v62, v35;
	v10 =	vld [tilespmem:s24+$0xFFFFFF60];
	v11 =	vshll.u32 v11, v17;
	[tilespmem:v13+s19+$0x0] =	vst.idx.msk $0xffff, v0  }
0x404: {  	v12 =	vadd.s32 v56, v35;
	v22 =	vadd.s32 v46, v25;
	v11 =	vbroadcast v11, $0x0;
	v19 =	vld [tilespmem:s26+$0x20];
	[tilespmem:v14+s19+$0x0] =	vst.idx.msk $0xffff, v18  }
0x405: {  	v13 =	vbroadcast v5, $0x0;
	v0 =	vshrl.u32 v38, $0x3;
	v5 =	vmovc v29;
	v29 =	vadd.s32 v53, v21;
	v28 =	vld [tilespmem:s25+$0xD0];
	[tilespmem:v24+s19+$0x0] =	vst.idx.msk $0xffff, v26  }
0x406: {  	s13 =	simm.s32 $0x26;
	v0 =	vshll.u32 v0, v17;
	[tilespmem:v16+s19+$0x0] =	vst.idx.msk $0xffff, v27;
	v16 =	vadd.s32 v58, v11;
	v14 =	vld [tilespmem:s24+$0x180]  }
0x407: {  	v35 =	vmovc v31;
	v18 =	vadd.s32 v37, v13;
	v24 =	vbroadcast v0, $0x0;
	v54 =	vld [tilespmem:s26+$0xFFFFFE20];
	v0 =	vmov s13;
	[tilespmem:$0x1FB50] =	vst v16  }
0x408: {  	v31 =	vadd.s32 v46, v20;
	[tilespmem:v15+s19+$0x0] =	vst.idx.msk $0xffff, v10;
	v10 =	vshrl.u32 v0, $0x3;
	v0 =	vadd.s32 v34, v11  }
0x409: {  	v16 =	vld [tilespmem:s25+$0xFFFFFED0];
	[tilespmem:$0x1FB90] =	vst v0  }
0x40a: {  	v3 =	vadd.s32 v60, v11;
	v7 =	vadd.s32 v63, v11;
	[tilespmem:v22+s19+$0x0] =	vst.idx.msk $0xffff, v19;
	v11 =	vld [tilespmem:s24+$0xFFFFFF70]  }
0x40b: {  	v1 =	vmov v62;
	v62 =	vadd.s32 v42, v24;
	v22 =	vadd.s32 v48, v25;
	v19 =	vld [tilespmem:s26+$0x30];
	[tilespmem:v29+s19+$0x0] =	vst.idx.msk $0xffff, v28  }
0x40c: {  	v2 =	vmov v60;
	v0 =	vadd.s32 v5, v24;
	v28 =	vadd.s32 v56, v21;
	v27 =	vld [tilespmem:s25+$0xE0];
	[tilespmem:v18+s19+$0x0] =	vst.idx.msk $0xffff, v14  }
0x40d: {  	s1 =	simm.s32 $0x39;
	v26 =	vmov v59;
	v60 =	vadd.s32 v43, v24;
	v59 =	vadd.s32 v55, v24;
	[tilespmem:v31+s19+$0x0] =	vst.idx.msk $0xffff, v54  }
0x40e: {  	s20 =	simm.s32 $0x27;
	v24 =	vadd.s32 v35, v13;
	v10 =	vshll.u32 v10, v17;
	v25 =	vmov s1;
	v18 =	vld [tilespmem:s24+$0x190];
	[tilespmem:v23+s19+$0x0] =	vst.idx.msk $0xffff, v16  }
0x40f: {  	v15 =	vmov s20;
	v10 =	vbroadcast v10, $0x0;
	v14 =	vshrl.u32 v25, $0x3;
	v25 =	vld [tilespmem:s26+$0xFFFFFE30];
	[tilespmem:v8+s19+$0x0] =	vst.idx.msk $0xffff, v11  }
0x410: {  	s5 =	simm.s32 $0x31;
	v20 =	vadd.s32 v48, v20;
	v15 =	vshrl.u32 v15, $0x3;
	v23 =	vld [tilespmem:s25+$0xFFFFFEE0];
	[tilespmem:v22+s19+$0x0] =	vst.idx.msk $0xffff, v19  }
0x411: {  	v16 =	vmov s5;
	v8 =	vshll.u32 v15, v17;
	v15 =	vld [tilespmem:s24+$0xFFFFFF80];
	v22 =	vadd.s32 v37, v10;
	[tilespmem:v28+s19+$0x0] =	vst.idx.msk $0xffff, v27  }
0x412: {  	v11 =	vshrl.u32 v16, $0x3;
	v16 =	vld [tilespmem:s26+$0x40];
	[tilespmem:$0x1FA90] =	vst v22  }
0x413: {  	[tilespmem:v24+s19+$0x0] =	vst.idx.msk $0xffff, v18;
	v18 =	vadd.s32 v35, v10  }
0x414: {  	v38 =	vmov v32;
	v14 =	vshll.u32 v14, v17;
	v22 =	vld [tilespmem:s25+$0xF0];
	[tilespmem:$0x1FAA0] =	vst v18  }
0x415: {  	v14 =	vbroadcast v14, $0x0;
	[tilespmem:v20+s19+$0x0] =	vst.idx.msk $0xffff, v25;
	v25 =	vadd.s32 v38, v10  }
0x416: {  	v20 =	vld [tilespmem:s24+$0x1A0];
	[tilespmem:$0x1FAB0] =	vst v25  }
0x417: {  	v8 =	vbroadcast v8, $0x0;
	v19 =	vadd.s32 v51, v14;
	v10 =	vadd.s32 v41, v10;
	[tilespmem:v12+s19+$0x0] =	vst.idx.msk $0xffff, v23  }
0x418: {  	v11 =	vshll.u32 v11, v17;
	v27 =	vld [tilespmem:s26+$0xFFFFFE40];
	[tilespmem:$0x1FAC0] =	vst v10  }
0x419: {  	s8 =	simm.s32 $0x2C;
	v21 =	vadd.s32 v1, v21;
	v11 =	vbroadcast v11, $0x0;
	v54 =	vadd.s32 v26, v8;
	[tilespmem:v6+s19+$0x0] =	vst.idx.msk $0xffff, v15  }
0x41a: {  	v18 =	vmov s8;
	v10 =	vld [tilespmem:s25+$0xFFFFFEF0];
	[tilespmem:$0x1FAD0] =	vst v54;
	v54 =	vadd.s32 v30, v8  }
0x41b: {  	v24 =	vadd.s32 v38, v13;
	v25 =	vadd.s32 v51, v11;
	v12 =	vshrl.u32 v18, $0x3;
	[tilespmem:$0x1FAE0] =	vst v54  }
0x41c: {  	v12 =	vshll.u32 v12, v17;
	v15 =	vadd.s32 v36, v8;
	[tilespmem:v19+s19+$0x0] =	vst.idx.msk $0xffff, v16  }
0x41d: {  	v6 =	vbroadcast v12, $0x0;
	v12 =	vld [tilespmem:s24+$0xFFFFFF90];
	[tilespmem:$0x1FAF0] =	vst v15  }
0x41e: {  	v8 =	vadd.s32 v39, v8;
	[tilespmem:v21+s19+$0x0] =	vst.idx.msk $0xffff, v22  }
0x41f: {  	v16 =	vadd.s32 v52, v14;
	v15 =	vld [tilespmem:s26+$0x50];
	[tilespmem:$0x1FB00] =	vst v8  }
0x420: {  	v19 =	vadd.s32 v2, v6;
	v18 =	vld [tilespmem:s25+$0x100];
	[tilespmem:v24+s19+$0x0] =	vst.idx.msk $0xffff, v20  }
0x421: {  	v13 =	vadd.s32 v41, v13;
	[tilespmem:v25+s19+$0x0] =	vst.idx.msk $0xffff, v27;
	v21 =	vld [tilespmem:s24+$0x1B0]  }
0x422: {  	s20 =	simm.s32 $0x1F;
	[tilespmem:v9+s19+$0x0] =	vst.idx.msk $0xffff, v10;
	v25 =	vld [tilespmem:s26+$0xFFFFFE50]  }
0x423: {  	s13 =	simm.s32 $0x33;
	v23 =	vadd.s32 v52, v11;
	v9 =	vmov s20;
	v10 =	vld [tilespmem:s25+$0xFFFFFF00];
	[tilespmem:v4+s19+$0x0] =	vst.idx.msk $0xffff, v12  }
0x424: {  	v20 =	vmov s13;
	v4 =	vshrl.u32 v9, $0x3;
	v12 =	vld [tilespmem:s24+$0xFFFFFFA0];
	[tilespmem:v16+s19+$0x0] =	vst.idx.msk $0xffff, v15  }
0x425: {  	v9 =	vshrl.u32 v20, $0x3;
	v4 =	vshll.u32 v4, v17;
	v16 =	vld [tilespmem:s26+$0x60];
	[tilespmem:v19+s19+$0x0] =	vst.idx.msk $0xffff, v18  }
0x426: {  	v9 =	vshll.u32 v9, v17;
	v31 =	vbroadcast v4, $0x0;
	v4 =	vld [tilespmem:s25+$0x110];
	[tilespmem:v13+s19+$0x0] =	vst.idx.msk $0xffff, v21  }
0x427: {  	v13 =	vbroadcast v9, $0x0;
	v9 =	vld [tilespmem:$0x1FE90]  }
0x428: {  	[tilespmem:v23+s19+$0x0] =	vst.idx.msk $0xffff, v25;
	v19 =	vld [tilespmem:s24+$0x1C0]  }
0x429: {  	s9 =	simm.s32 $0x32;
	v29 =	vmov v1;
	v1 =	vmov v2;
	[tilespmem:v3+s19+$0x0] =	vst.idx.msk $0xffff, v10;
	v23 =	vld [tilespmem:s26+$0xFFFFFE60];
	v2 =	vadd.s32 v53, v13  }
0x42a: {  	v8 =	vmov s9;
	[tilespmem:$0x1FB10] =	vst v2;
	v2 =	vld [tilespmem:$0x1FB20]  }
0x42b: {  	v8 =	vshrl.u32 v8, $0x3  }
0x42c: {  	v8 =	vshll.u32 v8, v17  }
0x42d: {  	v8 =	vbroadcast v8, $0x0;
	_ =	sdelay $0x1  }
0x42e: {  	v28 =	vadd.s32 v50, v14;
	v54 =	vadd.s32 v49, v8  }
0x42f: {  	s1 =	simm.s32 $0x34;
	v20 =	vadd.s32 v61, v8;
	v15 =	vadd.s32 v33, v8;
	v18 =	vadd.s32 v63, v6  }
0x430: {  	v21 =	vadd.s32 v26, v31;
	v22 =	vadd.s32 v9, v8;
	v8 =	vmov s1  }
0x431: {  	v24 =	vadd.s32 v50, v11;
	v3 =	vshrl.u32 v8, $0x3;
	v8 =	vadd.s32 v29, v13;
	[tilespmem:v2+s19+$0x0] =	vst.idx.msk $0xffff, v12  }
0x432: {  	v10 =	vld [tilespmem:s25+$0xFFFFFF10];
	[tilespmem:$0x1FB30] =	vst v8  }
0x433: {  	[tilespmem:v28+s19+$0x0] =	vst.idx.msk $0xffff, v16  }
0x434: {  	[tilespmem:v18+s19+$0x0] =	vst.idx.msk $0xffff, v4  }
0x435: {  	s8 =	simm.s32 $0x3A;
	v3 =	vshll.u32 v3, v17;
	[tilespmem:v21+s19+$0x0] =	vst.idx.msk $0xffff, v19  }
0x436: {  	s5 =	simm.s32 $0x35;
	v29 =	vadd.s32 v47, v14;
	v14 =	vmov s8;
	v3 =	vbroadcast v3, $0x0;
	[tilespmem:v24+s19+$0x0] =	vst.idx.msk $0xffff, v23;
	v25 =	vld [tilespmem:s26+$0x70]  }
0x437: {  	v57 =	vmovc v30;
	v30 =	vadd.s32 v58, v6;
	v14 =	vshrl.u32 v14, $0x3;
	v16 =	vmov s5;
	[tilespmem:v7+s19+$0x0] =	vst.idx.msk $0xffff, v10;
	v18 =	vld [tilespmem:s25+$0x120]  }
0x438: {  	v4 =	vshrl.u32 v16, $0x3;
	v16 =	vshll.u32 v14, v17;
	v14 =	vadd.s32 v1, v3;
	v1 =	vld [tilespmem:$0x1FB40]  }
0x439: {  	v21 =	vadd.s32 v57, v31;
	v19 =	vld [tilespmem:s24+$0x1D0]  }
0x43a: {  	v27 =	vadd.s32 v47, v11;
	v23 =	vld [tilespmem:s26+$0xFFFFFE70]  }
0x43b: {  	v11 =	vadd.s32 v44, v13;
	v12 =	vadd.s32 v56, v13;
	v13 =	vld [tilespmem:s24+$0xFFFFFFB0]  }
0x43c: {  	[tilespmem:v29+s19+$0x0] =	vst.idx.msk $0xffff, v25  }
0x43d: {  	[tilespmem:v30+s19+$0x0] =	vst.idx.msk $0xffff, v18  }
0x43e: {  	[tilespmem:v21+s19+$0x0] =	vst.idx.msk $0xffff, v19  }
0x43f: {  	[tilespmem:v27+s19+$0x0] =	vst.idx.msk $0xffff, v23  }
0x440: {  	[tilespmem:v1+s19+$0x0] =	vst.idx.msk $0xffff, v13  }
0x441: {  	v1 =	vld [tilespmem:$0x1FB50];
	_ =	sdelay $0x2  }
0x442: {  	v61 =	vld [tilespmem:s25+$0xFFFFFF20];
	_ =	sdelay $0x4  }
0x443: {  	[tilespmem:v1+s19+$0x0] =	vst.idx.msk $0xffff, v61  }
0x444: {  	s9 =	simm.s32 $0x36;
	v4 =	vshll.u32 v4, v17;
	v1 =	vld [tilespmem:$0x1FB70]  }
0x445: {  	v56 =	vmov s9;
	v2 =	vbroadcast v4, $0x0  }
0x446: {  	v7 =	vshrl.u32 v56, $0x3;
	v10 =	vadd.s32 v34, v3;
	v28 =	vbroadcast v16, $0x0  }
0x447: {  	s13 =	simm.s32 $0x37;
	v7 =	vshll.u32 v7, v17;
	v16 =	vadd.s32 v63, v3;
	v24 =	vadd.s32 v42, v2;
	v4 =	vld [tilespmem:s24+$0xFFFFFFC0]  }
0x448: {  	v25 =	vadd.s32 v49, v28;
	v18 =	vmov s13;
	v30 =	vadd.s32 v34, v6;
	v29 =	vld [tilespmem:s25+$0x130]  }
0x449: {  	v19 =	vadd.s32 v5, v2;
	v27 =	vbroadcast v7, $0x0;
	v13 =	vadd.s32 v58, v3;
	v3 =	vld [tilespmem:s26+$0x80]  }
0x44a: {  	v34 =	vshrl.u32 v18, $0x3;
	v21 =	vld [tilespmem:s24+$0x1E0];
	v18 =	vadd.s32 v43, v2;
	v2 =	vadd.s32 v55, v2  }
0x44b: {  	v23 =	vadd.s32 v36, v31;
	v44 =	vld [tilespmem:s26+$0xFFFFFE80];
	[tilespmem:$0x1FB60] =	vst v2  }
0x44c: {  	[tilespmem:v1+s19+$0x0] =	vst.idx.msk $0xffff, v4;
	v1 =	vadd.s32 v37, v27  }
0x44d: {  	v58 =	vld [tilespmem:s25+$0xFFFFFF30];
	[tilespmem:$0x1FB80] =	vst v1  }
0x44e: {  	[tilespmem:v25+s19+$0x0] =	vst.idx.msk $0xffff, v3  }
0x44f: {  	[tilespmem:v30+s19+$0x0] =	vst.idx.msk $0xffff, v29  }
0x450: {  	[tilespmem:v23+s19+$0x0] =	vst.idx.msk $0xffff, v21  }
0x451: {  	[tilespmem:v54+s19+$0x0] =	vst.idx.msk $0xffff, v44  }
0x452: {  	v4 =	vld [tilespmem:$0x1FB90];
	_ =	sdelay $0x7  }
0x453: {  	[tilespmem:v4+s19+$0x0] =	vst.idx.msk $0xffff, v58  }
0x454: {  	v4 =	vld [tilespmem:$0x1FBA0];
	_ =	sdelay $0x1  }
0x455: {  	s20 =	simm.s32 $0x2D  }
0x456: {  	v6 =	vshll.u32 v34, v17;
	v1 =	vmov s20;
	v61 =	vld [tilespmem:s24+$0xFFFFFFD0]  }
0x457: {  	v63 =	vadd.s32 v35, v27;
	v56 =	vbroadcast v6, $0x0;
	v1 =	vshrl.u32 v1, $0x3;
	v35 =	vld [tilespmem:s26+$0x90]  }
0x458: {  	v32 =	vmovc v36;
	v36 =	vadd.s32 v9, v28;
	v53 =	vadd.s32 v38, v27;
	v25 =	vshll.u32 v1, v17;
	v29 =	vld [tilespmem:s25+$0x140]  }
0x459: {  	v2 =	vadd.s32 v26, v56;
	v3 =	vadd.s32 v41, v27;
	v34 =	vld [tilespmem:s26+$0xFFFFFE90];
	v27 =	vbroadcast v25, $0x0  }
0x45a: {  	s30 =	simm.s32 $0x2F;
	s29 =	simm.s32 $0x3F;
	v26 =	vadd.s32 v39, v31;
	v23 =	vadd.s32 v32, v56;
	v21 =	vadd.s32 v39, v56;
	v25 =	vld [tilespmem:s24+$0x1F0]  }
0x45b: {  	s31 =	simm.s32 $0x6;
	s28 =	simm.s32 $0xF600;
	s1 =	simm.s32 $0x4F;
	v1 =	vadd.s32 v57, v56;
	v32 =	vadd.s32 v42, v27;
	v31 =	vld [tilespmem:s25+$0xFFFFFF40];
	[tilespmem:v4+s19+$0x0] =	vst.idx.msk $0xffff, v61  }
.LBB2_13:
0x45c: {  	_ =	sdelay $0x2  }
0x45d: {  	s0 =	sadd.s32 $0xFFFFFFF1, s1;
	s5 =	sadd.s32 $0xFFFFFFF9, s1  }
0x45e: {  	v30 =	vmov s0;
	v44 =	vmov s5;
	[tilespmem:v36+s19+$0x0] =	vst.idx.msk $0xffff, v35  }
0x45f: {  	v36 =	vld [tilespmem:s26+$0xA0];
	[tilespmem:v32+s19+$0x0] =	vst.idx.msk $0xffff, v29;
	v29 =	vshrl.u32 v30, $0x3;
	v30 =	vshrl.u32 v44, $0x3  }
0x460: {  	v32 =	vld [tilespmem:s25+$0x150];
	[tilespmem:v26+s19+$0x0] =	vst.idx.msk $0xffff, v25;
	v25 =	vshll.u32 v29, v17;
	v29 =	vshll.u32 v30, v17  }
0x461: {  	v30 =	vbroadcast v29, $0x0;
	v29 =	vld [tilespmem:$0x1FA70];
	_ =	sdelay $0x2  }
0x462: {  	v33 =	vld [tilespmem:s24+$0xFFFFFFE0]  }
0x463: {  	s13 =	sadd.s32 $0xFFFFFFF2, s1;
	v56 =	vld [tilespmem:$0x1FFA0]  }
0x464: {  	v55 =	vld [tilespmem:$0x1FF00];
	[tilespmem:v22+s19+$0x0] =	vst.idx.msk $0xffff, v34;
	v26 =	vmov s13  }
0x465: {  	v22 =	vbroadcast v25, $0x0;
	v25 =	vshrl.u32 v26, $0x3;
	v26 =	vld [tilespmem:s26+$0xFFFFFEA0];
	[tilespmem:v62+s19+$0x0] =	vst.idx.msk $0xffff, v31  }
0x466: {  	v38 =	vld [tilespmem:s25+$0xFFFFFF50]  }
0x467: {  	[tilespmem:v29+s19+$0x0] =	vst.idx.msk $0xffff, v33;
	v29 =	vmov v23;
	v23 =	vld [tilespmem:$0x1FDE0];
	_ =	sdelay $0x1  }
0x468: {  	v54 =	vld [tilespmem:$0x1FF70];
	v37 =	vadd.s32 v56, v28  }
0x469: {  	v7 =	vmov v53;
	v53 =	vld [tilespmem:$0x1FEC0]  }
0x46a: {  	v9 =	vld [tilespmem:$0x1FE90];
	v57 =	vadd.s32 v55, v27  }
0x46b: {  	s26 =	sadd.s32 $0x400, s26;
	v62 =	vadd.s32 v23, v30;
	v23 =	vld [tilespmem:$0x1FA50]  }
0x46c: {  	v39 =	vld [tilespmem:s26+$0x0]  }
0x46d: {  	v31 =	vld [tilespmem:$0x1FAF0];
	[tilespmem:v37+s19+$0x0] =	vst.idx.msk $0xffff, v36  }
0x46e: {  	[tilespmem:$0x1FAF0] =	vst v29;
	v29 =	vld [tilespmem:$0x1FA60]  }
0x46f: {  	v37 =	vld [tilespmem:s28+$0xB0];
	[tilespmem:v57+s19+$0x0] =	vst.idx.msk $0xffff, v32  }
0x470: {  	v32 =	vld [tilespmem:s25+$0x160]  }
0x471: {  	[tilespmem:v62+s19+$0x0] =	vst.idx.msk $0xffff, v39;
	v62 =	vld [tilespmem:$0x1FF80]  }
0x472: {  	s20 =	sadd.s32 $0xFFFFFFF4, s1;
	v41 =	vadd.s32 v54, v28;
	v34 =	vld [tilespmem:s26+$0x10]  }
0x473: {  	v58 =	vmov s20;
	s20 =	sadd.s32 $0xFFFFFFFC, s29;
	[tilespmem:v23+s19+$0x0] =	vst.idx.msk $0xffff, v29;
	v29 =	vld [tilespmem:$0x1FA80]  }
0x474: {  	v28 =	vmov s20;
	v42 =	vadd.s32 v53, v27;
	v43 =	vld [tilespmem:s26+$0xFFFFFE00]  }
0x475: {  	v8 =	vmov v63;
	[tilespmem:v20+s19+$0x0] =	vst.idx.msk $0xffff, v26;
	v20 =	vshrl.u32 v28, $0x3;
	v26 =	vld [tilespmem:$0x1FB00]  }
0x476: {  	v63 =	vmovc v24;
	v24 =	vshll.u32 v25, v17;
	v61 =	vadd.s32 v40, v22;
	v44 =	vld [tilespmem:s28+$0xFFFFFEB0];
	v20 =	vshll.u32 v20, v17  }
0x477: {  	v24 =	vbroadcast v24, $0x0;
	v4 =	vmovc v31;
	v57 =	vadd.s32 v45, v30;
	[tilespmem:v41+s19+$0x0] =	vst.idx.msk $0xffff, v37;
	v39 =	vbroadcast v20, $0x0;
	v20 =	vld [tilespmem:s24+$0xFFFFFFF0];
	s24 =	smov.u32 s25;
	s25 =	smov.u32 s28  }
0x478: {  	s9 =	sadd.s32 $0xFFFFFFF3, s1;
	[tilespmem:$0x1FA70] =	vst v4;
	v37 =	vld [tilespmem:s25+$0xC0]  }
0x479: {  	v25 =	vmov s9;
	[tilespmem:v42+s19+$0x0] =	vst.idx.msk $0xffff, v32;
	v23 =	vmov v29;
	v29 =	vadd.s32 v52, v24;
	v52 =	vld [tilespmem:$0x1FEE0]  }
0x47a: {  	v25 =	vshrl.u32 v25, $0x3;
	v31 =	vadd.s32 v51, v24;
	[tilespmem:$0x1FA50] =	vst v23;
	v23 =	vadd.s32 v48, v22;
	v48 =	vld [tilespmem:s24+$0x170]  }
0x47b: {  	v4 =	vshll.u32 v25, v17;
	v28 =	vadd.s32 v50, v24;
	[tilespmem:v61+s19+$0x0] =	vst.idx.msk $0xffff, v43;
	v61 =	vld [tilespmem:$0x1FF90]  }
0x47c: {  	v5 =	vmov v26;
	v26 =	vadd.s32 v47, v24;
	v24 =	vbroadcast v4, $0x0;
	[tilespmem:v57+s19+$0x0] =	vst.idx.msk $0xffff, v34;
	v57 =	vld [tilespmem:$0x1FF10]  }
0x47d: {  	v6 =	vadd.s32 v62, v39;
	v43 =	vld [tilespmem:s26+$0x20]  }
0x47e: {  	v25 =	vadd.s32 v49, v24;
	v49 =	vld [tilespmem:s26+$0xFFFFFE10];
	[tilespmem:v15+s19+$0x0] =	vst.idx.msk $0xffff, v44  }
0x47f: {  	[tilespmem:$0x1FA60] =	vst v20;
	v20 =	vshrl.u32 v58, $0x3;
	v44 =	vld [tilespmem:s25+$0xFFFFFEC0]  }
0x480: {  	s20 =	sadd.s32 $0xFFFFFFFF, s30;
	v36 =	vadd.s32 v45, v22;
	[tilespmem:$0x1FA80] =	vst v5;
	v20 =	vshll.u32 v20, v17;
	v5 =	vmov v2;
	v2 =	vld [tilespmem:$0x1FFE0]  }
0x481: {  	v58 =	vmov s20;
	[tilespmem:v0+s19+$0x0] =	vst.idx.msk $0xffff, v38;
	v50 =	vbroadcast v20, $0x0;
	v20 =	vadd.s32 v56, v24;
	v56 =	vld [tilespmem:$0x1FFB0]  }
0x482: {  	v0 =	vshrl.u32 v58, $0x3;
	[tilespmem:v6+s19+$0x0] =	vst.idx.msk $0xffff, v37;
	v6 =	vmov v3;
	v3 =	vld [tilespmem:$0x1FFF0]  }
0x483: {  	v15 =	vadd.s32 v54, v24;
	v27 =	vadd.s32 v52, v27;
	v0 =	vshll.u32 v0, v17;
	v54 =	vld [tilespmem:s25+$0xD0]  }
0x484: {  	v35 =	vadd.s32 v46, v22;
	v45 =	vadd.s32 v46, v30;
	v22 =	vmovc v21;
	v37 =	vbroadcast v0, $0x0;
	v0 =	vld [tilespmem:$0x1FFD0]  }
0x485: {  	[tilespmem:$0x1FB00] =	vst v22;
	v22 =	vadd.s32 v9, v24;
	v24 =	vadd.s32 v62, v50;
	v62 =	vld [tilespmem:s24+$0xFFFFFF60]  }
0x486: {  	v47 =	vadd.s32 v61, v39;
	v38 =	vadd.s32 v61, v50;
	v61 =	vmov v18;
	v18 =	vld [tilespmem:$0x1FE30];
	[tilespmem:v36+s19+$0x0] =	vst.idx.msk $0xffff, v49  }
0x487: {  	s8 =	sadd.s32 $0xFFFFFFF5, s1;
	v42 =	vld [tilespmem:s26+$0xFFFFFE20];
	[tilespmem:v11+s19+$0x0] =	vst.idx.msk $0xffff, v44  }
0x488: {  	v21 =	vmov s8;
	[tilespmem:v27+s19+$0x0] =	vst.idx.msk $0xffff, v48;
	v48 =	vld [tilespmem:s25+$0xFFFFFED0]  }
0x489: {  	v21 =	vshrl.u32 v21, $0x3;
	v33 =	vld [tilespmem:s24+$0x180];
	[tilespmem:v45+s19+$0x0] =	vst.idx.msk $0xffff, v43  }
0x48a: {  	v4 =	vmov v1;
	v1 =	vmov v19;
	v19 =	vshll.u32 v21, v17;
	[tilespmem:v60+s19+$0x0] =	vst.idx.msk $0xffff, v62;
	v62 =	vld [tilespmem:$0x1FFC0]  }
0x48b: {  	s5 =	sadd.s32 $0xFFFFFFF6, s1;
	v19 =	vbroadcast v19, $0x0;
	v45 =	vld [tilespmem:s26+$0x30]  }
0x48c: {  	s13 =	sadd.s32 $0xFFFFFFF7, s1;
	v41 =	vadd.s32 v2, v50;
	v40 =	vadd.s32 v56, v50;
	v50 =	vmov s5;
	[tilespmem:v47+s19+$0x0] =	vst.idx.msk $0xffff, v54;
	v54 =	vld [tilespmem:$0x1FEB0]  }
0x48d: {  	v58 =	vadd.s32 v57, v37;
	v27 =	vmov s13;
	v21 =	vshrl.u32 v50, $0x3  }
0x48e: {  	s8 =	sadd.s32 $0xFFFFFFFA, s1;
	v32 =	vadd.s32 v3, v19;
	v44 =	vshrl.u32 v27, $0x3;
	v21 =	vshll.u32 v21, v17  }
0x48f: {  	v60 =	vadd.s32 v18, v30;
	v18 =	vmov s8;
	v21 =	vbroadcast v21, $0x0  }
0x490: {  	v27 =	vadd.s32 v0, v19;
	v18 =	vshrl.u32 v18, $0x3;
	v34 =	vadd.s32 v62, v19  }
0x491: {  	v30 =	vadd.s32 v54, v19;
	v19 =	vadd.s32 v55, v21;
	v55 =	vshll.u32 v18, v17;
	v18 =	vld [tilespmem:$0x1FB10]  }
0x492: {  	v47 =	vadd.s32 v56, v39;
	v56 =	vld [tilespmem:$0x1FEF0]  }
0x493: {  	v39 =	vadd.s32 v2, v39;
	v2 =	vld [tilespmem:$0x1FB80]  }
0x494: {  	v46 =	vld [tilespmem:s25+$0xE0]  }
0x495: {  	[tilespmem:v58+s19+$0x0] =	vst.idx.msk $0xffff, v33;
	v58 =	vld [tilespmem:$0x1FF20]  }
0x496: {  	v43 =	vld [tilespmem:s24+$0xFFFFFF70];
	[tilespmem:v35+s19+$0x0] =	vst.idx.msk $0xffff, v42  }
0x497: {  	v36 =	vld [tilespmem:s26+$0xFFFFFE30]  }
0x498: {  	v33 =	vld [tilespmem:s24+$0x190];
	[tilespmem:v60+s19+$0x0] =	vst.idx.msk $0xffff, v45  }
0x499: {  	[tilespmem:v18+s19+$0x0] =	vst.idx.msk $0xffff, v48;
	v18 =	vmov v38;
	v48 =	vld [tilespmem:s26+$0x40]  }
0x49a: {  	s0 =	sadd.s32 $0xFFFFFFF8, s1;
	v35 =	vadd.s32 v58, v37;
	[tilespmem:$0x1FB10] =	vst v18;
	v42 =	vld [tilespmem:s25+$0xFFFFFEE0]  }
0x49b: {  	v11 =	vmov v24;
	v24 =	vmov s0;
	v18 =	vadd.s32 v53, v21;
	[tilespmem:v59+s19+$0x0] =	vst.idx.msk $0xffff, v43;
	v53 =	vld [tilespmem:$0x1FB60]  }
0x49c: {  	v49 =	vshrl.u32 v24, $0x3;
	v24 =	vadd.s32 v56, v21;
	[tilespmem:v47+s19+$0x0] =	vst.idx.msk $0xffff, v46;
	v21 =	vadd.s32 v52, v21;
	v45 =	vld [tilespmem:s24+$0xFFFFFF80]  }
0x49d: {  	v38 =	vbroadcast v55, $0x0;
	v59 =	vshll.u32 v44, v17;
	v55 =	vmov v21;
	v21 =	vld [tilespmem:s25+$0xF0]  }
0x49e: {  	v52 =	vshll.u32 v49, v17;
	v43 =	vbroadcast v59, $0x0;
	v59 =	vld [tilespmem:$0x1FF30]  }
0x49f: {  	s9 =	sadd.s32 $0xFFFFFFFD, s29;
	v44 =	vbroadcast v52, $0x0;
	[tilespmem:v35+s19+$0x0] =	vst.idx.msk $0xffff, v33;
	v52 =	vld [tilespmem:$0x1FE50]  }
0x4a0: {  	[tilespmem:v23+s19+$0x0] =	vst.idx.msk $0xffff, v36;
	v23 =	vmov s9;
	v36 =	vld [tilespmem:s24+$0x1A0]  }
0x4a1: {  	v47 =	vld [tilespmem:s26+$0xFFFFFE40];
	[tilespmem:v12+s19+$0x0] =	vst.idx.msk $0xffff, v42;
	v12 =	vshrl.u32 v23, $0x3  }
0x4a2: {  	v49 =	vadd.s32 v51, v38;
	v23 =	vshll.u32 v12, v17;
	v12 =	vld [tilespmem:$0x1FA90]  }
0x4a3: {  	[tilespmem:$0x1FB60] =	vst v55;
	v55 =	vld [tilespmem:$0x1FED0]  }
0x4a4: {  	v35 =	vadd.s32 v57, v43;
	v57 =	vld [tilespmem:$0x1FF40]  }
0x4a5: {  	v60 =	vmov v53;
	v53 =	vld [tilespmem:$0x1FEA0]  }
0x4a6: {  	v50 =	vadd.s32 v58, v43;
	v58 =	vld [tilespmem:$0x1FF50]  }
0x4a7: {  	v46 =	vadd.s32 v59, v37;
	v51 =	vadd.s32 v59, v43;
	[tilespmem:v49+s19+$0x0] =	vst.idx.msk $0xffff, v48;
	v59 =	vld [tilespmem:$0x1FF60]  }
0x4a8: {  	v49 =	vld [tilespmem:s26+$0x50];
	[tilespmem:v39+s19+$0x0] =	vst.idx.msk $0xffff, v21;
	v21 =	vmov v2;
	v2 =	vmov v35  }
0x4a9: {  	[tilespmem:$0x1FB80] =	vst v2;
	v2 =	vld [tilespmem:$0x1FB30]  }
0x4aa: {  	v42 =	vadd.s32 v53, v43;
	v43 =	vld [tilespmem:s25+$0xFFFFFEF0];
	[tilespmem:v12+s19+$0x0] =	vst.idx.msk $0xffff, v45  }
0x4ab: {  	v48 =	vld [tilespmem:s24+$0xFFFFFF90]  }
0x4ac: {  	v45 =	vbroadcast v23, $0x0;
	[tilespmem:v31+s19+$0x0] =	vst.idx.msk $0xffff, v47;
	v47 =	vld [tilespmem:$0x1FAA0]  }
0x4ad: {  	v52 =	vadd.s32 v52, v38;
	v33 =	vadd.s32 v58, v44;
	[tilespmem:$0x1FA90] =	vst v21;
	v21 =	vadd.s32 v55, v44  }
0x4ae: {  	v39 =	vld [tilespmem:s25+$0x100];
	v12 =	vmovc v40;
	v40 =	vadd.s32 v57, v44;
	v23 =	vadd.s32 v59, v44;
	v44 =	vadd.s32 v62, v45;
	_ =	sdelay $0x1  }
0x4af: {  	[tilespmem:v46+s19+$0x0] =	vst.idx.msk $0xffff, v36;
	v36 =	vld [tilespmem:s26+$0xFFFFFE50]  }
0x4b0: {  	v35 =	vadd.s32 v53, v37;
	v31 =	vld [tilespmem:s24+$0x1B0];
	[tilespmem:v2+s19+$0x0] =	vst.idx.msk $0xffff, v43  }
0x4b1: {  	v46 =	vmov s30;
	[tilespmem:v52+s19+$0x0] =	vst.idx.msk $0xffff, v49;
	v2 =	vmov v41;
	v41 =	vld [tilespmem:s25+$0xFFFFFF00]  }
0x4b2: {  	v37 =	vshrl.u32 v46, $0x3;
	v46 =	vld [tilespmem:s26+$0x60];
	[tilespmem:v44+s19+$0x0] =	vst.idx.msk $0xffff, v39  }
0x4b3: {  	v39 =	vld [tilespmem:s25+$0x110];
	[tilespmem:v47+s19+$0x0] =	vst.idx.msk $0xffff, v48  }
0x4b4: {  	v53 =	vld [tilespmem:s24+$0xFFFFFFA0];
	[tilespmem:v29+s19+$0x0] =	vst.idx.msk $0xffff, v36  }
0x4b5: {  	[tilespmem:v35+s19+$0x0] =	vst.idx.msk $0xffff, v31;
	v35 =	vld [tilespmem:s26+$0xFFFFFE60]  }
0x4b6: {  	[tilespmem:v14+s19+$0x0] =	vst.idx.msk $0xffff, v41;
	v41 =	vld [tilespmem:$0x1FAB0];
	_ =	sdelay $0x5  }
0x4b7: {  	v37 =	vshll.u32 v37, v17  }
0x4b8: {  	v37 =	vbroadcast v37, $0x0;
	v62 =	vmov v63;
	v63 =	vmov v50;
	v50 =	vld [tilespmem:$0x1FE60]  }
0x4b9: {  	s13 =	sadd.s32 $0xFFFFFFFB, s1;
	v14 =	vmov v34;
	v34 =	vld [tilespmem:s25+$0xFFFFFF10];
	[tilespmem:v41+s19+$0x0] =	vst.idx.msk $0xffff, v53  }
0x4ba: {  	v31 =	vadd.s32 v57, v37;
	v57 =	vmov s13;
	v36 =	vld [tilespmem:s24+$0xFFFFFFB0]  }
0x4bb: {  	[tilespmem:v28+s19+$0x0] =	vst.idx.msk $0xffff, v35;
	v28 =	vshrl.u32 v57, $0x3;
	v57 =	vld [tilespmem:$0x1FAC0];
	_ =	sdelay $0x1  }
0x4bc: {  	v47 =	vadd.s32 v50, v38;
	_ =	sdelay $0x1  }
0x4bd: {  	v35 =	vld [tilespmem:s26+$0xFFFFFE70]  }
0x4be: {  	v29 =	vld [tilespmem:s24+$0x1C0];
	[tilespmem:v16+s19+$0x0] =	vst.idx.msk $0xffff, v34  }
0x4bf: {  	v16 =	vmov v32;
	v32 =	vld [tilespmem:s25+$0xFFFFFF20]  }
0x4c0: {  	v44 =	vadd.s32 v3, v45;
	[tilespmem:v47+s19+$0x0] =	vst.idx.msk $0xffff, v46;
	v47 =	vld [tilespmem:$0x1FE70]  }
0x4c1: {  	v49 =	vld [tilespmem:$0x1FE80];
	[tilespmem:v57+s19+$0x0] =	vst.idx.msk $0xffff, v36  }
0x4c2: {  	v34 =	vld [tilespmem:s24+$0xFFFFFFC0];
	[tilespmem:v26+s19+$0x0] =	vst.idx.msk $0xffff, v35  }
0x4c3: {  	v57 =	vld [tilespmem:s26+$0xFFFFFE80]  }
0x4c4: {  	[tilespmem:v13+s19+$0x0] =	vst.idx.msk $0xffff, v32;
	v13 =	vmov v27;
	v27 =	vld [tilespmem:$0x1FAD0]  }
0x4c5: {  	v41 =	vld [tilespmem:s26+$0x70];
	v38 =	vadd.s32 v47, v38;
	[tilespmem:v44+s19+$0x0] =	vst.idx.msk $0xffff, v39  }
0x4c6: {  	v53 =	vmov v7;
	v7 =	vadd.s32 v0, v45;
	v43 =	vld [tilespmem:s25+$0x120]  }
0x4c7: {  	v52 =	vld [tilespmem:$0x1FE50];
	[tilespmem:$0x1FB30] =	vst v2  }
0x4c8: {  	v2 =	vmov v40;
	v40 =	vld [tilespmem:$0x1FDE0];
	[tilespmem:v31+s19+$0x0] =	vst.idx.msk $0xffff, v29;
	v31 =	vadd.s32 v58, v37;
	v58 =	vmov v6  }
0x4c9: {  	v29 =	vld [tilespmem:s24+$0x1D0];
	[tilespmem:$0x1FAC0] =	vst v58  }
0x4ca: {  	[tilespmem:v38+s19+$0x0] =	vst.idx.msk $0xffff, v41;
	v58 =	vld [tilespmem:s25+$0xFFFFFF30]  }
0x4cb: {  	v28 =	vshll.u32 v28, v17;
	v36 =	vld [tilespmem:s26+$0x80];
	[tilespmem:v7+s19+$0x0] =	vst.idx.msk $0xffff, v43  }
0x4cc: {  	v28 =	vbroadcast v28, $0x0;
	v7 =	vadd.s32 v54, v45;
	v6 =	vld [tilespmem:s25+$0x130];
	[tilespmem:v27+s19+$0x0] =	vst.idx.msk $0xffff, v34  }
0x4cd: {  	v54 =	vadd.s32 v59, v37;
	v59 =	vmov v60;
	v60 =	vmov v61;
	v61 =	vld [tilespmem:s24+$0xFFFFFFD0];
	[tilespmem:v25+s19+$0x0] =	vst.idx.msk $0xffff, v57  }
0x4ce: {  	v38 =	vadd.s32 v49, v28;
	[tilespmem:v31+s19+$0x0] =	vst.idx.msk $0xffff, v29;
	v34 =	vld [tilespmem:s26+$0xFFFFFE90]  }
0x4cf: {  	[tilespmem:v10+s19+$0x0] =	vst.idx.msk $0xffff, v58;
	v10 =	vmov v30;
	v30 =	vld [tilespmem:$0x1FAE0]  }
0x4d0: {  	v48 =	vmov v8;
	v31 =	vld [tilespmem:s24+$0x1E0]  }
0x4d1: {  	s30 =	smov.u32 s29;
	[tilespmem:$0x1FAA0] =	vst v48;
	v48 =	vld [tilespmem:$0x1FE30]  }
0x4d2: {  	s31 =	sadd.s32 $0x2, s31;
	s20 =	sadd.s32 $0xFFFFFFFE, s30;
	v46 =	vld [tilespmem:$0x1FE20];
	[tilespmem:$0x1FAB0] =	vst v53  }
0x4d3: {  	p0 =	slt.u32 s31, $0xE;
	v53 =	vmov v51;
	v51 =	vld [tilespmem:$0x1FE40];
	v26 =	vmov s20;
	[tilespmem:v38+s19+$0x0] =	vst.idx.msk $0xffff, v36  }
.Ltmp8:
0x4d4: {  	v26 =	vshrl.u32 v26, $0x3;
	v35 =	vld [tilespmem:s26+$0x90];
	[tilespmem:v7+s19+$0x0] =	vst.idx.msk $0xffff, v6;
	(pc) =	sbr.rel @p0 .LBB2_13-.Ltmp8, $4  }
0x4d5: {  	v26 =	vshll.u32 v26, v17;
	v29 =	vld [tilespmem:s25+$0x140];
	[tilespmem:v54+s19+$0x0] =	vst.idx.msk $0xffff, v31;
	v27 =	vmov v5  }
0x4d6: {  	v45 =	vld [tilespmem:$0x1FE10];
	[tilespmem:$0x1FAD0] =	vst v27;
	v27 =	vbroadcast v26, $0x0  }
0x4d7: {  	v3 =	vmovc v42;
	v0 =	vmov v1;
	v1 =	vmov v33;
	v31 =	vld [tilespmem:s25+$0xFFFFFF40];
	[tilespmem:v30+s19+$0x0] =	vst.idx.msk $0xffff, v61;
	v30 =	vmov v4  }
0x4d8: {  	s28 =	smov.u32 s26;
	s29 =	smov.u32 s1;
	s1 =	sadd.s32 $0x10, s1;
	v36 =	vadd.s32 v9, v28;
	v25 =	vld [tilespmem:s24+$0x1F0];
	v26 =	vadd.s32 v55, v37;
	v32 =	vadd.s32 v56, v27;
	[tilespmem:$0x1FAE0] =	vst v30  }
0x4d9: {  	_ =	sdelay $0x3  }
0x4da: {  	[tilespmem:v36+s19+$0x0] =	vst.idx.msk $0xffff, v35  }
0x4db: {  	v39 =	vld [tilespmem:$0x1FFA0];
	_ =	sdelay $0x4  }
0x4dc: {  	v30 =	vld [tilespmem:s26+$0xA0];
	v33 =	vadd.s32 v39, v28;
	_ =	sdelay $0x3  }
0x4dd: {  	[tilespmem:v22+s19+$0x0] =	vst.idx.msk $0xffff, v34  }
0x4de: {  	[tilespmem:v33+s19+$0x0] =	vst.idx.msk $0xffff, v30  }
0x4df: {  	v36 =	vld [tilespmem:$0x1FF70];
	_ =	sdelay $0x3  }
0x4e0: {  	v22 =	vld [tilespmem:s26+$0xFFFFFEA0]  }
0x4e1: {  	v30 =	vld [tilespmem:s28+$0xB0];
	v28 =	vadd.s32 v36, v28;
	_ =	sdelay $0x3  }
0x4e2: {  	[tilespmem:v20+s19+$0x0] =	vst.idx.msk $0xffff, v22  }
0x4e3: {  	s0 =	sadd.s32 $0xFFFFFFFC, s29;
	[tilespmem:v28+s19+$0x0] =	vst.idx.msk $0xffff, v30  }
0x4e4: {  	v20 =	vmov s0;
	v34 =	vld [tilespmem:$0x1FF80]  }
0x4e5: {  	v20 =	vshrl.u32 v20, $0x3  }
0x4e6: {  	v20 =	vshll.u32 v20, v17  }
0x4e7: {  	v20 =	vbroadcast v20, $0x0  }
0x4e8: {  	v22 =	vld [tilespmem:s28+$0xFFFFFEB0]  }
0x4e9: {  	v28 =	vld [tilespmem:s28+$0xC0];
	v30 =	vadd.s32 v34, v20;
	_ =	sdelay $0x3  }
0x4ea: {  	[tilespmem:v15+s19+$0x0] =	vst.idx.msk $0xffff, v22  }
0x4eb: {  	[tilespmem:v30+s19+$0x0] =	vst.idx.msk $0xffff, v28  }
0x4ec: {  	v42 =	vld [tilespmem:$0x1FF90];
	_ =	sdelay $0x3  }
0x4ed: {  	v15 =	vld [tilespmem:s28+$0xFFFFFEC0]  }
0x4ee: {  	v22 =	vld [tilespmem:s28+$0xD0];
	v28 =	vadd.s32 v42, v20;
	_ =	sdelay $0x3  }
0x4ef: {  	[tilespmem:v11+s19+$0x0] =	vst.idx.msk $0xffff, v15  }
0x4f0: {  	[tilespmem:v28+s19+$0x0] =	vst.idx.msk $0xffff, v22  }
0x4f1: {  	v33 =	vld [tilespmem:$0x1FFB0]  }
0x4f2: {  	v4 =	vld [tilespmem:$0x1FB10];
	_ =	sdelay $0x2  }
0x4f3: {  	v11 =	vld [tilespmem:s28+$0xFFFFFED0]  }
0x4f4: {  	v15 =	vld [tilespmem:s28+$0xE0];
	v22 =	vadd.s32 v33, v20;
	_ =	sdelay $0x3  }
0x4f5: {  	[tilespmem:v4+s19+$0x0] =	vst.idx.msk $0xffff, v11  }
0x4f6: {  	[tilespmem:v22+s19+$0x0] =	vst.idx.msk $0xffff, v15  }
0x4f7: {  	v58 =	vld [tilespmem:$0x1FFE0];
	_ =	sdelay $0x3  }
0x4f8: {  	v9 =	vld [tilespmem:s28+$0xFFFFFEE0]  }
0x4f9: {  	v55 =	vld [tilespmem:s28+$0xF0];
	v15 =	vadd.s32 v58, v20;
	_ =	sdelay $0x3  }
0x4fa: {  	[tilespmem:v12+s19+$0x0] =	vst.idx.msk $0xffff, v9  }
0x4fb: {  	s26 =	sadd.s32 $0xFFFFFFFD, s29;
	[tilespmem:v15+s19+$0x0] =	vst.idx.msk $0xffff, v55  }
0x4fc: {  	v61 =	vmov s26;
	v57 =	vld [tilespmem:$0x1FFC0]  }
0x4fd: {  	v9 =	vshrl.u32 v61, $0x3;
	v4 =	vld [tilespmem:$0x1FB30]  }
0x4fe: {  	v9 =	vshll.u32 v9, v17  }
0x4ff: {  	v9 =	vbroadcast v9, $0x0  }
0x500: {  	v12 =	vld [tilespmem:s28+$0xFFFFFEF0]  }
0x501: {  	v11 =	vld [tilespmem:s28+$0x100];
	v15 =	vadd.s32 v57, v9;
	_ =	sdelay $0x3  }
0x502: {  	[tilespmem:v4+s19+$0x0] =	vst.idx.msk $0xffff, v12  }
0x503: {  	[tilespmem:v15+s19+$0x0] =	vst.idx.msk $0xffff, v11  }
0x504: {  	v41 =	vld [tilespmem:$0x1FFF0];
	_ =	sdelay $0x3  }
0x505: {  	v8 =	vld [tilespmem:s28+$0xFFFFFF00]  }
0x506: {  	v11 =	vld [tilespmem:s28+$0x110];
	v4 =	vadd.s32 v41, v9;
	_ =	sdelay $0x3  }
0x507: {  	[tilespmem:v14+s19+$0x0] =	vst.idx.msk $0xffff, v8  }
0x508: {  	[tilespmem:v4+s19+$0x0] =	vst.idx.msk $0xffff, v11  }
0x509: {  	v37 =	vld [tilespmem:$0x1FFD0];
	_ =	sdelay $0x3  }
0x50a: {  	v8 =	vld [tilespmem:s28+$0xFFFFFF10]  }
0x50b: {  	v11 =	vld [tilespmem:s28+$0x120];
	v5 =	vadd.s32 v37, v9;
	_ =	sdelay $0x3  }
0x50c: {  	[tilespmem:v16+s19+$0x0] =	vst.idx.msk $0xffff, v8  }
0x50d: {  	v8 =	vld [tilespmem:s28+$0xFFFFFF20];
	[tilespmem:v5+s19+$0x0] =	vst.idx.msk $0xffff, v11  }
0x50e: {  	v22 =	vld [tilespmem:$0x1FEB0];
	_ =	sdelay $0x4  }
0x50f: {  	v11 =	vld [tilespmem:s28+$0x130];
	[tilespmem:v13+s19+$0x0] =	vst.idx.msk $0xffff, v8;
	v9 =	vadd.s32 v22, v9  }
0x510: {  	v35 =	vld [tilespmem:s28+$0xFFFFFF30];
	_ =	sdelay $0x3  }
0x511: {  	[tilespmem:v9+s19+$0x0] =	vst.idx.msk $0xffff, v11  }
0x512: {  	s31 =	sadd.s32 $0xFFFFFFFE, s29;
	v28 =	vld [tilespmem:$0x1FEF0];
	[tilespmem:v10+s19+$0x0] =	vst.idx.msk $0xffff, v35  }
0x513: {  	v14 =	vmov s31;
	[tilespmem:v32+s19+$0x0] =	vst.idx.msk $0xffff, v29  }
0x514: {  	v8 =	vshrl.u32 v14, $0x3;
	v29 =	vld [tilespmem:$0x1FF00]  }
0x515: {  	v8 =	vshll.u32 v8, v17  }
0x516: {  	v8 =	vbroadcast v8, $0x0  }
0x517: {  	v10 =	vld [tilespmem:s28+$0xFFFFFF40]  }
0x518: {  	v9 =	vld [tilespmem:s28+$0x140];
	v38 =	vadd.s32 v28, v8  }
0x519: {  	v43 =	vld [tilespmem:s25+$0x150];
	v44 =	vadd.s32 v29, v27;
	_ =	sdelay $0x1  }
0x51a: {  	[tilespmem:v62+s19+$0x0] =	vst.idx.msk $0xffff, v31  }
0x51b: {  	[tilespmem:v24+s19+$0x0] =	vst.idx.msk $0xffff, v10  }
0x51c: {  	[tilespmem:v38+s19+$0x0] =	vst.idx.msk $0xffff, v9  }
0x51d: {  	[tilespmem:v44+s19+$0x0] =	vst.idx.msk $0xffff, v43  }
0x51e: {  	v24 =	vld [tilespmem:$0x1FEC0];
	_ =	sdelay $0x1  }
0x51f: {  	v55 =	vld [tilespmem:s25+$0xFFFFFF50]  }
0x520: {  	v14 =	vld [tilespmem:s28+$0xFFFFFF50]  }
0x521: {  	v54 =	vadd.s32 v29, v8;
	v9 =	vld [tilespmem:s28+$0x150]  }
0x522: {  	v12 =	vld [tilespmem:s25+$0x160];
	v56 =	vadd.s32 v24, v27;
	_ =	sdelay $0x1  }
0x523: {  	[tilespmem:v0+s19+$0x0] =	vst.idx.msk $0xffff, v55  }
0x524: {  	[tilespmem:v19+s19+$0x0] =	vst.idx.msk $0xffff, v14  }
0x525: {  	[tilespmem:v54+s19+$0x0] =	vst.idx.msk $0xffff, v9  }
0x526: {  	v61 =	vld [tilespmem:s28+$0x160];
	[tilespmem:v56+s19+$0x0] =	vst.idx.msk $0xffff, v12  }
0x527: {  	v62 =	vadd.s32 v24, v8;
	v54 =	vld [tilespmem:$0x1FEE0]  }
0x528: {  	v10 =	vld [tilespmem:s25+$0xFFFFFF60];
	_ =	sdelay $0x2  }
0x529: {  	v4 =	vld [tilespmem:s28+$0xFFFFFF60]  }
0x52a: {  	v12 =	vld [tilespmem:s25+$0x170];
	[tilespmem:v62+s19+$0x0] =	vst.idx.msk $0xffff, v61;
	v5 =	vadd.s32 v54, v27  }
0x52b: {  	[tilespmem:v60+s19+$0x0] =	vst.idx.msk $0xffff, v10;
	v9 =	vld [tilespmem:s28+$0x170];
	v8 =	vadd.s32 v54, v8  }
0x52c: {  	v10 =	vld [tilespmem:s25+$0xFFFFFF70];
	_ =	sdelay $0x1  }
0x52d: {  	[tilespmem:v18+s19+$0x0] =	vst.idx.msk $0xffff, v4  }
0x52e: {  	[tilespmem:v5+s19+$0x0] =	vst.idx.msk $0xffff, v12  }
0x52f: {  	s1 =	sadd.s32 $0xFFFFFFFF, s30;
	v30 =	vld [tilespmem:$0x1FF10];
	[tilespmem:v8+s19+$0x0] =	vst.idx.msk $0xffff, v9  }
0x530: {  	s5 =	sadd.s32 $0xFFFFFFFF, s29;
	v14 =	vmov s1;
	[tilespmem:v59+s19+$0x0] =	vst.idx.msk $0xffff, v10  }
0x531: {  	v32 =	vmov s5;
	v0 =	vshrl.u32 v14, $0x3;
	v4 =	vld [tilespmem:$0x1FB60]  }
0x532: {  	v11 =	vshrl.u32 v32, $0x3;
	v0 =	vshll.u32 v0, v17  }
0x533: {  	v11 =	vshll.u32 v11, v17;
	v0 =	vbroadcast v0, $0x0  }
0x534: {  	v11 =	vbroadcast v11, $0x0;
	v14 =	vld [tilespmem:s28+$0xFFFFFF70]  }
0x535: {  	v12 =	vld [tilespmem:s25+$0x180];
	v35 =	vadd.s32 v30, v0  }
0x536: {  	v8 =	vld [tilespmem:s28+$0x180];
	v38 =	vadd.s32 v30, v11;
	_ =	sdelay $0x2  }
0x537: {  	[tilespmem:v4+s19+$0x0] =	vst.idx.msk $0xffff, v14  }
0x538: {  	[tilespmem:v35+s19+$0x0] =	vst.idx.msk $0xffff, v12  }
0x539: {  	v31 =	vld [tilespmem:$0x1FF20];
	[tilespmem:v38+s19+$0x0] =	vst.idx.msk $0xffff, v8  }
0x53a: {  	v8 =	vld [tilespmem:$0x1FA90];
	_ =	sdelay $0x2  }
0x53b: {  	v7 =	vld [tilespmem:s25+$0xFFFFFF80];
	_ =	sdelay $0x4  }
0x53c: {  	[tilespmem:v8+s19+$0x0] =	vst.idx.msk $0xffff, v7  }
0x53d: {  	v4 =	vld [tilespmem:$0x1FB80];
	_ =	sdelay $0x1  }
0x53e: {  	v12 =	vld [tilespmem:s25+$0x190];
	v44 =	vadd.s32 v31, v0  }
0x53f: {  	v43 =	vld [tilespmem:s28+$0xFFFFFF80]  }
0x540: {  	v55 =	vld [tilespmem:s28+$0x190];
	v56 =	vadd.s32 v31, v11;
	_ =	sdelay $0x2  }
0x541: {  	[tilespmem:v44+s19+$0x0] =	vst.idx.msk $0xffff, v12  }
0x542: {  	[tilespmem:v4+s19+$0x0] =	vst.idx.msk $0xffff, v43  }
0x543: {  	v35 =	vld [tilespmem:$0x1FF30];
	[tilespmem:v56+s19+$0x0] =	vst.idx.msk $0xffff, v55  }
0x544: {  	v7 =	vld [tilespmem:$0x1FAA0];
	_ =	sdelay $0x1  }
0x545: {  	v59 =	vld [tilespmem:s28+$0xFFFFFF90]  }
0x546: {  	v6 =	vld [tilespmem:s25+$0xFFFFFF90]  }
0x547: {  	v60 =	vld [tilespmem:s25+$0x1A0];
	v61 =	vadd.s32 v35, v0  }
0x548: {  	v62 =	vld [tilespmem:s28+$0x1A0];
	v13 =	vadd.s32 v35, v11;
	_ =	sdelay $0x1  }
0x549: {  	[tilespmem:v63+s19+$0x0] =	vst.idx.msk $0xffff, v59  }
0x54a: {  	[tilespmem:v7+s19+$0x0] =	vst.idx.msk $0xffff, v6  }
0x54b: {  	[tilespmem:v61+s19+$0x0] =	vst.idx.msk $0xffff, v60  }
0x54c: {  	v44 =	vld [tilespmem:$0x1FEA0];
	[tilespmem:v13+s19+$0x0] =	vst.idx.msk $0xffff, v62  }
0x54d: {  	v7 =	vld [tilespmem:$0x1FAB0];
	_ =	sdelay $0x1  }
0x54e: {  	v14 =	vld [tilespmem:s28+$0xFFFFFFA0]  }
0x54f: {  	v5 =	vld [tilespmem:s25+$0xFFFFFFA0]  }
0x550: {  	v32 =	vld [tilespmem:s25+$0x1B0];
	v0 =	vadd.s32 v44, v0  }
0x551: {  	v43 =	vld [tilespmem:s28+$0x1B0];
	v55 =	vadd.s32 v44, v11;
	_ =	sdelay $0x1  }
0x552: {  	[tilespmem:v53+s19+$0x0] =	vst.idx.msk $0xffff, v14  }
0x553: {  	[tilespmem:v7+s19+$0x0] =	vst.idx.msk $0xffff, v5  }
0x554: {  	[tilespmem:v0+s19+$0x0] =	vst.idx.msk $0xffff, v32  }
0x555: {  	v38 =	vmov s30;
	v59 =	vld [tilespmem:$0x1FF40];
	[tilespmem:v55+s19+$0x0] =	vst.idx.msk $0xffff, v43  }
0x556: {  	v6 =	vshrl.u32 v38, $0x3;
	v61 =	vmov s29;
	v5 =	vld [tilespmem:$0x1FAC0]  }
0x557: {  	v6 =	vshll.u32 v6, v17;
	v4 =	vshrl.u32 v61, $0x3  }
0x558: {  	v6 =	vbroadcast v6, $0x0;
	v62 =	vshll.u32 v4, v17;
	v8 =	vld [tilespmem:s28+$0xFFFFFFB0]  }
0x559: {  	v60 =	vld [tilespmem:s25+$0xFFFFFFB0];
	v0 =	vbroadcast v62, $0x0  }
0x55a: {  	v63 =	vld [tilespmem:s25+$0x1C0];
	v12 =	vadd.s32 v59, v6  }
0x55b: {  	v13 =	vld [tilespmem:s28+$0x1C0];
	v14 =	vadd.s32 v59, v0;
	_ =	sdelay $0x1  }
0x55c: {  	[tilespmem:v3+s19+$0x0] =	vst.idx.msk $0xffff, v8  }
0x55d: {  	[tilespmem:v5+s19+$0x0] =	vst.idx.msk $0xffff, v60  }
0x55e: {  	[tilespmem:v12+s19+$0x0] =	vst.idx.msk $0xffff, v63  }
0x55f: {  	v56 =	vld [tilespmem:$0x1FF50];
	[tilespmem:v14+s19+$0x0] =	vst.idx.msk $0xffff, v13  }
0x560: {  	v5 =	vld [tilespmem:$0x1FAD0];
	_ =	sdelay $0x1  }
0x561: {  	v8 =	vld [tilespmem:s28+$0xFFFFFFC0]  }
0x562: {  	v32 =	vld [tilespmem:s25+$0xFFFFFFC0]  }
0x563: {  	v4 =	vld [tilespmem:s25+$0x1D0];
	v38 =	vadd.s32 v56, v6  }
0x564: {  	v43 =	vld [tilespmem:s28+$0x1D0];
	v60 =	vadd.s32 v56, v0;
	_ =	sdelay $0x1  }
0x565: {  	[tilespmem:v2+s19+$0x0] =	vst.idx.msk $0xffff, v8  }
0x566: {  	[tilespmem:v5+s19+$0x0] =	vst.idx.msk $0xffff, v32  }
0x567: {  	[tilespmem:v38+s19+$0x0] =	vst.idx.msk $0xffff, v4  }
0x568: {  	v55 =	vld [tilespmem:$0x1FF60];
	[tilespmem:v60+s19+$0x0] =	vst.idx.msk $0xffff, v43  }
0x569: {  	v5 =	vld [tilespmem:$0x1FAE0]  }
0x56a: {  	v62 =	vld [tilespmem:s28+$0xFFFFFFD0];
	_ =	sdelay $0x1  }
0x56b: {  	v61 =	vld [tilespmem:s25+$0xFFFFFFD0]  }
0x56c: {  	v4 =	vld [tilespmem:s25+$0x1E0];
	v63 =	vadd.s32 v55, v6;
	_ =	sdelay $0x1  }
0x56d: {  	[tilespmem:v1+s19+$0x0] =	vst.idx.msk $0xffff, v62  }
0x56e: {  	[tilespmem:v26+s19+$0x0] =	vst.idx.msk $0xffff, v25  }
0x56f: {  	[tilespmem:v5+s19+$0x0] =	vst.idx.msk $0xffff, v61  }
0x570: {  	[tilespmem:v63+s19+$0x0] =	vst.idx.msk $0xffff, v4  }
0x571: {  	v4 =	vld [tilespmem:$0x1FA70];
	_ =	sdelay $0x2  }
0x572: {  	v12 =	vld [tilespmem:s24+$0xFFFFFFE0]  }
0x573: {  	v13 =	vld [tilespmem:s28+$0x1E0];
	v14 =	vadd.s32 v55, v0;
	_ =	sdelay $0x3  }
0x574: {  	[tilespmem:v4+s19+$0x0] =	vst.idx.msk $0xffff, v12  }
0x575: {  	v38 =	vld [tilespmem:$0x1FED0];
	[tilespmem:v14+s19+$0x0] =	vst.idx.msk $0xffff, v13  }
0x576: {  	v5 =	vld [tilespmem:$0x1FAF0];
	_ =	sdelay $0x1  }
0x577: {  	v7 =	vld [tilespmem:s28+$0xFFFFFFE0]  }
0x578: {  	v32 =	vld [tilespmem:s25+$0xFFFFFFE0];
	_ =	sdelay $0x3  }
0x579: {  	[tilespmem:v23+s19+$0x0] =	vst.idx.msk $0xffff, v7  }
0x57a: {  	[tilespmem:v5+s19+$0x0] =	vst.idx.msk $0xffff, v32  }
0x57b: {  	v62 =	vld [tilespmem:$0x1FA50];
	_ =	sdelay $0x1  }
0x57c: {  	v43 =	vld [tilespmem:s25+$0x1F0];
	v53 =	vadd.s32 v38, v6  }
0x57d: {  	v7 =	vld [tilespmem:$0x1FA60];
	_ =	sdelay $0x3  }
0x57e: {  	[tilespmem:v53+s19+$0x0] =	vst.idx.msk $0xffff, v43  }
0x57f: {  	[tilespmem:v62+s19+$0x0] =	vst.idx.msk $0xffff, v7  }
0x580: {  	v3 =	vld [tilespmem:$0x1FA80];
	_ =	sdelay $0x1  }
0x581: {  	v61 =	vld [tilespmem:s28+$0x1F0];
	v0 =	vadd.s32 v38, v0  }
0x582: {  	v60 =	vld [tilespmem:s24+$0xFFFFFFF0];
	_ =	sdelay $0x3  }
0x583: {  	[tilespmem:v0+s19+$0x0] =	vst.idx.msk $0xffff, v61  }
0x584: {  	[tilespmem:v3+s19+$0x0] =	vst.idx.msk $0xffff, v60  }
0x585: {  	v0 =	vld [tilespmem:$0x1FB00];
	_ =	sdelay $0x1  }
0x586: {  	v63 =	vld [tilespmem:s28+$0xFFFFFFF0]  }
0x587: {  	v5 =	vld [tilespmem:s25+$0xFFFFFFF0];
	_ =	sdelay $0x3  }
0x588: {  	[tilespmem:v21+s19+$0x0] =	vst.idx.msk $0xffff, v63  }
0x589: {  	s8 =	simm.s32 $0x12A00;
	s1 =	sadd.s32 s23, s7;
	[tilespmem:v0+s19+$0x0] =	vst.idx.msk $0xffff, v5  }
0x58a: {  	[hbm4b:s1+s3] =	stream.linear.scatter [tilespmem:s8], [sflag:$0x4], $0x80, $0x38;
	[tilespmem:$0x14C00] =	vst v63  }
0x58b: {  	s9 =	simm.s32 $0x12A88;
	s5 =	sadd.s32 $0x10, s1  }
0x58c: {  	[hbm4b:s5+s3] =	stream.linear.scatter [tilespmem:s9], [sflag:$0x4], $0x80, $0x38;
	[tilespmem:$0x14C00] =	vst v63  }
0x58d: {  	s13 =	simm.s32 $0x12B10;
	s0 =	simm.s32 $0x440;
	s20 =	sadd.s32 $0x20, s1  }
0x58e: {  	[hbm4b:s20+s3] =	stream.linear.scatter [tilespmem:s13], [sflag:$0x4], $0x80, $0x38;
	[tilespmem:$0x14C00] =	vst v63  }
0x58f: {  	s23 =	simm.s32 $0x12B98;
	s26 =	sadd.s32 $0x40, s1;
	s24 =	sadd.s32 $0x30, s1  }
0x590: {  	[hbm4b:s24+s3] =	stream.linear.scatter [tilespmem:s23], [sflag:$0x4], $0x80, $0x38;
	[tilespmem:$0x14C00] =	vst v63  }
0x591: {  	s31 =	sadd.s32 $0x60, s1;
	s30 =	simm.s32 $0x12D30;
	s25 =	simm.s32 $0x12C20  }
0x592: {  	[hbm4b:s26+s3] =	stream.linear.scatter [tilespmem:s25], [sflag:$0x4], $0x80, $0x38;
	[tilespmem:$0x14C00] =	vst v63  }
0x593: {  	s29 =	sadd.s32 $0x50, s1;
	s28 =	simm.s32 $0x12CA8;
	s8 =	simm.s32 $0x12DB8  }
0x594: {  	[hbm4b:s29+s3] =	stream.linear.scatter [tilespmem:s28], [sflag:$0x4], $0x80, $0x38;
	[tilespmem:$0x14C00] =	vst v63  }
0x595: {  	s5 =	simm.s32 $0x2200;
	s13 =	sadd.s32 $0x70, s1;
	s1 =	sadd.s32 $0x1000, s1  }
0x596: {  	v26 =	vmovc v33;
	v23 =	vmovc v44;
	v62 =	vmov v41;
	v63 =	vmov v37;
	v37 =	vmov v59;
	[hbm4b:s31+s3] =	stream.linear.scatter [tilespmem:s30], [sflag:$0x4], $0x80, $0x38;
	[tilespmem:$0x14C00] =	vst v63  }
.LBB2_15:
0x597: {  	[hbm4b:s13+s3] =	stream.linear.scatter [tilespmem:s8], [sflag:$0x4], $0x80, $0x38;
	[tilespmem:$0x14C00] =	vst v63  }
0x598: {  	s8 =	smov.u32 s0;
	s0 =	smov.u32 s5  }
0x599: {  	s9 =	sadd.s32 $0x1100, s5;
	s0 =	sshra.s32 s0, $0x2;
	s13 =	sadd.s32 $0x12A00, s8  }
0x59a: {  	[hbm4b:s1+s3] =	stream.linear.scatter [tilespmem:s13], [sflag:$0x4], $0x80, $0x38;
	[tilespmem:$0x14C00] =	vst v63  }
0x59b: {  	p0 =	sne.s32 s5, $0x7700;
	s5 =	sadd.s32 $0x12A88, s8;
	s13 =	sadd.s32 $0x10, s1  }
0x59c: {  	[hbm4b:s13+s3] =	stream.linear.scatter [tilespmem:s5], [sflag:$0x4], $0x80, $0x38;
	[tilespmem:$0x14C00] =	vst v63  }
0x59d: {  	s5 =	sadd.s32 $0x12B10, s8;
	s13 =	sadd.s32 $0x20, s1  }
0x59e: {  	[hbm4b:s13+s3] =	stream.linear.scatter [tilespmem:s5], [sflag:$0x4], $0x80, $0x38;
	[tilespmem:$0x14C00] =	vst v63  }
0x59f: {  	s5 =	sadd.s32 $0x12B98, s8;
	s13 =	sadd.s32 $0x30, s1  }
0x5a0: {  	[hbm4b:s13+s3] =	stream.linear.scatter [tilespmem:s5], [sflag:$0x4], $0x80, $0x38;
	[tilespmem:$0x14C00] =	vst v63  }
0x5a1: {  	s5 =	sadd.s32 $0x12C20, s8;
	s13 =	sadd.s32 $0x40, s1  }
0x5a2: {  	[hbm4b:s13+s3] =	stream.linear.scatter [tilespmem:s5], [sflag:$0x4], $0x80, $0x38;
	[tilespmem:$0x14C00] =	vst v63  }
.Ltmp9:
0x5a3: {  	s5 =	sadd.s32 $0x12CA8, s8;
	s13 =	sadd.s32 $0x50, s1;
	(pc) =	sbr.rel @p0 .LBB2_15-.Ltmp9, $4  }
0x5a4: {  	[hbm4b:s13+s3] =	stream.linear.scatter [tilespmem:s5], [sflag:$0x4], $0x80, $0x38;
	[tilespmem:$0x14C00] =	vst v63  }
0x5a5: {  	s5 =	sadd.s32 $0x12D30, s8;
	s13 =	sadd.s32 $0x60, s1;
	s8 =	sadd.s32 $0x12DB8, s8  }
0x5a6: {  	[hbm4b:s13+s3] =	stream.linear.scatter [tilespmem:s5], [sflag:$0x4], $0x80, $0x38;
	[tilespmem:$0x14C00] =	vst v63  }
0x5a7: {  	s13 =	sadd.s32 $0x70, s1;
	s1 =	sadd.s32 $0x1000, s1;
	s5 =	smov.u32 s9  }
0x5a8: {  	[hbm4b:s13+s3] =	stream.linear.scatter [tilespmem:s8], [sflag:$0x4], $0x80, $0x38;
	[tilespmem:$0x14C00] =	vst v63  }
0x5a9: {  	s5 =	sadd.s32 $0x12A00, s0  }
0x5aa: {  	v6 =	vld [tilespmem:$0x1FD10];
	[hbm4b:s1+s3] =	stream.linear.scatter [tilespmem:s5], [sflag:$0x4], $0x80, $0x38  }
0x5ab: {  	s30 =	sadd.s32 $0x12A88, s0;
	s31 =	sadd.s32 $0x10, s1;
	v7 =	vld [tilespmem:$0x1FD20]  }
0x5ac: {  	v8 =	vld [tilespmem:$0x1FD30];
	[hbm4b:s31+s3] =	stream.linear.scatter [tilespmem:s30], [sflag:$0x4], $0x80, $0x38  }
0x5ad: {  	s8 =	sadd.s32 $0x12B10, s0;
	s9 =	sadd.s32 $0x20, s1;
	v9 =	vld [tilespmem:$0x1FD40]  }
0x5ae: {  	v10 =	vld [tilespmem:$0x1FD50];
	[hbm4b:s9+s3] =	stream.linear.scatter [tilespmem:s8], [sflag:$0x4], $0x80, $0x38  }
0x5af: {  	s13 =	sadd.s32 $0x12B98, s0;
	s20 =	sadd.s32 $0x30, s1;
	v11 =	vld [tilespmem:$0x1FD60]  }
0x5b0: {  	v12 =	vld [tilespmem:$0x1FD70];
	[hbm4b:s20+s3] =	stream.linear.scatter [tilespmem:s13], [sflag:$0x4], $0x80, $0x38  }
0x5b1: {  	s23 =	sadd.s32 $0x12C20, s0;
	s24 =	sadd.s32 $0x40, s1;
	v13 =	vld [tilespmem:$0x1FD80]  }
0x5b2: {  	v14 =	vld [tilespmem:$0x1FD90];
	[hbm4b:s24+s3] =	stream.linear.scatter [tilespmem:s23], [sflag:$0x4], $0x80, $0x38  }
0x5b3: {  	s25 =	sadd.s32 $0x12CA8, s0;
	s26 =	sadd.s32 $0x50, s1;
	p0 =	seq.s32 s22, $0x63;
	v15 =	vld [tilespmem:$0x1FDA0]  }
0x5b4: {  	v16 =	vld [tilespmem:$0x1FDB0];
	[hbm4b:s26+s3] =	stream.linear.scatter [tilespmem:s25], [sflag:$0x4], $0x80, $0x38  }
.Ltmp10:
0x5b5: {  	v21 =	vld [tilespmem:$0x1FE00];
	(pc) =	sbr.rel @p0 .LBB2_18-.Ltmp10, $4  }
0x5b6: {  	s28 =	sadd.s32 $0x12D30, s0;
	s29 =	sadd.s32 $0x60, s1;
	v18 =	vld [tilespmem:$0x1FDC0]  }
0x5b7: {  	v19 =	vld [tilespmem:$0x1FDD0];
	[hbm4b:s29+s3] =	stream.linear.scatter [tilespmem:s28], [sflag:$0x4], $0x80, $0x38  }
0x5b8: {  	v20 =	vld [tilespmem:$0x1FDF0];
	s30 =	sadd.s32 $0x12DB8, s0;
	s31 =	sadd.s32 $0x70, s1  }
0x5b9: {  	v5 =	vlaneseq.u32;
	v43 =	vld [tilespmem:$0x1FE90];
	[hbm4b:s31+s3] =	stream.linear.scatter [tilespmem:s30], [sflag:$0x4], $0x80, $0x38  }
.Ltmp11:
0x5ba: {  	(pc) =	sbr.rel .LBB2_4-.Ltmp11, $4  }
0x5bb: {  	s0 =	sshll.u32 s22, $0x8  }
0x5bc: {  	s0 =	sand.u32 $0x3FFFFF00, s0  }
0x5bd: {  	s22 =	sadd.s32 $0x1, s22;
	s0 =	sadd.s32 $0x6580, s0  }
0x5be: {  	[tilespmem:s14], [sflag:$0x2] =	stream.indirect.gather [hbm4b:s4+s11], $0x40, s0, s11, $0xb8;
	[tilespmem:$0x14C00] =	vst v63  }
.LBB2_19:
0x5bf: {  	_ =	sfence.sel $0x180000  }
0x5c0: {  	[bflag:$0x0] =	sbarrier.arrive $0xFFFF  }
0x5c1: {  	_ =	strace $0x90000047  }
0x5c2: {  	s0 =	stileid.u32;
	[bflag:$0x2] =	sbarrier.arrive $0xFFFF  }
0x5c3: {  	p0 =	sne.s32 s0, $0x0;
	s0 =	rddreg [dreg:$0x2]  }
0x5c4: {  	s0 =	sadd.s32 @!p0 $0x100000, s0  }
0x5c5: {  	[sflag:s0] =	ssyncadd.tile.s32 @!p0 $0x1;
	_ =	shalt  }
.Lfunc_end2:
_tile_overlayer_lowered:
.L_overlay_start_2:
0x5c6: {  	(tag) =	ssettag $0x2  }
0x5c7: {  	s0 =	rddreg [dreg:$0x0];
	s2 =	stileid.u32  }
0x5c8: {  	s1 =	rddreg [dreg:$0x1];
	p0 =	sne.s32 s2, $0x0  }
0x5c9: {  	s3 =	rddreg [dreg:$0x2];
	[bflag:$0x3] =	sbarrier.arrive $0xFFFF;
	s2 =	simm.s32 @!p0 $0x1C05  }
0x5ca: {  	[timem:s3], [sflag:s2] =	dma.local @!p0 [hbm:s0], s1  }
0x5cb: {  	s0 =	simm.s32 @!p0 $0x5  }
0x5cc: {  	_ =	swait.ge @!p0 [sflag:s0], s1  }
0x5cd: {  	s1 =	ssub.s32 @!p0 $0x0, s1;
	[sflag:s0] =	ssyncset.done @!p0 $0x0  }
0x5ce: {  	[sflag:s0] =	ssyncadd.s32 @!p0 s1  }
0x5cf: {  	[bflag:$0x3] =	sbarrier.arrive $0xFFFF  }
0x5d0: {  	_ =	shalt  }

</sc_bundles>
